<compile_context>
chip_gen: v7x
topology: tpu7x:2x2x1
jax: 0.10.2.dev20260603
libtpu: 0.0.44.dev20260713+nightly
codegen_flags: <defaults>
</compile_context>

<pallas_src>
import functools

import jax
import jax.numpy as jnp
from jax import lax
from jax.experimental import pallas as pl
from jax.experimental.pallas import tpu as pltpu
from jax.experimental.pallas import tpu_sc as plsc

_N = 10000
_E = 320000
_D = 128
_G = 64
_C = 10

_NPAD = 10240
_NW = 32
_EPT = _E // _NW
_CH = 80
_NCH = _EPT // _CH
_RPT = _NPAD // 16



def _sc_mesh():
    return plsc.VectorSubcoreMesh(core_axis_name="c", subcore_axis_name="s")


@functools.partial(
    pl.kernel,
    out_type=jax.ShapeDtypeStruct((2, _NPAD), jnp.float32),
    mesh=_sc_mesh(),
    scratch_types=[
        pltpu.VMEM((_NCH, _CH), jnp.int32),
        pltpu.VMEM((_CH,), jnp.float32),
        pltpu.VMEM((_RPT,), jnp.float32),
        pltpu.VMEM_SHARED((_NPAD,), jnp.float32),
    ],
)
def _deg_kernel(dst_hbm, out_hbm, dst_v, ones_v, tmp_v, acc_sh):
    cid = lax.axis_index("c")
    sid = lax.axis_index("s")
    wid = cid * 16 + sid

    for j in range(_CH // 16):
        ones_v[pl.ds(j * 16, 16)] = jnp.ones((16,), jnp.float32)

    def _zero(i, _):
        tmp_v[pl.ds(i * 16, 16)] = jnp.zeros((16,), jnp.float32)
        return 0
    lax.fori_loop(0, _RPT // 16, _zero, 0)
    pltpu.sync_copy(tmp_v, acc_sh.at[pl.ds(sid * _RPT, _RPT)])
    plsc.subcore_barrier()

    pltpu.sync_copy(dst_hbm.at[wid], dst_v)

    def _body(c, _):
        pltpu.sync_copy(ones_v, acc_sh.at[dst_v.at[c]], add=True)
        return 0
    lax.fori_loop(0, _NCH, _body, 0)
    plsc.subcore_barrier()

    pltpu.sync_copy(acc_sh.at[pl.ds(sid * _RPT, _RPT)], tmp_v)
    pltpu.sync_copy(tmp_v, out_hbm.at[cid, pl.ds(sid * _RPT, _RPT)])


_CSZ = 100
_CN = _EPT // _CSZ


@functools.partial(
    pl.kernel,
    out_type=jax.ShapeDtypeStruct((2, _NPAD, _D), jnp.float32),
    mesh=_sc_mesh(),
    scratch_types=[
        pltpu.VMEM((_CN, _CSZ), jnp.int32),
        pltpu.VMEM((2, _CSZ), jnp.int32),
        pltpu.VMEM((_CSZ, _D), jnp.float32),
        pltpu.VMEM((_CSZ, _D), jnp.float32),
        pltpu.VMEM_SHARED((_NPAD, _D), jnp.float32),
        pltpu.SemaphoreType.DMA,
        pltpu.SemaphoreType.DMA,
        pltpu.SemaphoreType.DMA,
        pltpu.SemaphoreType.DMA,
    ],
)
def _mp_kernel(hs_hbm, src_hbm, dst_hbm, out_hbm, src_v, dstb, rows0, rows1,
               acc_sh, sem0, sem1, semd0, semd1):
    cid = lax.axis_index("c")
    sid = lax.axis_index("s")
    wid = cid * 16 + sid

    def _zrow(i, _):
        for j in range(_D // 16):
            rows0[i, pl.ds(j * 16, 16)] = jnp.zeros((16,), jnp.float32)
        return 0
    lax.fori_loop(0, _CH, _zrow, 0)

    def _zacc(k, _):
        pltpu.sync_copy(rows0.at[pl.ds(0, _CH)],
                        acc_sh.at[pl.ds(sid * _RPT + k * _CH, _CH)])
        return 0
    lax.fori_loop(0, _RPT // _CH, _zacc, 0)
    plsc.subcore_barrier()

    pltpu.sync_copy(src_hbm.at[wid], src_v)

    pltpu.async_copy(dst_hbm.at[wid, 0], dstb.at[0], semd0)
    pltpu.async_copy(hs_hbm.at[src_v.at[0]], rows0, sem0)

    def _body(c, _):
        @pl.when(c % 2 == 0)
        def _():
            @pl.when(c < _CN - 1)
            def _():
                pltpu.async_copy(dst_hbm.at[wid, c + 1], dstb.at[1], semd1)
                pltpu.async_copy(hs_hbm.at[src_v.at[c + 1]], rows1, sem1)
            pltpu.make_async_copy(hs_hbm.at[src_v.at[c]], rows0, sem0).wait()
            pltpu.make_async_copy(dst_hbm.at[wid, c], dstb.at[0], semd0).wait()
            pltpu.sync_copy(rows0, acc_sh.at[dstb.at[0]], add=True)

        @pl.when(c % 2 == 1)
        def _():
            @pl.when(c < _CN - 1)
            def _():
                pltpu.async_copy(dst_hbm.at[wid, c + 1], dstb.at[0], semd0)
                pltpu.async_copy(hs_hbm.at[src_v.at[c + 1]], rows0, sem0)
            pltpu.make_async_copy(hs_hbm.at[src_v.at[c]], rows1, sem1).wait()
            pltpu.make_async_copy(dst_hbm.at[wid, c], dstb.at[1], semd1).wait()
            pltpu.sync_copy(rows1, acc_sh.at[dstb.at[1]], add=True)
        return 0
    lax.fori_loop(0, _CN, _body, 0)
    plsc.subcore_barrier()

    def _out(k, _):
        pltpu.sync_copy(acc_sh.at[pl.ds(sid * _RPT + k * _CH, _CH)],
                        out_hbm.at[cid, pl.ds(sid * _RPT + k * _CH, _CH)])
        return 0
    lax.fori_loop(0, _RPT // _CH, _out, 0)



_BR = 256
_NB = _NPAD // _BR


def _tc1_body(x_ref, w_ref, dp_ref, hs_ref, dinv_ref):
    deg = dp_ref[0, :] + dp_ref[1, :] + 1.0
    dinv = lax.rsqrt(deg)
    hl = jnp.dot(x_ref[...], w_ref[...], preferred_element_type=jnp.float32)
    hs_ref[...] = hl * dinv[:, None]
    dinv_ref[...] = dinv


def _tc1(x_pad, W1, degp):
    return pl.pallas_call(
        _tc1_body,
        grid=(_NB,),
        in_specs=[
            pl.BlockSpec((_BR, _D), lambda i: (i, 0)),
            pl.BlockSpec((_D, _D), lambda i: (0, 0)),
            pl.BlockSpec((2, _BR), lambda i: (0, i)),
        ],
        out_specs=[
            pl.BlockSpec((_BR, _D), lambda i: (i, 0)),
            pl.BlockSpec((_BR,), lambda i: (i,)),
        ],
        out_shape=[
            jax.ShapeDtypeStruct((_NPAD, _D), jnp.float32),
            jax.ShapeDtypeStruct((_NPAD,), jnp.float32),
        ],
    )(x_pad, W1, degp)


def _tc2_body(p_ref, hs_ref, dinv_ref, b1_ref, g_ref, bb_ref, w2_ref, out_ref):
    dinv = dinv_ref[...]
    conv = (p_ref[0] + p_ref[1] + hs_ref[...]) * dinv[:, None] + b1_ref[...]
    h = jnp.maximum(conv, 0.0)
    mu = jnp.mean(h, axis=-1, keepdims=True)
    var = jnp.mean((h - mu) ** 2, axis=-1, keepdims=True)
    hn = (h - mu) / jnp.sqrt(var + 1e-5) * g_ref[...] + bb_ref[...]
    hl2 = jnp.dot(hn, w2_ref[...], preferred_element_type=jnp.float32)
    out_ref[...] = hl2 * dinv[:, None]


def _tc2(p, hs1, dinv, b1, ln_g, ln_b, W2):
    return pl.pallas_call(
        _tc2_body,
        grid=(_NB,),
        in_specs=[
            pl.BlockSpec((2, _BR, _D), lambda i: (0, i, 0)),
            pl.BlockSpec((_BR, _D), lambda i: (i, 0)),
            pl.BlockSpec((_BR,), lambda i: (i,)),
            pl.BlockSpec((_D,), lambda i: (0,)),
            pl.BlockSpec((_D,), lambda i: (0,)),
            pl.BlockSpec((_D,), lambda i: (0,)),
            pl.BlockSpec((_D, _D), lambda i: (0, 0)),
        ],
        out_specs=pl.BlockSpec((_BR, _D), lambda i: (i, 0)),
        out_shape=jax.ShapeDtypeStruct((_NPAD, _D), jnp.float32),
    )(p, hs1, dinv, b1, ln_g, ln_b, W2)


def _tc3_body(p_ref, hs_ref, dinv_ref, b2_ref, batch_ref, w3_ref, b3_ref,
              w4_ref, b4_ref, emb_ref, ls_ref, pool_acc):
    i = pl.program_id(0)
    dinv = dinv_ref[...]
    emb = (p_ref[0] + p_ref[1] + hs_ref[...]) * dinv[:, None] + b2_ref[...]
    emb_ref[...] = emb
    hr = jnp.maximum(emb, 0.0)
    b = batch_ref[...]
    onehot = (b[None, :] == lax.broadcasted_iota(jnp.int32, (_G, _BR), 0)
              ).astype(jnp.float32)
    contrib = jnp.dot(onehot, hr, preferred_element_type=jnp.float32)

    @pl.when(i == 0)
    def _():
        pool_acc[...] = contrib

    @pl.when(i > 0)
    def _():
        pool_acc[...] = pool_acc[...] + contrib

    @pl.when(i == _NB - 1)
    def _():
        z = jnp.dot(pool_acc[...], w3_ref[...],
                    preferred_element_type=jnp.float32) + b3_ref[...]
        z = jnp.dot(z, w4_ref[...],
                    preferred_element_type=jnp.float32) + b4_ref[...]
        m = jnp.max(z, axis=-1, keepdims=True)
        ls_ref[...] = (z - m) - jnp.log(
            jnp.sum(jnp.exp(z - m), axis=-1, keepdims=True))


def _tc3(p, hs2, dinv, b2, batch_pad, W3, b3, W4, b4):
    return pl.pallas_call(
        _tc3_body,
        grid=(_NB,),
        in_specs=[
            pl.BlockSpec((2, _BR, _D), lambda i: (0, i, 0)),
            pl.BlockSpec((_BR, _D), lambda i: (i, 0)),
            pl.BlockSpec((_BR,), lambda i: (i,)),
            pl.BlockSpec((_D,), lambda i: (0,)),
            pl.BlockSpec((_BR,), lambda i: (i,)),
            pl.BlockSpec((_D, _D), lambda i: (0, 0)),
            pl.BlockSpec((_D,), lambda i: (0,)),
            pl.BlockSpec((_D, _C), lambda i: (0, 0)),
            pl.BlockSpec((_C,), lambda i: (0,)),
        ],
        out_specs=[
            pl.BlockSpec((_BR, _D), lambda i: (i, 0)),
            pl.BlockSpec((_G, _C), lambda i: (0, 0)),
        ],
        out_shape=[
            jax.ShapeDtypeStruct((_N, _D), jnp.float32),
            jax.ShapeDtypeStruct((_G, _C), jnp.float32),
        ],
        scratch_shapes=[pltpu.VMEM((_G, _D), jnp.float32)],
    )(p, hs2, dinv, b2, batch_pad, W3, b3, W4, b4)



def kernel(x, edge_index, batch, W1, b1, W2, b2, ln_g, ln_b, W3, b3, W4, b4):
    x_pad = jnp.pad(x, ((0, _NPAD - _N), (0, 0)))
    src = edge_index[0].reshape(_NW, _CN, _CSZ)
    dst = edge_index[1].reshape(_NW, _CN, _CSZ)
    deg_dst = edge_index[1].reshape(_NW, _NCH, _CH)
    batch_pad = jnp.pad(batch, (0, _NPAD - _N), constant_values=_G)

    degp = _deg_kernel(deg_dst)
    hs1, dinv = _tc1(x_pad, W1, degp)
    p1 = _mp_kernel(hs1, src, dst)
    hs2 = _tc2(p1, hs1, dinv, b1, ln_g, ln_b, W2)
    p2 = _mp_kernel(hs2, src, dst)
    emb, ls = _tc3(p2, hs2, dinv, b2, batch_pad, W3, b3, W4, b4)
    return emb, ls

# --- scband reference (transcript-rebuilt; emitter-appended) ---
"""Pipeline reference for scband-vision-gnn-13116830122267 (READ-ONLY COPY).

The authoritative reference and input builder live on the scoring server;
editing this copy changes nothing except your own understanding.
"""

import jax, jax.numpy as jnp
import numpy as np

N = 10000
E = 320000
D = 128
H = 128
C = 10
G = 64


def setup_inputs(seed: int = 0) -> dict:
    key = jax.random.key(seed)
    ks = jax.random.split(key, 16)
    x = jax.random.normal(ks[0], (N, D), dtype=jnp.float32)
    edge_index = jax.random.randint(ks[1], (2, E), 0, N, dtype=jnp.int32)
    batch = jnp.sort(jax.random.randint(ks[2], (N,), 0, G, dtype=jnp.int32))
    def glorot(k, shape):
        lim = np.sqrt(6.0 / (shape[0] + shape[1]))
        return jax.random.uniform(k, shape, jnp.float32, -lim, lim)
    W1 = glorot(ks[3], (D, H)); b1 = jnp.zeros((H,), jnp.float32)
    W2 = glorot(ks[4], (H, H)); b2 = jnp.zeros((H,), jnp.float32)
    ln_g = jnp.ones((H,), jnp.float32); ln_b = jnp.zeros((H,), jnp.float32)
    W3 = glorot(ks[5], (H, H)); b3 = jnp.zeros((H,), jnp.float32)
    W4 = glorot(ks[6], (H, C)); b4 = jnp.zeros((C,), jnp.float32)
    return {"x": x, "edge_index": edge_index, "batch": batch,
            "W1": W1, "b1": b1, "W2": W2, "b2": b2,
            "ln_g": ln_g, "ln_b": ln_b,
            "W3": W3, "b3": b3, "W4": W4, "b4": b4}


def _gcn_conv(x, edge_index, W, b):
    # GCNConv: sym-normalized adjacency with self-loops, linear first then propagate
    loop = jnp.arange(N, dtype=edge_index.dtype)
    src = jnp.concatenate([edge_index[0], loop])
    dst = jnp.concatenate([edge_index[1], loop])
    ones = jnp.ones(src.shape, jnp.float32)
    deg = jax.ops.segment_sum(ones, dst, num_segments=N)
    dinv = jnp.where(deg > 0, jax.lax.rsqrt(jnp.maximum(deg, 1e-12)), 0.0)
    norm = dinv[src] * dinv[dst]
    h = x @ W
    msg = norm[:, None] * jnp.take(h, src, axis=0)
    out = jax.ops.segment_sum(msg, dst, num_segments=N)
    return out + b


def _layernorm(h, g, b, eps=1e-5):
    mu = jnp.mean(h, axis=-1, keepdims=True)
    var = jnp.mean((h - mu) ** 2, axis=-1, keepdims=True)
    return (h - mu) / jnp.sqrt(var + eps) * g + b


def reference(x, edge_index, batch, W1, b1, W2, b2, ln_g, ln_b, W3, b3, W4, b4):
    # layer 0
    h = _gcn_conv(x, edge_index, W1, b1)
    h = jax.nn.relu(h)
    # dropout is identity in eval mode
    h = _layernorm(h, ln_g, ln_b)
    # layer 1
    h = _gcn_conv(h, edge_index, W2, b2)
    emb = h
    h = jax.nn.relu(h)
    # global_add_pool
    pooled = jax.ops.segment_sum(h, batch, num_segments=G)
    # post_mp: Linear -> Dropout(eval: identity) -> Linear
    z = pooled @ W3 + b3
    z = z @ W4 + b4
    return emb, jax.nn.log_softmax(z, axis=1)

if __name__ == "__main__":
    import jax
    _d = setup_inputs()
    print(jax.jit(kernel)(*tuple(_d.values())))

</pallas_src>

<mosaic_0001>
#map = affine_map<(d0, d1) -> (0, 0, 0)>
#map1 = affine_map<(d0, d1) -> (0, 0)>
module attributes {stable_mosaic.version = 14 : i64} {
  func.func @_deg_kernel(%arg0: i32, %arg1: i32, %arg2: memref<32x125x80xi32, #tpu.memory_space<hbm>>, %arg3: memref<2x10240xf32, #tpu.memory_space<hbm>>, %arg4: memref<125x80xi32, #tpu.memory_space<vmem>>, %arg5: memref<80xf32, #tpu.memory_space<vmem>>, %arg6: memref<640xf32, #tpu.memory_space<vmem>>, %arg7: memref<10240xf32, #tpu.memory_space<vmem_shared>>) attributes {dimension_semantics = [#tpu.dimension_semantics<core_parallel>, #tpu.dimension_semantics<subcore_parallel>], iteration_bounds = array<i64: 2, 16>, scalar_prefetch = 0 : i64, scratch_operands = 4 : i64, tpu.core_type = #tpu.core_type<sc_vector_subcore>, window_params = [{transform_indices = #map}, {transform_indices = #map1}]} {
    %mul3A = arith.constant 16 : i32
    %mul3A_0 = arith.muli %arg0, %mul3A : i32
    %add3A = arith.addi %mul3A_0, %arg1 : i32
    %broadcast_in_dim3A = arith.constant 1.000000e+00 : f32
    %broadcast_in_dim3A_1 = vector.broadcast %broadcast_in_dim3A : f32 to vector<16xf32>
    %swap3A = arith.constant 0 : index
    %swap3A_2 = tpu.vector_load %arg5[%swap3A] {strides = array<i32>} : memref<80xf32, #tpu.memory_space<vmem>>, vector<16xf32>,
    %swap3A_3 = vector.shape_cast %swap3A_2 : vector<16xf32> to vector<16xf32>
    %swap3A_4 = vector.shape_cast %broadcast_in_dim3A_1 : vector<16xf32> to vector<16xf32>
    tpu.vector_store %arg5[%swap3A], %swap3A_4 {strides = array<i32>} : memref<80xf32, #tpu.memory_space<vmem>>, vector<16xf32>,
    %broadcast_in_dim3A_5 = arith.constant 1.000000e+00 : f32
    %broadcast_in_dim3A_6 = vector.broadcast %broadcast_in_dim3A_5 : f32 to vector<16xf32>
    %swap3A_7 = arith.constant 16 : index
    %swap3A_8 = tpu.vector_load %arg5[%swap3A_7] {strides = array<i32>} : memref<80xf32, #tpu.memory_space<vmem>>, vector<16xf32>,
    %swap3A_9 = vector.shape_cast %swap3A_8 : vector<16xf32> to vector<16xf32>
    %swap3A_10 = vector.shape_cast %broadcast_in_dim3A_6 : vector<16xf32> to vector<16xf32>
    tpu.vector_store %arg5[%swap3A_7], %swap3A_10 {strides = array<i32>} : memref<80xf32, #tpu.memory_space<vmem>>, vector<16xf32>,
    %broadcast_in_dim3A_11 = arith.constant 1.000000e+00 : f32
    %broadcast_in_dim3A_12 = vector.broadcast %broadcast_in_dim3A_11 : f32 to vector<16xf32>
    %swap3A_13 = arith.constant 32 : index
    %swap3A_14 = tpu.vector_load %arg5[%swap3A_13] {strides = array<i32>} : memref<80xf32, #tpu.memory_space<vmem>>, vector<16xf32>,
    %swap3A_15 = vector.shape_cast %swap3A_14 : vector<16xf32> to vector<16xf32>
    %swap3A_16 = vector.shape_cast %broadcast_in_dim3A_12 : vector<16xf32> to vector<16xf32>
    tpu.vector_store %arg5[%swap3A_13], %swap3A_16 {strides = array<i32>} : memref<80xf32, #tpu.memory_space<vmem>>, vector<16xf32>,
    %broadcast_in_dim3A_17 = arith.constant 1.000000e+00 : f32
    %broadcast_in_dim3A_18 = vector.broadcast %broadcast_in_dim3A_17 : f32 to vector<16xf32>
    %swap3A_19 = arith.constant 48 : index
    %swap3A_20 = tpu.vector_load %arg5[%swap3A_19] {strides = array<i32>} : memref<80xf32, #tpu.memory_space<vmem>>, vector<16xf32>,
    %swap3A_21 = vector.shape_cast %swap3A_20 : vector<16xf32> to vector<16xf32>
    %swap3A_22 = vector.shape_cast %broadcast_in_dim3A_18 : vector<16xf32> to vector<16xf32>
    tpu.vector_store %arg5[%swap3A_19], %swap3A_22 {strides = array<i32>} : memref<80xf32, #tpu.memory_space<vmem>>, vector<16xf32>,
    %broadcast_in_dim3A_23 = arith.constant 1.000000e+00 : f32
    %broadcast_in_dim3A_24 = vector.broadcast %broadcast_in_dim3A_23 : f32 to vector<16xf32>
    %swap3A_25 = arith.constant 64 : index
    %swap3A_26 = tpu.vector_load %arg5[%swap3A_25] {strides = array<i32>} : memref<80xf32, #tpu.memory_space<vmem>>, vector<16xf32>,
    %swap3A_27 = vector.shape_cast %swap3A_26 : vector<16xf32> to vector<16xf32>
    %swap3A_28 = vector.shape_cast %broadcast_in_dim3A_24 : vector<16xf32> to vector<16xf32>
    tpu.vector_store %arg5[%swap3A_25], %swap3A_28 {strides = array<i32>} : memref<80xf32, #tpu.memory_space<vmem>>, vector<16xf32>,
    %scan3A = arith.constant 0 : i32
    %scan3A_29 = arith.constant 0 : i32
    %scan3A_30 = arith.constant 40 : i32
    %scan3A_31 = arith.addi %scan3A_29, %scan3A_30 : i32
    %scan3A_32 = arith.constant 1 : i32
    %scan3A_33 = scf.for %scan3A_49 = %scan3A_29 to %scan3A_31 step %scan3A_32 iter_args(%scan3A_50 = %scan3A) -> (i32)  : i32 {
      %broadcast_in_dim3A_51 = arith.constant 0.000000e+00 : f32
      %broadcast_in_dim3A_52 = vector.broadcast %broadcast_in_dim3A_51 : f32 to vector<16xf32>
      %mul3A_53 = arith.constant 16 : i32
      %mul3A_54 = arith.muli %scan3A_49, %mul3A_53 : i32
      %swap3A_55 = arith.index_cast %mul3A_54 : i32 to index
      %swap3A_56 = tpu.vector_load %arg6[%swap3A_55] {strides = array<i32>} : memref<640xf32, #tpu.memory_space<vmem>>, vector<16xf32>,
      %swap3A_57 = vector.shape_cast %swap3A_56 : vector<16xf32> to vector<16xf32>
      %swap3A_58 = vector.shape_cast %broadcast_in_dim3A_52 : vector<16xf32> to vector<16xf32>
      tpu.vector_store %arg6[%swap3A_55], %swap3A_58 {strides = array<i32>} : memref<640xf32, #tpu.memory_space<vmem>>, vector<16xf32>,
      %scan3A_59 = arith.constant 0 : i32
      scf.yield %scan3A_59 : i32
    }
    %scan3A_34 = arith.constant 40 : i32
    %mul3A_35 = arith.constant 640 : i32
    %mul3A_36 = arith.muli %arg1, %mul3A_35 : i32
    "tpu.region"() ({
      %run_scoped3A = tpu.sem_alloc : memref<!tpu.dma_semaphore, #tpu.memory_space<semaphore_mem>>
      %dma_start3A = tpu.memref_slice %arg7[%mul3A_36] : memref<10240xf32, #tpu.memory_space<vmem_shared>> -> memref<640xf32, #tpu.memory_space<vmem_shared>>
      %dma_start3A_49 = tpu.memref_slice %arg7[%mul3A_36] : memref<10240xf32, #tpu.memory_space<vmem_shared>> -> memref<640xf32, #tpu.memory_space<vmem_shared>>
      tpu.enqueue_dma source(%arg6 : memref<640xf32, #tpu.memory_space<vmem>>) target(%dma_start3A_49 : memref<640xf32, #tpu.memory_space<vmem_shared>>) target_semaphore(%run_scoped3A : memref<!tpu.dma_semaphore, #tpu.memory_space<semaphore_mem>>)
      %dma_wait3A = tpu.memref_slice %arg7[%mul3A_36] : memref<10240xf32, #tpu.memory_space<vmem_shared>> -> memref<640xf32, #tpu.memory_space<vmem_shared>>
      %dma_wait3A_50 = tpu.memref_slice %arg7[%mul3A_36] : memref<10240xf32, #tpu.memory_space<vmem_shared>> -> memref<640xf32, #tpu.memory_space<vmem_shared>>
      tpu.wait_dma2 semaphore(%run_scoped3A : memref<!tpu.dma_semaphore, #tpu.memory_space<semaphore_mem>>) src(%arg6 : memref<640xf32, #tpu.memory_space<vmem>>) dst(%dma_wait3A_50 : memref<640xf32, #tpu.memory_space<vmem_shared>>)
      tpu.yield
    }) : () -> ()
    %barrier3A = arith.constant 0 : index
    tpu.barrier barrier_id(%barrier3A)
    "tpu.region"() ({
      %run_scoped3A = tpu.sem_alloc : memref<!tpu.dma_semaphore, #tpu.memory_space<semaphore_mem>>
      %dma_start3A = arith.constant 0 : i32
      %dma_start3A_49 = arith.constant 0 : i32
      %dma_start3A_50 = tpu.memref_slice %arg2[%add3A, %dma_start3A, %dma_start3A_49] : memref<32x125x80xi32, #tpu.memory_space<hbm>> -> memref<1x125x80xi32, #tpu.memory_space<hbm>>
      %dma_start3A_51 = tpu.memref_squeeze %dma_start3A_50 : memref<1x125x80xi32, #tpu.memory_space<hbm>> -> memref<125x80xi32, #tpu.memory_space<hbm>>
      %dma_start3A_52 = arith.constant 0 : i32
      %dma_start3A_53 = arith.constant 0 : i32
      %dma_start3A_54 = tpu.memref_slice %arg2[%add3A, %dma_start3A_52, %dma_start3A_53] : memref<32x125x80xi32, #tpu.memory_space<hbm>> -> memref<1x125x80xi32, #tpu.memory_space<hbm>>
      %dma_start3A_55 = tpu.memref_squeeze %dma_start3A_54 : memref<1x125x80xi32, #tpu.memory_space<hbm>> -> memref<125x80xi32, #tpu.memory_space<hbm>>
      tpu.enqueue_dma source(%dma_start3A_55 : memref<125x80xi32, #tpu.memory_space<hbm>>) target(%arg4 : memref<125x80xi32, #tpu.memory_space<vmem>>) target_semaphore(%run_scoped3A : memref<!tpu.dma_semaphore, #tpu.memory_space<semaphore_mem>>)
      %dma_wait3A = arith.constant 0 : i32
      %dma_wait3A_56 = arith.constant 0 : i32
      %dma_wait3A_57 = tpu.memref_slice %arg2[%add3A, %dma_wait3A, %dma_wait3A_56] : memref<32x125x80xi32, #tpu.memory_space<hbm>> -> memref<1x125x80xi32, #tpu.memory_space<hbm>>
      %dma_wait3A_58 = tpu.memref_squeeze %dma_wait3A_57 : memref<1x125x80xi32, #tpu.memory_space<hbm>> -> memref<125x80xi32, #tpu.memory_space<hbm>>
      %dma_wait3A_59 = arith.constant 0 : i32
      %dma_wait3A_60 = arith.constant 0 : i32
      %dma_wait3A_61 = tpu.memref_slice %arg2[%add3A, %dma_wait3A_59, %dma_wait3A_60] : memref<32x125x80xi32, #tpu.memory_space<hbm>> -> memref<1x125x80xi32, #tpu.memory_space<hbm>>
      %dma_wait3A_62 = tpu.memref_squeeze %dma_wait3A_61 : memref<1x125x80xi32, #tpu.memory_space<hbm>> -> memref<125x80xi32, #tpu.memory_space<hbm>>
      tpu.wait_dma2 semaphore(%run_scoped3A : memref<!tpu.dma_semaphore, #tpu.memory_space<semaphore_mem>>) src(%dma_wait3A_62 : memref<125x80xi32, #tpu.memory_space<hbm>>) dst(%arg4 : memref<125x80xi32, #tpu.memory_space<vmem>>)
      tpu.yield
    }) : () -> ()
    %scan3A_37 = arith.constant 0 : i32
    %scan3A_38 = arith.constant 0 : i32
    %scan3A_39 = arith.constant 125 : i32
    %scan3A_40 = arith.addi %scan3A_38, %scan3A_39 : i32
    %scan3A_41 = arith.constant 1 : i32
    %scan3A_42 = scf.for %scan3A_49 = %scan3A_38 to %scan3A_40 step %scan3A_41 iter_args(%scan3A_50 = %scan3A_37) -> (i32)  : i32 {
      "tpu.region"() ({
        %run_scoped3A = tpu.sem_alloc : memref<!tpu.dma_semaphore, #tpu.memory_space<semaphore_mem>>
        %dma_start3A = arith.constant 0 : i32
        %dma_start3A_52 = tpu.memref_slice %arg4[%scan3A_49, %dma_start3A] : memref<125x80xi32, #tpu.memory_space<vmem>> -> memref<1x80xi32, #tpu.memory_space<vmem>>
        %dma_start3A_53 = tpu.memref_squeeze %dma_start3A_52 : memref<1x80xi32, #tpu.memory_space<vmem>> -> memref<80xi32, #tpu.memory_space<vmem>>
        %dma_start3A_54 = arith.constant 0 : i32
        %dma_start3A_55 = tpu.memref_slice %arg7[%dma_start3A_54] : memref<10240xf32, #tpu.memory_space<vmem_shared>> -> memref<10240xf32, #tpu.memory_space<vmem_shared>>
        tpu.enqueue_indirect_dma source(%arg5 : memref<80xf32, #tpu.memory_space<vmem>>) target(%dma_start3A_55 : memref<10240xf32, #tpu.memory_space<vmem_shared>>) offsets(%dma_start3A_53 : memref<80xi32, #tpu.memory_space<vmem>>) semaphore(%run_scoped3A : memref<!tpu.dma_semaphore, #tpu.memory_space<semaphore_mem>>) {add = true}
        %dma_wait3A = arith.constant 0 : i32
        %dma_wait3A_56 = tpu.memref_slice %arg4[%scan3A_49, %dma_wait3A] : memref<125x80xi32, #tpu.memory_space<vmem>> -> memref<1x80xi32, #tpu.memory_space<vmem>>
        %dma_wait3A_57 = tpu.memref_squeeze %dma_wait3A_56 : memref<1x80xi32, #tpu.memory_space<vmem>> -> memref<80xi32, #tpu.memory_space<vmem>>
        %dma_wait3A_58 = arith.constant 0 : i32
        %dma_wait3A_59 = tpu.memref_slice %arg7[%dma_wait3A_58] : memref<10240xf32, #tpu.memory_space<vmem_shared>> -> memref<10240xf32, #tpu.memory_space<vmem_shared>>
        tpu.wait_indirect_dma semaphore(%run_scoped3A : memref<!tpu.dma_semaphore, #tpu.memory_space<semaphore_mem>>) src(%arg5 : memref<80xf32, #tpu.memory_space<vmem>>) dst(%dma_wait3A_59 : memref<10240xf32, #tpu.memory_space<vmem_shared>>)
        tpu.yield
      }) : () -> ()
      %scan3A_51 = arith.constant 0 : i32
      scf.yield %scan3A_51 : i32
    }
    %scan3A_43 = arith.constant 125 : i32
    %barrier3A_44 = arith.constant 0 : index
    tpu.barrier barrier_id(%barrier3A_44)
    %mul3A_45 = arith.constant 640 : i32
    %mul3A_46 = arith.muli %arg1, %mul3A_45 : i32
    "tpu.region"() ({
      %run_scoped3A = tpu.sem_alloc : memref<!tpu.dma_semaphore, #tpu.memory_space<semaphore_mem>>
      %dma_start3A = tpu.memref_slice %arg7[%mul3A_46] : memref<10240xf32, #tpu.memory_space<vmem_shared>> -> memref<640xf32, #tpu.memory_space<vmem_shared>>
      %dma_start3A_49 = tpu.memref_slice %arg7[%mul3A_46] : memref<10240xf32, #tpu.memory_space<vmem_shared>> -> memref<640xf32, #tpu.memory_space<vmem_shared>>
      tpu.enqueue_dma source(%dma_start3A_49 : memref<640xf32, #tpu.memory_space<vmem_shared>>) target(%arg6 : memref<640xf32, #tpu.memory_space<vmem>>) target_semaphore(%run_scoped3A : memref<!tpu.dma_semaphore, #tpu.memory_space<semaphore_mem>>)
      %dma_wait3A = tpu.memref_slice %arg7[%mul3A_46] : memref<10240xf32, #tpu.memory_space<vmem_shared>> -> memref<640xf32, #tpu.memory_space<vmem_shared>>
      %dma_wait3A_50 = tpu.memref_slice %arg7[%mul3A_46] : memref<10240xf32, #tpu.memory_space<vmem_shared>> -> memref<640xf32, #tpu.memory_space<vmem_shared>>
      tpu.wait_dma2 semaphore(%run_scoped3A : memref<!tpu.dma_semaphore, #tpu.memory_space<semaphore_mem>>) src(%dma_wait3A_50 : memref<640xf32, #tpu.memory_space<vmem_shared>>) dst(%arg6 : memref<640xf32, #tpu.memory_space<vmem>>)
      tpu.yield
    }) : () -> ()
    %mul3A_47 = arith.constant 640 : i32
    %mul3A_48 = arith.muli %arg1, %mul3A_47 : i32
    "tpu.region"() ({
      %run_scoped3A = tpu.sem_alloc : memref<!tpu.dma_semaphore, #tpu.memory_space<semaphore_mem>>
      %dma_start3A = tpu.memref_slice %arg3[%arg0, %mul3A_48] : memref<2x10240xf32, #tpu.memory_space<hbm>> -> memref<1x640xf32, #tpu.memory_space<hbm>>
      %dma_start3A_49 = tpu.memref_squeeze %dma_start3A : memref<1x640xf32, #tpu.memory_space<hbm>> -> memref<640xf32, #tpu.memory_space<hbm>>
      %dma_start3A_50 = tpu.memref_slice %arg3[%arg0, %mul3A_48] : memref<2x10240xf32, #tpu.memory_space<hbm>> -> memref<1x640xf32, #tpu.memory_space<hbm>>
      %dma_start3A_51 = tpu.memref_squeeze %dma_start3A_50 : memref<1x640xf32, #tpu.memory_space<hbm>> -> memref<640xf32, #tpu.memory_space<hbm>>
      tpu.enqueue_dma source(%arg6 : memref<640xf32, #tpu.memory_space<vmem>>) target(%dma_start3A_51 : memref<640xf32, #tpu.memory_space<hbm>>) target_semaphore(%run_scoped3A : memref<!tpu.dma_semaphore, #tpu.memory_space<semaphore_mem>>)
      %dma_wait3A = tpu.memref_slice %arg3[%arg0, %mul3A_48] : memref<2x10240xf32, #tpu.memory_space<hbm>> -> memref<1x640xf32, #tpu.memory_space<hbm>>
      %dma_wait3A_52 = tpu.memref_squeeze %dma_wait3A : memref<1x640xf32, #tpu.memory_space<hbm>> -> memref<640xf32, #tpu.memory_space<hbm>>
      %dma_wait3A_53 = tpu.memref_slice %arg3[%arg0, %mul3A_48] : memref<2x10240xf32, #tpu.memory_space<hbm>> -> memref<1x640xf32, #tpu.memory_space<hbm>>
      %dma_wait3A_54 = tpu.memref_squeeze %dma_wait3A_53 : memref<1x640xf32, #tpu.memory_space<hbm>> -> memref<640xf32, #tpu.memory_space<hbm>>
      tpu.wait_dma2 semaphore(%run_scoped3A : memref<!tpu.dma_semaphore, #tpu.memory_space<semaphore_mem>>) src(%arg6 : memref<640xf32, #tpu.memory_space<vmem>>) dst(%dma_wait3A_54 : memref<640xf32, #tpu.memory_space<hbm>>)
      tpu.yield
    }) : () -> ()
    return
  }
}

#map = affine_map<(d0, d1) -> (0, 0)>
#map1 = affine_map<(d0, d1) -> (0, 0, 0)>
module attributes {stable_mosaic.version = 14 : i64} {
  func.func @_mp_kernel(%arg0: i32, %arg1: i32, %arg2: memref<10240x128xf32, #tpu.memory_space<hbm>>, %arg3: memref<32x100x100xi32, #tpu.memory_space<hbm>>, %arg4: memref<32x100x100xi32, #tpu.memory_space<hbm>>, %arg5: memref<2x10240x128xf32, #tpu.memory_space<hbm>>, %arg6: memref<100x100xi32, #tpu.memory_space<vmem>>, %arg7: memref<2x100xi32, #tpu.memory_space<vmem>>, %arg8: memref<100x128xf32, #tpu.memory_space<vmem>>, %arg9: memref<100x128xf32, #tpu.memory_space<vmem>>, %arg10: memref<10240x128xf32, #tpu.memory_space<vmem_shared>>, %arg11: memref<!tpu.dma_semaphore, #tpu.memory_space<semaphore_mem>>, %arg12: memref<!tpu.dma_semaphore, #tpu.memory_space<semaphore_mem>>, %arg13: memref<!tpu.dma_semaphore, #tpu.memory_space<semaphore_mem>>, %arg14: memref<!tpu.dma_semaphore, #tpu.memory_space<semaphore_mem>>) attributes {dimension_semantics = [#tpu.dimension_semantics<core_parallel>, #tpu.dimension_semantics<subcore_parallel>], iteration_bounds = array<i64: 2, 16>, scalar_prefetch = 0 : i64, scratch_operands = 9 : i64, tpu.core_type = #tpu.core_type<sc_vector_subcore>, window_params = [{transform_indices = #map}, {transform_indices = #map1}, {transform_indices = #map1}, {transform_indices = #map1}]} {
    %mul3A = arith.constant 16 : i32
    %mul3A_0 = arith.muli %arg0, %mul3A : i32
    %add3A = arith.addi %mul3A_0, %arg1 : i32
    %scan3A = arith.constant 0 : i32
    %scan3A_1 = arith.constant 0 : i32
    %scan3A_2 = arith.constant 80 : i32
    %scan3A_3 = arith.addi %scan3A_1, %scan3A_2 : i32
    %scan3A_4 = arith.constant 1 : i32
    %scan3A_5 = scf.for %scan3A_49 = %scan3A_1 to %scan3A_3 step %scan3A_4 iter_args(%scan3A_50 = %scan3A) -> (i32)  : i32 {
      %broadcast_in_dim3A = arith.constant 0.000000e+00 : f32
      %broadcast_in_dim3A_51 = vector.broadcast %broadcast_in_dim3A : f32 to vector<16xf32>
      %swap3A = arith.index_cast %scan3A_49 : i32 to index
      %swap3A_52 = arith.constant 0 : index
      %swap3A_53 = tpu.vector_load %arg8[%swap3A, %swap3A_52] {strides = array<i32>} : memref<100x128xf32, #tpu.memory_space<vmem>>, vector<1x16xf32>,
      %swap3A_54 = vector.shape_cast %swap3A_53 : vector<1x16xf32> to vector<16xf32>
      %swap3A_55 = vector.shape_cast %broadcast_in_dim3A_51 : vector<16xf32> to vector<1x16xf32>
      tpu.vector_store %arg8[%swap3A, %swap3A_52], %swap3A_55 {strides = array<i32>} : memref<100x128xf32, #tpu.memory_space<vmem>>, vector<1x16xf32>,
      %broadcast_in_dim3A_56 = arith.constant 0.000000e+00 : f32
      %broadcast_in_dim3A_57 = vector.broadcast %broadcast_in_dim3A_56 : f32 to vector<16xf32>
      %swap3A_58 = arith.index_cast %scan3A_49 : i32 to index
      %swap3A_59 = arith.constant 16 : index
      %swap3A_60 = tpu.vector_load %arg8[%swap3A_58, %swap3A_59] {strides = array<i32>} : memref<100x128xf32, #tpu.memory_space<vmem>>, vector<1x16xf32>,
      %swap3A_61 = vector.shape_cast %swap3A_60 : vector<1x16xf32> to vector<16xf32>
      %swap3A_62 = vector.shape_cast %broadcast_in_dim3A_57 : vector<16xf32> to vector<1x16xf32>
      tpu.vector_store %arg8[%swap3A_58, %swap3A_59], %swap3A_62 {strides = array<i32>} : memref<100x128xf32, #tpu.memory_space<vmem>>, vector<1x16xf32>,
      %broadcast_in_dim3A_63 = arith.constant 0.000000e+00 : f32
      %broadcast_in_dim3A_64 = vector.broadcast %broadcast_in_dim3A_63 : f32 to vector<16xf32>
      %swap3A_65 = arith.index_cast %scan3A_49 : i32 to index
      %swap3A_66 = arith.constant 32 : index
      %swap3A_67 = tpu.vector_load %arg8[%swap3A_65, %swap3A_66] {strides = array<i32>} : memref<100x128xf32, #tpu.memory_space<vmem>>, vector<1x16xf32>,
      %swap3A_68 = vector.shape_cast %swap3A_67 : vector<1x16xf32> to vector<16xf32>
      %swap3A_69 = vector.shape_cast %broadcast_in_dim3A_64 : vector<16xf32> to vector<1x16xf32>
      tpu.vector_store %arg8[%swap3A_65, %swap3A_66], %swap3A_69 {strides = array<i32>} : memref<100x128xf32, #tpu.memory_space<vmem>>, vector<1x16xf32>,
      %broadcast_in_dim3A_70 = arith.constant 0.000000e+00 : f32
      %broadcast_in_dim3A_71 = vector.broadcast %broadcast_in_dim3A_70 : f32 to vector<16xf32>
      %swap3A_72 = arith.index_cast %scan3A_49 : i32 to index
      %swap3A_73 = arith.constant 48 : index
      %swap3A_74 = tpu.vector_load %arg8[%swap3A_72, %swap3A_73] {strides = array<i32>} : memref<100x128xf32, #tpu.memory_space<vmem>>, vector<1x16xf32>,
      %swap3A_75 = vector.shape_cast %swap3A_74 : vector<1x16xf32> to vector<16xf32>
      %swap3A_76 = vector.shape_cast %broadcast_in_dim3A_71 : vector<16xf32> to vector<1x16xf32>
      tpu.vector_store %arg8[%swap3A_72, %swap3A_73], %swap3A_76 {strides = array<i32>} : memref<100x128xf32, #tpu.memory_space<vmem>>, vector<1x16xf32>,
      %broadcast_in_dim3A_77 = arith.constant 0.000000e+00 : f32
      %broadcast_in_dim3A_78 = vector.broadcast %broadcast_in_dim3A_77 : f32 to vector<16xf32>
      %swap3A_79 = arith.index_cast %scan3A_49 : i32 to index
      %swap3A_80 = arith.constant 64 : index
      %swap3A_81 = tpu.vector_load %arg8[%swap3A_79, %swap3A_80] {strides = array<i32>} : memref<100x128xf32, #tpu.memory_space<vmem>>, vector<1x16xf32>,
      %swap3A_82 = vector.shape_cast %swap3A_81 : vector<1x16xf32> to vector<16xf32>
      %swap3A_83 = vector.shape_cast %broadcast_in_dim3A_78 : vector<16xf32> to vector<1x16xf32>
      tpu.vector_store %arg8[%swap3A_79, %swap3A_80], %swap3A_83 {strides = array<i32>} : memref<100x128xf32, #tpu.memory_space<vmem>>, vector<1x16xf32>,
      %broadcast_in_dim3A_84 = arith.constant 0.000000e+00 : f32
      %broadcast_in_dim3A_85 = vector.broadcast %broadcast_in_dim3A_84 : f32 to vector<16xf32>
      %swap3A_86 = arith.index_cast %scan3A_49 : i32 to index
      %swap3A_87 = arith.constant 80 : index
      %swap3A_88 = tpu.vector_load %arg8[%swap3A_86, %swap3A_87] {strides = array<i32>} : memref<100x128xf32, #tpu.memory_space<vmem>>, vector<1x16xf32>,
      %swap3A_89 = vector.shape_cast %swap3A_88 : vector<1x16xf32> to vector<16xf32>
      %swap3A_90 = vector.shape_cast %broadcast_in_dim3A_85 : vector<16xf32> to vector<1x16xf32>
      tpu.vector_store %arg8[%swap3A_86, %swap3A_87], %swap3A_90 {strides = array<i32>} : memref<100x128xf32, #tpu.memory_space<vmem>>, vector<1x16xf32>,
      %broadcast_in_dim3A_91 = arith.constant 0.000000e+00 : f32
      %broadcast_in_dim3A_92 = vector.broadcast %broadcast_in_dim3A_91 : f32 to vector<16xf32>
      %swap3A_93 = arith.index_cast %scan3A_49 : i32 to index
      %swap3A_94 = arith.constant 96 : index
      %swap3A_95 = tpu.vector_load %arg8[%swap3A_93, %swap3A_94] {strides = array<i32>} : memref<100x128xf32, #tpu.memory_space<vmem>>, vector<1x16xf32>,
      %swap3A_96 = vector.shape_cast %swap3A_95 : vector<1x16xf32> to vector<16xf32>
      %swap3A_97 = vector.shape_cast %broadcast_in_dim3A_92 : vector<16xf32> to vector<1x16xf32>
      tpu.vector_store %arg8[%swap3A_93, %swap3A_94], %swap3A_97 {strides = array<i32>} : memref<100x128xf32, #tpu.memory_space<vmem>>, vector<1x16xf32>,
      %broadcast_in_dim3A_98 = arith.constant 0.000000e+00 : f32
      %broadcast_in_dim3A_99 = vector.broadcast %broadcast_in_dim3A_98 : f32 to vector<16xf32>
      %swap3A_100 = arith.index_cast %scan3A_49 : i32 to index
      %swap3A_101 = arith.constant 112 : index
      %swap3A_102 = tpu.vector_load %arg8[%swap3A_100, %swap3A_101] {strides = array<i32>} : memref<100x128xf32, #tpu.memory_space<vmem>>, vector<1x16xf32>,
      %swap3A_103 = vector.shape_cast %swap3A_102 : vector<1x16xf32> to vector<16xf32>
      %swap3A_104 = vector.shape_cast %broadcast_in_dim3A_99 : vector<16xf32> to vector<1x16xf32>
      tpu.vector_store %arg8[%swap3A_100, %swap3A_101], %swap3A_104 {strides = array<i32>} : memref<100x128xf32, #tpu.memory_space<vmem>>, vector<1x16xf32>,
      %scan3A_105 = arith.constant 0 : i32
      scf.yield %scan3A_105 : i32
    }
    %scan3A_6 = arith.constant 80 : i32
    %scan3A_7 = arith.constant 0 : i32
    %scan3A_8 = arith.constant 0 : i32
    %scan3A_9 = arith.constant 8 : i32
    %scan3A_10 = arith.addi %scan3A_8, %scan3A_9 : i32
    %scan3A_11 = arith.constant 1 : i32
    %scan3A_12 = scf.for %scan3A_49 = %scan3A_8 to %scan3A_10 step %scan3A_11 iter_args(%scan3A_50 = %scan3A_7) -> (i32)  : i32 {
      %mul3A_51 = arith.constant 640 : i32
      %mul3A_52 = arith.muli %arg1, %mul3A_51 : i32
      %mul3A_53 = arith.constant 80 : i32
      %mul3A_54 = arith.muli %scan3A_49, %mul3A_53 : i32
      %add3A_55 = arith.addi %mul3A_52, %mul3A_54 : i32
      "tpu.region"() ({
        %run_scoped3A = tpu.sem_alloc : memref<!tpu.dma_semaphore, #tpu.memory_space<semaphore_mem>>
        %dma_start3A_57 = arith.constant 0 : i32
        %dma_start3A_58 = arith.constant 0 : i32
        %dma_start3A_59 = tpu.memref_slice %arg8[%dma_start3A_57, %dma_start3A_58] : memref<100x128xf32, #tpu.memory_space<vmem>> -> memref<80x128xf32, #tpu.memory_space<vmem>>
        %dma_start3A_60 = arith.constant 0 : i32
        %dma_start3A_61 = tpu.memref_slice %arg10[%add3A_55, %dma_start3A_60] : memref<10240x128xf32, #tpu.memory_space<vmem_shared>> -> memref<80x128xf32, #tpu.memory_space<vmem_shared>>
        %dma_start3A_62 = arith.constant 0 : i32
        %dma_start3A_63 = tpu.memref_slice %arg10[%add3A_55, %dma_start3A_62] : memref<10240x128xf32, #tpu.memory_space<vmem_shared>> -> memref<80x128xf32, #tpu.memory_space<vmem_shared>>
        %dma_start3A_64 = arith.constant 0 : i32
        %dma_start3A_65 = arith.constant 0 : i32
        %dma_start3A_66 = tpu.memref_slice %arg8[%dma_start3A_64, %dma_start3A_65] : memref<100x128xf32, #tpu.memory_space<vmem>> -> memref<80x128xf32, #tpu.memory_space<vmem>>
        tpu.enqueue_dma source(%dma_start3A_66 : memref<80x128xf32, #tpu.memory_space<vmem>>) target(%dma_start3A_63 : memref<80x128xf32, #tpu.memory_space<vmem_shared>>) target_semaphore(%run_scoped3A : memref<!tpu.dma_semaphore, #tpu.memory_space<semaphore_mem>>)
        %dma_wait3A = arith.constant 0 : i32
        %dma_wait3A_67 = arith.constant 0 : i32
        %dma_wait3A_68 = tpu.memref_slice %arg8[%dma_wait3A, %dma_wait3A_67] : memref<100x128xf32, #tpu.memory_space<vmem>> -> memref<80x128xf32, #tpu.memory_space<vmem>>
        %dma_wait3A_69 = arith.constant 0 : i32
        %dma_wait3A_70 = tpu.memref_slice %arg10[%add3A_55, %dma_wait3A_69] : memref<10240x128xf32, #tpu.memory_space<vmem_shared>> -> memref<80x128xf32, #tpu.memory_space<vmem_shared>>
        %dma_wait3A_71 = arith.constant 0 : i32
        %dma_wait3A_72 = tpu.memref_slice %arg10[%add3A_55, %dma_wait3A_71] : memref<10240x128xf32, #tpu.memory_space<vmem_shared>> -> memref<80x128xf32, #tpu.memory_space<vmem_shared>>
        %dma_wait3A_73 = arith.constant 0 : i32
        %dma_wait3A_74 = arith.constant 0 : i32
        %dma_wait3A_75 = tpu.memref_slice %arg8[%dma_wait3A_73, %dma_wait3A_74] : memref<100x128xf32, #tpu.memory_space<vmem>> -> memref<80x128xf32, #tpu.memory_space<vmem>>
        tpu.wait_dma2 semaphore(%run_scoped3A : memref<!tpu.dma_semaphore, #tpu.memory_space<semaphore_mem>>) src(%dma_wait3A_75 : memref<80x128xf32, #tpu.memory_space<vmem>>) dst(%dma_wait3A_72 : memref<80x128xf32, #tpu.memory_space<vmem_shared>>)
        tpu.yield
      }) : () -> ()
      %scan3A_56 = arith.constant 0 : i32
      scf.yield %scan3A_56 : i32
    }
    %scan3A_13 = arith.constant 8 : i32
    %barrier3A = arith.constant 0 : index
    tpu.barrier barrier_id(%barrier3A)
    "tpu.region"() ({
      %run_scoped3A = tpu.sem_alloc : memref<!tpu.dma_semaphore, #tpu.memory_space<semaphore_mem>>
      %dma_start3A_49 = arith.constant 0 : i32
      %dma_start3A_50 = arith.constant 0 : i32
      %dma_start3A_51 = tpu.memref_slice %arg3[%add3A, %dma_start3A_49, %dma_start3A_50] : memref<32x100x100xi32, #tpu.memory_space<hbm>> -> memref<1x100x100xi32, #tpu.memory_space<hbm>>
      %dma_start3A_52 = tpu.memref_squeeze %dma_start3A_51 : memref<1x100x100xi32, #tpu.memory_space<hbm>> -> memref<100x100xi32, #tpu.memory_space<hbm>>
      %dma_start3A_53 = arith.constant 0 : i32
      %dma_start3A_54 = arith.constant 0 : i32
      %dma_start3A_55 = tpu.memref_slice %arg3[%add3A, %dma_start3A_53, %dma_start3A_54] : memref<32x100x100xi32, #tpu.memory_space<hbm>> -> memref<1x100x100xi32, #tpu.memory_space<hbm>>
      %dma_start3A_56 = tpu.memref_squeeze %dma_start3A_55 : memref<1x100x100xi32, #tpu.memory_space<hbm>> -> memref<100x100xi32, #tpu.memory_space<hbm>>
      tpu.enqueue_dma source(%dma_start3A_56 : memref<100x100xi32, #tpu.memory_space<hbm>>) target(%arg6 : memref<100x100xi32, #tpu.memory_space<vmem>>) target_semaphore(%run_scoped3A : memref<!tpu.dma_semaphore, #tpu.memory_space<semaphore_mem>>)
      %dma_wait3A = arith.constant 0 : i32
      %dma_wait3A_57 = arith.constant 0 : i32
      %dma_wait3A_58 = tpu.memref_slice %arg3[%add3A, %dma_wait3A, %dma_wait3A_57] : memref<32x100x100xi32, #tpu.memory_space<hbm>> -> memref<1x100x100xi32, #tpu.memory_space<hbm>>
      %dma_wait3A_59 = tpu.memref_squeeze %dma_wait3A_58 : memref<1x100x100xi32, #tpu.memory_space<hbm>> -> memref<100x100xi32, #tpu.memory_space<hbm>>
      %dma_wait3A_60 = arith.constant 0 : i32
      %dma_wait3A_61 = arith.constant 0 : i32
      %dma_wait3A_62 = tpu.memref_slice %arg3[%add3A, %dma_wait3A_60, %dma_wait3A_61] : memref<32x100x100xi32, #tpu.memory_space<hbm>> -> memref<1x100x100xi32, #tpu.memory_space<hbm>>
      %dma_wait3A_63 = tpu.memref_squeeze %dma_wait3A_62 : memref<1x100x100xi32, #tpu.memory_space<hbm>> -> memref<100x100xi32, #tpu.memory_space<hbm>>
      tpu.wait_dma2 semaphore(%run_scoped3A : memref<!tpu.dma_semaphore, #tpu.memory_space<semaphore_mem>>) src(%dma_wait3A_63 : memref<100x100xi32, #tpu.memory_space<hbm>>) dst(%arg6 : memref<100x100xi32, #tpu.memory_space<vmem>>)
      tpu.yield
    }) : () -> ()
    %dma_start3A = arith.constant 0 : i32
    %dma_start3A_14 = arith.constant 0 : i32
    %dma_start3A_15 = arith.constant 0 : i32
    %dma_start3A_16 = tpu.memref_slice %arg7[%dma_start3A_14, %dma_start3A_15] : memref<2x100xi32, #tpu.memory_space<vmem>> -> memref<1x100xi32, #tpu.memory_space<vmem>>
    %dma_start3A_17 = tpu.memref_squeeze %dma_start3A_16 : memref<1x100xi32, #tpu.memory_space<vmem>> -> memref<100xi32, #tpu.memory_space<vmem>>
    %dma_start3A_18 = arith.constant 0 : i32
    %dma_start3A_19 = tpu.memref_slice %arg4[%add3A, %dma_start3A, %dma_start3A_18] : memref<32x100x100xi32, #tpu.memory_space<hbm>> -> memref<1x1x100xi32, #tpu.memory_space<hbm>>
    %dma_start3A_20 = tpu.memref_squeeze %dma_start3A_19 : memref<1x1x100xi32, #tpu.memory_space<hbm>> -> memref<100xi32, #tpu.memory_space<hbm>>
    %dma_start3A_21 = arith.constant 0 : i32
    %dma_start3A_22 = tpu.memref_slice %arg7[%dma_start3A_14, %dma_start3A_21] : memref<2x100xi32, #tpu.memory_space<vmem>> -> memref<1x100xi32, #tpu.memory_space<vmem>>
    %dma_start3A_23 = tpu.memref_squeeze %dma_start3A_22 : memref<1x100xi32, #tpu.memory_space<vmem>> -> memref<100xi32, #tpu.memory_space<vmem>>
    %dma_start3A_24 = arith.constant 0 : i32
    %dma_start3A_25 = tpu.memref_slice %arg4[%add3A, %dma_start3A, %dma_start3A_24] : memref<32x100x100xi32, #tpu.memory_space<hbm>> -> memref<1x1x100xi32, #tpu.memory_space<hbm>>
    %dma_start3A_26 = tpu.memref_squeeze %dma_start3A_25 : memref<1x1x100xi32, #tpu.memory_space<hbm>> -> memref<100xi32, #tpu.memory_space<hbm>>
    tpu.enqueue_dma source(%dma_start3A_26 : memref<100xi32, #tpu.memory_space<hbm>>) target(%dma_start3A_23 : memref<100xi32, #tpu.memory_space<vmem>>) target_semaphore(%arg13 : memref<!tpu.dma_semaphore, #tpu.memory_space<semaphore_mem>>)
    %dma_start3A_27 = arith.constant 0 : i32
    %dma_start3A_28 = arith.constant 0 : i32
    %dma_start3A_29 = tpu.memref_slice %arg6[%dma_start3A_27, %dma_start3A_28] : memref<100x100xi32, #tpu.memory_space<vmem>> -> memref<1x100xi32, #tpu.memory_space<vmem>>
    %dma_start3A_30 = tpu.memref_squeeze %dma_start3A_29 : memref<1x100xi32, #tpu.memory_space<vmem>> -> memref<100xi32, #tpu.memory_space<vmem>>
    %dma_start3A_31 = arith.constant 0 : i32
    %dma_start3A_32 = arith.constant 0 : i32
    %dma_start3A_33 = tpu.memref_slice %arg2[%dma_start3A_31, %dma_start3A_32] : memref<10240x128xf32, #tpu.memory_space<hbm>> -> memref<10240x128xf32, #tpu.memory_space<hbm>>
    tpu.enqueue_indirect_dma source(%dma_start3A_33 : memref<10240x128xf32, #tpu.memory_space<hbm>>) target(%arg8 : memref<100x128xf32, #tpu.memory_space<vmem>>) offsets(%dma_start3A_30 : memref<100xi32, #tpu.memory_space<vmem>>) semaphore(%arg11 : memref<!tpu.dma_semaphore, #tpu.memory_space<semaphore_mem>>)
    %scan3A_34 = arith.constant 0 : i32
    %scan3A_35 = arith.constant 0 : i32
    %scan3A_36 = arith.constant 100 : i32
    %scan3A_37 = arith.addi %scan3A_35, %scan3A_36 : i32
    %scan3A_38 = arith.constant 1 : i32
    %scan3A_39 = scf.for %scan3A_49 = %scan3A_35 to %scan3A_37 step %scan3A_38 iter_args(%scan3A_50 = %scan3A_34) -> (i32)  : i32 {
      %jit3A = arith.constant 2 : i32
      %eq3A = arith.constant 0 : i32
      %eq3A_51 = arith.cmpi eq, %jit3A, %eq3A : i32
      %jit3A_52 = arith.constant 1 : i32
      %select_n3A = arith.select %eq3A_51, %jit3A_52, %jit3A : i32
      %rem3A = arith.remsi %scan3A_49, %select_n3A : i32
      %ne3A = arith.constant 0 : i32
      %ne3A_53 = arith.cmpi ne, %rem3A, %ne3A : i32
      %lt3A = arith.constant 0 : i32
      %lt3A_54 = arith.cmpi slt, %rem3A, %lt3A : i32
      %lt3A_55 = arith.constant 0 : i32
      %lt3A_56 = arith.cmpi slt, %select_n3A, %lt3A_55 : i32
      %ne3A_57 = arith.xori %lt3A_54, %lt3A_56 : i1
      %and3A = arith.andi %ne3A_57, %ne3A_53 : i1
      %add3A_58 = arith.addi %rem3A, %select_n3A : i32
      %select_n3A_59 = arith.select %and3A, %add3A_58, %rem3A : i32
      %eq3A_60 = arith.constant 0 : i32
      %eq3A_61 = arith.cmpi eq, %select_n3A_59, %eq3A_60 : i32
      %convert_element_type3A = arith.extui %eq3A_61 : i1 to i32
      %cond3A = arith.constant 0 : i32
      %cond3A_62 = arith.cmpi ne, %convert_element_type3A, %cond3A : i32
      scf.if %cond3A_62 {
        %lt3A_85 = arith.constant 99 : i32
        %lt3A_86 = arith.cmpi slt, %scan3A_49, %lt3A_85 : i32
        %convert_element_type3A_87 = arith.extui %lt3A_86 : i1 to i32
        %cond3A_88 = arith.constant 0 : i32
        %cond3A_89 = arith.cmpi ne, %convert_element_type3A_87, %cond3A_88 : i32
        scf.if %cond3A_89 {
          %add3A_108 = arith.constant 1 : i32
          %add3A_109 = arith.addi %scan3A_49, %add3A_108 : i32
          %dma_start3A_110 = arith.constant 1 : i32
          %dma_start3A_111 = arith.constant 0 : i32
          %dma_start3A_112 = tpu.memref_slice %arg7[%dma_start3A_110, %dma_start3A_111] : memref<2x100xi32, #tpu.memory_space<vmem>> -> memref<1x100xi32, #tpu.memory_space<vmem>>
          %dma_start3A_113 = tpu.memref_squeeze %dma_start3A_112 : memref<1x100xi32, #tpu.memory_space<vmem>> -> memref<100xi32, #tpu.memory_space<vmem>>
          %dma_start3A_114 = arith.constant 0 : i32
          %dma_start3A_115 = tpu.memref_slice %arg4[%add3A, %add3A_109, %dma_start3A_114] : memref<32x100x100xi32, #tpu.memory_space<hbm>> -> memref<1x1x100xi32, #tpu.memory_space<hbm>>
          %dma_start3A_116 = tpu.memref_squeeze %dma_start3A_115 : memref<1x1x100xi32, #tpu.memory_space<hbm>> -> memref<100xi32, #tpu.memory_space<hbm>>
          %dma_start3A_117 = arith.constant 0 : i32
          %dma_start3A_118 = tpu.memref_slice %arg7[%dma_start3A_110, %dma_start3A_117] : memref<2x100xi32, #tpu.memory_space<vmem>> -> memref<1x100xi32, #tpu.memory_space<vmem>>
          %dma_start3A_119 = tpu.memref_squeeze %dma_start3A_118 : memref<1x100xi32, #tpu.memory_space<vmem>> -> memref<100xi32, #tpu.memory_space<vmem>>
          %dma_start3A_120 = arith.constant 0 : i32
          %dma_start3A_121 = tpu.memref_slice %arg4[%add3A, %add3A_109, %dma_start3A_120] : memref<32x100x100xi32, #tpu.memory_space<hbm>> -> memref<1x1x100xi32, #tpu.memory_space<hbm>>
          %dma_start3A_122 = tpu.memref_squeeze %dma_start3A_121 : memref<1x1x100xi32, #tpu.memory_space<hbm>> -> memref<100xi32, #tpu.memory_space<hbm>>
          tpu.enqueue_dma source(%dma_start3A_122 : memref<100xi32, #tpu.memory_space<hbm>>) target(%dma_start3A_119 : memref<100xi32, #tpu.memory_space<vmem>>) target_semaphore(%arg14 : memref<!tpu.dma_semaphore, #tpu.memory_space<semaphore_mem>>)
          %add3A_123 = arith.constant 1 : i32
          %add3A_124 = arith.addi %scan3A_49, %add3A_123 : i32
          %dma_start3A_125 = arith.constant 0 : i32
          %dma_start3A_126 = tpu.memref_slice %arg6[%add3A_124, %dma_start3A_125] : memref<100x100xi32, #tpu.memory_space<vmem>> -> memref<1x100xi32, #tpu.memory_space<vmem>>
          %dma_start3A_127 = tpu.memref_squeeze %dma_start3A_126 : memref<1x100xi32, #tpu.memory_space<vmem>> -> memref<100xi32, #tpu.memory_space<vmem>>
          %dma_start3A_128 = arith.constant 0 : i32
          %dma_start3A_129 = arith.constant 0 : i32
          %dma_start3A_130 = tpu.memref_slice %arg2[%dma_start3A_128, %dma_start3A_129] : memref<10240x128xf32, #tpu.memory_space<hbm>> -> memref<10240x128xf32, #tpu.memory_space<hbm>>
          tpu.enqueue_indirect_dma source(%dma_start3A_130 : memref<10240x128xf32, #tpu.memory_space<hbm>>) target(%arg9 : memref<100x128xf32, #tpu.memory_space<vmem>>) offsets(%dma_start3A_127 : memref<100xi32, #tpu.memory_space<vmem>>) semaphore(%arg12 : memref<!tpu.dma_semaphore, #tpu.memory_space<semaphore_mem>>)
        } else {
        }
        %dma_wait3A = arith.constant 0 : i32
        %dma_wait3A_90 = tpu.memref_slice %arg6[%scan3A_49, %dma_wait3A] : memref<100x100xi32, #tpu.memory_space<vmem>> -> memref<1x100xi32, #tpu.memory_space<vmem>>
        %dma_wait3A_91 = tpu.memref_squeeze %dma_wait3A_90 : memref<1x100xi32, #tpu.memory_space<vmem>> -> memref<100xi32, #tpu.memory_space<vmem>>
        %dma_wait3A_92 = arith.constant 0 : i32
        %dma_wait3A_93 = arith.constant 0 : i32
        %dma_wait3A_94 = tpu.memref_slice %arg2[%dma_wait3A_92, %dma_wait3A_93] : memref<10240x128xf32, #tpu.memory_space<hbm>> -> memref<10240x128xf32, #tpu.memory_space<hbm>>
        tpu.wait_indirect_dma semaphore(%arg11 : memref<!tpu.dma_semaphore, #tpu.memory_space<semaphore_mem>>) src(%dma_wait3A_94 : memref<10240x128xf32, #tpu.memory_space<hbm>>) dst(%arg8 : memref<100x128xf32, #tpu.memory_space<vmem>>)
        %dma_wait3A_95 = arith.constant 0 : i32
        %dma_wait3A_96 = arith.constant 0 : i32
        %dma_wait3A_97 = tpu.memref_slice %arg7[%dma_wait3A_95, %dma_wait3A_96] : memref<2x100xi32, #tpu.memory_space<vmem>> -> memref<1x100xi32, #tpu.memory_space<vmem>>
        %dma_wait3A_98 = tpu.memref_squeeze %dma_wait3A_97 : memref<1x100xi32, #tpu.memory_space<vmem>> -> memref<100xi32, #tpu.memory_space<vmem>>
        %dma_wait3A_99 = arith.constant 0 : i32
        %dma_wait3A_100 = tpu.memref_slice %arg4[%add3A, %scan3A_49, %dma_wait3A_99] : memref<32x100x100xi32, #tpu.memory_space<hbm>> -> memref<1x1x100xi32, #tpu.memory_space<hbm>>
        %dma_wait3A_101 = tpu.memref_squeeze %dma_wait3A_100 : memref<1x1x100xi32, #tpu.memory_space<hbm>> -> memref<100xi32, #tpu.memory_space<hbm>>
        %dma_wait3A_102 = arith.constant 0 : i32
        %dma_wait3A_103 = tpu.memref_slice %arg7[%dma_wait3A_95, %dma_wait3A_102] : memref<2x100xi32, #tpu.memory_space<vmem>> -> memref<1x100xi32, #tpu.memory_space<vmem>>
        %dma_wait3A_104 = tpu.memref_squeeze %dma_wait3A_103 : memref<1x100xi32, #tpu.memory_space<vmem>> -> memref<100xi32, #tpu.memory_space<vmem>>
        %dma_wait3A_105 = arith.constant 0 : i32
        %dma_wait3A_106 = tpu.memref_slice %arg4[%add3A, %scan3A_49, %dma_wait3A_105] : memref<32x100x100xi32, #tpu.memory_space<hbm>> -> memref<1x1x100xi32, #tpu.memory_space<hbm>>
        %dma_wait3A_107 = tpu.memref_squeeze %dma_wait3A_106 : memref<1x1x100xi32, #tpu.memory_space<hbm>> -> memref<100xi32, #tpu.memory_space<hbm>>
        tpu.wait_dma2 semaphore(%arg13 : memref<!tpu.dma_semaphore, #tpu.memory_space<semaphore_mem>>) src(%dma_wait3A_107 : memref<100xi32, #tpu.memory_space<hbm>>) dst(%dma_wait3A_104 : memref<100xi32, #tpu.memory_space<vmem>>)
        %run_scoped3A = arith.constant 0 : i32
        "tpu.region"() ({
          %run_scoped3A_108 = tpu.sem_alloc : memref<!tpu.dma_semaphore, #tpu.memory_space<semaphore_mem>>
          %dma_start3A_109 = arith.constant 0 : i32
          %dma_start3A_110 = tpu.memref_slice %arg7[%run_scoped3A, %dma_start3A_109] : memref<2x100xi32, #tpu.memory_space<vmem>> -> memref<1x100xi32, #tpu.memory_space<vmem>>
          %dma_start3A_111 = tpu.memref_squeeze %dma_start3A_110 : memref<1x100xi32, #tpu.memory_space<vmem>> -> memref<100xi32, #tpu.memory_space<vmem>>
          %dma_start3A_112 = arith.constant 0 : i32
          %dma_start3A_113 = arith.constant 0 : i32
          %dma_start3A_114 = tpu.memref_slice %arg10[%dma_start3A_112, %dma_start3A_113] : memref<10240x128xf32, #tpu.memory_space<vmem_shared>> -> memref<10240x128xf32, #tpu.memory_space<vmem_shared>>
          tpu.enqueue_indirect_dma source(%arg8 : memref<100x128xf32, #tpu.memory_space<vmem>>) target(%dma_start3A_114 : memref<10240x128xf32, #tpu.memory_space<vmem_shared>>) offsets(%dma_start3A_111 : memref<100xi32, #tpu.memory_space<vmem>>) semaphore(%run_scoped3A_108 : memref<!tpu.dma_semaphore, #tpu.memory_space<semaphore_mem>>) {add = true}
          %dma_wait3A_115 = arith.constant 0 : i32
          %dma_wait3A_116 = tpu.memref_slice %arg7[%run_scoped3A, %dma_wait3A_115] : memref<2x100xi32, #tpu.memory_space<vmem>> -> memref<1x100xi32, #tpu.memory_space<vmem>>
          %dma_wait3A_117 = tpu.memref_squeeze %dma_wait3A_116 : memref<1x100xi32, #tpu.memory_space<vmem>> -> memref<100xi32, #tpu.memory_space<vmem>>
          %dma_wait3A_118 = arith.constant 0 : i32
          %dma_wait3A_119 = arith.constant 0 : i32
          %dma_wait3A_120 = tpu.memref_slice %arg10[%dma_wait3A_118, %dma_wait3A_119] : memref<10240x128xf32, #tpu.memory_space<vmem_shared>> -> memref<10240x128xf32, #tpu.memory_space<vmem_shared>>
          tpu.wait_indirect_dma semaphore(%run_scoped3A_108 : memref<!tpu.dma_semaphore, #tpu.memory_space<semaphore_mem>>) src(%arg8 : memref<100x128xf32, #tpu.memory_space<vmem>>) dst(%dma_wait3A_120 : memref<10240x128xf32, #tpu.memory_space<vmem_shared>>)
          tpu.yield
        }) : () -> ()
      } else {
      }
      %jit3A_63 = arith.constant 2 : i32
      %eq3A_64 = arith.constant 0 : i32
      %eq3A_65 = arith.cmpi eq, %jit3A_63, %eq3A_64 : i32
      %jit3A_66 = arith.constant 1 : i32
      %select_n3A_67 = arith.select %eq3A_65, %jit3A_66, %jit3A_63 : i32
      %rem3A_68 = arith.remsi %scan3A_49, %select_n3A_67 : i32
      %ne3A_69 = arith.constant 0 : i32
      %ne3A_70 = arith.cmpi ne, %rem3A_68, %ne3A_69 : i32
      %lt3A_71 = arith.constant 0 : i32
      %lt3A_72 = arith.cmpi slt, %rem3A_68, %lt3A_71 : i32
      %lt3A_73 = arith.constant 0 : i32
      %lt3A_74 = arith.cmpi slt, %select_n3A_67, %lt3A_73 : i32
      %ne3A_75 = arith.xori %lt3A_72, %lt3A_74 : i1
      %and3A_76 = arith.andi %ne3A_75, %ne3A_70 : i1
      %add3A_77 = arith.addi %rem3A_68, %select_n3A_67 : i32
      %select_n3A_78 = arith.select %and3A_76, %add3A_77, %rem3A_68 : i32
      %eq3A_79 = arith.constant 1 : i32
      %eq3A_80 = arith.cmpi eq, %select_n3A_78, %eq3A_79 : i32
      %convert_element_type3A_81 = arith.extui %eq3A_80 : i1 to i32
      %cond3A_82 = arith.constant 0 : i32
      %cond3A_83 = arith.cmpi ne, %convert_element_type3A_81, %cond3A_82 : i32
      scf.if %cond3A_83 {
        %lt3A_85 = arith.constant 99 : i32
        %lt3A_86 = arith.cmpi slt, %scan3A_49, %lt3A_85 : i32
        %convert_element_type3A_87 = arith.extui %lt3A_86 : i1 to i32
        %cond3A_88 = arith.constant 0 : i32
        %cond3A_89 = arith.cmpi ne, %convert_element_type3A_87, %cond3A_88 : i32
        scf.if %cond3A_89 {
          %add3A_108 = arith.constant 1 : i32
          %add3A_109 = arith.addi %scan3A_49, %add3A_108 : i32
          %dma_start3A_110 = arith.constant 0 : i32
          %dma_start3A_111 = arith.constant 0 : i32
          %dma_start3A_112 = tpu.memref_slice %arg7[%dma_start3A_110, %dma_start3A_111] : memref<2x100xi32, #tpu.memory_space<vmem>> -> memref<1x100xi32, #tpu.memory_space<vmem>>
          %dma_start3A_113 = tpu.memref_squeeze %dma_start3A_112 : memref<1x100xi32, #tpu.memory_space<vmem>> -> memref<100xi32, #tpu.memory_space<vmem>>
          %dma_start3A_114 = arith.constant 0 : i32
          %dma_start3A_115 = tpu.memref_slice %arg4[%add3A, %add3A_109, %dma_start3A_114] : memref<32x100x100xi32, #tpu.memory_space<hbm>> -> memref<1x1x100xi32, #tpu.memory_space<hbm>>
          %dma_start3A_116 = tpu.memref_squeeze %dma_start3A_115 : memref<1x1x100xi32, #tpu.memory_space<hbm>> -> memref<100xi32, #tpu.memory_space<hbm>>
          %dma_start3A_117 = arith.constant 0 : i32
          %dma_start3A_118 = tpu.memref_slice %arg7[%dma_start3A_110, %dma_start3A_117] : memref<2x100xi32, #tpu.memory_space<vmem>> -> memref<1x100xi32, #tpu.memory_space<vmem>>
          %dma_start3A_119 = tpu.memref_squeeze %dma_start3A_118 : memref<1x100xi32, #tpu.memory_space<vmem>> -> memref<100xi32, #tpu.memory_space<vmem>>
          %dma_start3A_120 = arith.constant 0 : i32
          %dma_start3A_121 = tpu.memref_slice %arg4[%add3A, %add3A_109, %dma_start3A_120] : memref<32x100x100xi32, #tpu.memory_space<hbm>> -> memref<1x1x100xi32, #tpu.memory_space<hbm>>
          %dma_start3A_122 = tpu.memref_squeeze %dma_start3A_121 : memref<1x1x100xi32, #tpu.memory_space<hbm>> -> memref<100xi32, #tpu.memory_space<hbm>>
          tpu.enqueue_dma source(%dma_start3A_122 : memref<100xi32, #tpu.memory_space<hbm>>) target(%dma_start3A_119 : memref<100xi32, #tpu.memory_space<vmem>>) target_semaphore(%arg13 : memref<!tpu.dma_semaphore, #tpu.memory_space<semaphore_mem>>)
          %add3A_123 = arith.constant 1 : i32
          %add3A_124 = arith.addi %scan3A_49, %add3A_123 : i32
          %dma_start3A_125 = arith.constant 0 : i32
          %dma_start3A_126 = tpu.memref_slice %arg6[%add3A_124, %dma_start3A_125] : memref<100x100xi32, #tpu.memory_space<vmem>> -> memref<1x100xi32, #tpu.memory_space<vmem>>
          %dma_start3A_127 = tpu.memref_squeeze %dma_start3A_126 : memref<1x100xi32, #tpu.memory_space<vmem>> -> memref<100xi32, #tpu.memory_space<vmem>>
          %dma_start3A_128 = arith.constant 0 : i32
          %dma_start3A_129 = arith.constant 0 : i32
          %dma_start3A_130 = tpu.memref_slice %arg2[%dma_start3A_128, %dma_start3A_129] : memref<10240x128xf32, #tpu.memory_space<hbm>> -> memref<10240x128xf32, #tpu.memory_space<hbm>>
          tpu.enqueue_indirect_dma source(%dma_start3A_130 : memref<10240x128xf32, #tpu.memory_space<hbm>>) target(%arg8 : memref<100x128xf32, #tpu.memory_space<vmem>>) offsets(%dma_start3A_127 : memref<100xi32, #tpu.memory_space<vmem>>) semaphore(%arg11 : memref<!tpu.dma_semaphore, #tpu.memory_space<semaphore_mem>>)
        } else {
        }
        %dma_wait3A = arith.constant 0 : i32
        %dma_wait3A_90 = tpu.memref_slice %arg6[%scan3A_49, %dma_wait3A] : memref<100x100xi32, #tpu.memory_space<vmem>> -> memref<1x100xi32, #tpu.memory_space<vmem>>
        %dma_wait3A_91 = tpu.memref_squeeze %dma_wait3A_90 : memref<1x100xi32, #tpu.memory_space<vmem>> -> memref<100xi32, #tpu.memory_space<vmem>>
        %dma_wait3A_92 = arith.constant 0 : i32
        %dma_wait3A_93 = arith.constant 0 : i32
        %dma_wait3A_94 = tpu.memref_slice %arg2[%dma_wait3A_92, %dma_wait3A_93] : memref<10240x128xf32, #tpu.memory_space<hbm>> -> memref<10240x128xf32, #tpu.memory_space<hbm>>
        tpu.wait_indirect_dma semaphore(%arg12 : memref<!tpu.dma_semaphore, #tpu.memory_space<semaphore_mem>>) src(%dma_wait3A_94 : memref<10240x128xf32, #tpu.memory_space<hbm>>) dst(%arg9 : memref<100x128xf32, #tpu.memory_space<vmem>>)
        %dma_wait3A_95 = arith.constant 1 : i32
        %dma_wait3A_96 = arith.constant 0 : i32
        %dma_wait3A_97 = tpu.memref_slice %arg7[%dma_wait3A_95, %dma_wait3A_96] : memref<2x100xi32, #tpu.memory_space<vmem>> -> memref<1x100xi32, #tpu.memory_space<vmem>>
        %dma_wait3A_98 = tpu.memref_squeeze %dma_wait3A_97 : memref<1x100xi32, #tpu.memory_space<vmem>> -> memref<100xi32, #tpu.memory_space<vmem>>
        %dma_wait3A_99 = arith.constant 0 : i32
        %dma_wait3A_100 = tpu.memref_slice %arg4[%add3A, %scan3A_49, %dma_wait3A_99] : memref<32x100x100xi32, #tpu.memory_space<hbm>> -> memref<1x1x100xi32, #tpu.memory_space<hbm>>
        %dma_wait3A_101 = tpu.memref_squeeze %dma_wait3A_100 : memref<1x1x100xi32, #tpu.memory_space<hbm>> -> memref<100xi32, #tpu.memory_space<hbm>>
        %dma_wait3A_102 = arith.constant 0 : i32
        %dma_wait3A_103 = tpu.memref_slice %arg7[%dma_wait3A_95, %dma_wait3A_102] : memref<2x100xi32, #tpu.memory_space<vmem>> -> memref<1x100xi32, #tpu.memory_space<vmem>>
        %dma_wait3A_104 = tpu.memref_squeeze %dma_wait3A_103 : memref<1x100xi32, #tpu.memory_space<vmem>> -> memref<100xi32, #tpu.memory_space<vmem>>
        %dma_wait3A_105 = arith.constant 0 : i32
        %dma_wait3A_106 = tpu.memref_slice %arg4[%add3A, %scan3A_49, %dma_wait3A_105] : memref<32x100x100xi32, #tpu.memory_space<hbm>> -> memref<1x1x100xi32, #tpu.memory_space<hbm>>
        %dma_wait3A_107 = tpu.memref_squeeze %dma_wait3A_106 : memref<1x1x100xi32, #tpu.memory_space<hbm>> -> memref<100xi32, #tpu.memory_space<hbm>>
        tpu.wait_dma2 semaphore(%arg14 : memref<!tpu.dma_semaphore, #tpu.memory_space<semaphore_mem>>) src(%dma_wait3A_107 : memref<100xi32, #tpu.memory_space<hbm>>) dst(%dma_wait3A_104 : memref<100xi32, #tpu.memory_space<vmem>>)
        %run_scoped3A = arith.constant 1 : i32
        "tpu.region"() ({
          %run_scoped3A_108 = tpu.sem_alloc : memref<!tpu.dma_semaphore, #tpu.memory_space<semaphore_mem>>
          %dma_start3A_109 = arith.constant 0 : i32
          %dma_start3A_110 = tpu.memref_slice %arg7[%run_scoped3A, %dma_start3A_109] : memref<2x100xi32, #tpu.memory_space<vmem>> -> memref<1x100xi32, #tpu.memory_space<vmem>>
          %dma_start3A_111 = tpu.memref_squeeze %dma_start3A_110 : memref<1x100xi32, #tpu.memory_space<vmem>> -> memref<100xi32, #tpu.memory_space<vmem>>
          %dma_start3A_112 = arith.constant 0 : i32
          %dma_start3A_113 = arith.constant 0 : i32
          %dma_start3A_114 = tpu.memref_slice %arg10[%dma_start3A_112, %dma_start3A_113] : memref<10240x128xf32, #tpu.memory_space<vmem_shared>> -> memref<10240x128xf32, #tpu.memory_space<vmem_shared>>
          tpu.enqueue_indirect_dma source(%arg9 : memref<100x128xf32, #tpu.memory_space<vmem>>) target(%dma_start3A_114 : memref<10240x128xf32, #tpu.memory_space<vmem_shared>>) offsets(%dma_start3A_111 : memref<100xi32, #tpu.memory_space<vmem>>) semaphore(%run_scoped3A_108 : memref<!tpu.dma_semaphore, #tpu.memory_space<semaphore_mem>>) {add = true}
          %dma_wait3A_115 = arith.constant 0 : i32
          %dma_wait3A_116 = tpu.memref_slice %arg7[%run_scoped3A, %dma_wait3A_115] : memref<2x100xi32, #tpu.memory_space<vmem>> -> memref<1x100xi32, #tpu.memory_space<vmem>>
          %dma_wait3A_117 = tpu.memref_squeeze %dma_wait3A_116 : memref<1x100xi32, #tpu.memory_space<vmem>> -> memref<100xi32, #tpu.memory_space<vmem>>
          %dma_wait3A_118 = arith.constant 0 : i32
          %dma_wait3A_119 = arith.constant 0 : i32
          %dma_wait3A_120 = tpu.memref_slice %arg10[%dma_wait3A_118, %dma_wait3A_119] : memref<10240x128xf32, #tpu.memory_space<vmem_shared>> -> memref<10240x128xf32, #tpu.memory_space<vmem_shared>>
          tpu.wait_indirect_dma semaphore(%run_scoped3A_108 : memref<!tpu.dma_semaphore, #tpu.memory_space<semaphore_mem>>) src(%arg9 : memref<100x128xf32, #tpu.memory_space<vmem>>) dst(%dma_wait3A_120 : memref<10240x128xf32, #tpu.memory_space<vmem_shared>>)
          tpu.yield
        }) : () -> ()
      } else {
      }
      %scan3A_84 = arith.constant 0 : i32
      scf.yield %scan3A_84 : i32
    }
    %scan3A_40 = arith.constant 100 : i32
    %barrier3A_41 = arith.constant 0 : index
    tpu.barrier barrier_id(%barrier3A_41)
    %scan3A_42 = arith.constant 0 : i32
    %scan3A_43 = arith.constant 0 : i32
    %scan3A_44 = arith.constant 8 : i32
    %scan3A_45 = arith.addi %scan3A_43, %scan3A_44 : i32
    %scan3A_46 = arith.constant 1 : i32
    %scan3A_47 = scf.for %scan3A_49 = %scan3A_43 to %scan3A_45 step %scan3A_46 iter_args(%scan3A_50 = %scan3A_42) -> (i32)  : i32 {
      %mul3A_51 = arith.constant 640 : i32
      %mul3A_52 = arith.muli %arg1, %mul3A_51 : i32
      %mul3A_53 = arith.constant 80 : i32
      %mul3A_54 = arith.muli %scan3A_49, %mul3A_53 : i32
      %add3A_55 = arith.addi %mul3A_52, %mul3A_54 : i32
      %mul3A_56 = arith.constant 640 : i32
      %mul3A_57 = arith.muli %arg1, %mul3A_56 : i32
      %mul3A_58 = arith.constant 80 : i32
      %mul3A_59 = arith.muli %scan3A_49, %mul3A_58 : i32
      %add3A_60 = arith.addi %mul3A_57, %mul3A_59 : i32
      "tpu.region"() ({
        %run_scoped3A = tpu.sem_alloc : memref<!tpu.dma_semaphore, #tpu.memory_space<semaphore_mem>>
        %dma_start3A_62 = arith.constant 0 : i32
        %dma_start3A_63 = tpu.memref_slice %arg5[%arg0, %add3A_60, %dma_start3A_62] : memref<2x10240x128xf32, #tpu.memory_space<hbm>> -> memref<1x80x128xf32, #tpu.memory_space<hbm>>
        %dma_start3A_64 = tpu.memref_squeeze %dma_start3A_63 : memref<1x80x128xf32, #tpu.memory_space<hbm>> -> memref<80x128xf32, #tpu.memory_space<hbm>>
        %dma_start3A_65 = arith.constant 0 : i32
        %dma_start3A_66 = tpu.memref_slice %arg10[%add3A_55, %dma_start3A_65] : memref<10240x128xf32, #tpu.memory_space<vmem_shared>> -> memref<80x128xf32, #tpu.memory_space<vmem_shared>>
        tpu.enqueue_dma source(%dma_start3A_66 : memref<80x128xf32, #tpu.memory_space<vmem_shared>>) target(%dma_start3A_64 : memref<80x128xf32, #tpu.memory_space<hbm>>) target_semaphore(%run_scoped3A : memref<!tpu.dma_semaphore, #tpu.memory_space<semaphore_mem>>)
        %dma_wait3A = arith.constant 0 : i32
        %dma_wait3A_67 = tpu.memref_slice %arg5[%arg0, %add3A_60, %dma_wait3A] : memref<2x10240x128xf32, #tpu.memory_space<hbm>> -> memref<1x80x128xf32, #tpu.memory_space<hbm>>
        %dma_wait3A_68 = tpu.memref_squeeze %dma_wait3A_67 : memref<1x80x128xf32, #tpu.memory_space<hbm>> -> memref<80x128xf32, #tpu.memory_space<hbm>>
        %dma_wait3A_69 = arith.constant 0 : i32
        %dma_wait3A_70 = tpu.memref_slice %arg10[%add3A_55, %dma_wait3A_69] : memref<10240x128xf32, #tpu.memory_space<vmem_shared>> -> memref<80x128xf32, #tpu.memory_space<vmem_shared>>
        tpu.wait_dma2 semaphore(%run_scoped3A : memref<!tpu.dma_semaphore, #tpu.memory_space<semaphore_mem>>) src(%dma_wait3A_70 : memref<80x128xf32, #tpu.memory_space<vmem_shared>>) dst(%dma_wait3A_68 : memref<80x128xf32, #tpu.memory_space<hbm>>)
        tpu.yield
      }) : () -> ()
      %scan3A_61 = arith.constant 0 : i32
      scf.yield %scan3A_61 : i32
    }
    %scan3A_48 = arith.constant 8 : i32
    return
  }
}

#map = affine_map<(d0, d1) -> (0, 0)>
#map1 = affine_map<(d0, d1) -> (0, 0, 0)>
module attributes {stable_mosaic.version = 14 : i64} {
  func.func @_mp_kernel(%arg0: i32, %arg1: i32, %arg2: memref<10240x128xf32, #tpu.memory_space<hbm>>, %arg3: memref<32x100x100xi32, #tpu.memory_space<hbm>>, %arg4: memref<32x100x100xi32, #tpu.memory_space<hbm>>, %arg5: memref<2x10240x128xf32, #tpu.memory_space<hbm>>, %arg6: memref<100x100xi32, #tpu.memory_space<vmem>>, %arg7: memref<2x100xi32, #tpu.memory_space<vmem>>, %arg8: memref<100x128xf32, #tpu.memory_space<vmem>>, %arg9: memref<100x128xf32, #tpu.memory_space<vmem>>, %arg10: memref<10240x128xf32, #tpu.memory_space<vmem_shared>>, %arg11: memref<!tpu.dma_semaphore, #tpu.memory_space<semaphore_mem>>, %arg12: memref<!tpu.dma_semaphore, #tpu.memory_space<semaphore_mem>>, %arg13: memref<!tpu.dma_semaphore, #tpu.memory_space<semaphore_mem>>, %arg14: memref<!tpu.dma_semaphore, #tpu.memory_space<semaphore_mem>>) attributes {dimension_semantics = [#tpu.dimension_semantics<core_parallel>, #tpu.dimension_semantics<subcore_parallel>], iteration_bounds = array<i64: 2, 16>, scalar_prefetch = 0 : i64, scratch_operands = 9 : i64, tpu.core_type = #tpu.core_type<sc_vector_subcore>, window_params = [{transform_indices = #map}, {transform_indices = #map1}, {transform_indices = #map1}, {transform_indices = #map1}]} {
    %mul3A = arith.constant 16 : i32
    %mul3A_0 = arith.muli %arg0, %mul3A : i32
    %add3A = arith.addi %mul3A_0, %arg1 : i32
    %scan3A = arith.constant 0 : i32
    %scan3A_1 = arith.constant 0 : i32
    %scan3A_2 = arith.constant 80 : i32
    %scan3A_3 = arith.addi %scan3A_1, %scan3A_2 : i32
    %scan3A_4 = arith.constant 1 : i32
    %scan3A_5 = scf.for %scan3A_49 = %scan3A_1 to %scan3A_3 step %scan3A_4 iter_args(%scan3A_50 = %scan3A) -> (i32)  : i32 {
      %broadcast_in_dim3A = arith.constant 0.000000e+00 : f32
      %broadcast_in_dim3A_51 = vector.broadcast %broadcast_in_dim3A : f32 to vector<16xf32>
      %swap3A = arith.index_cast %scan3A_49 : i32 to index
      %swap3A_52 = arith.constant 0 : index
      %swap3A_53 = tpu.vector_load %arg8[%swap3A, %swap3A_52] {strides = array<i32>} : memref<100x128xf32, #tpu.memory_space<vmem>>, vector<1x16xf32>,
      %swap3A_54 = vector.shape_cast %swap3A_53 : vector<1x16xf32> to vector<16xf32>
      %swap3A_55 = vector.shape_cast %broadcast_in_dim3A_51 : vector<16xf32> to vector<1x16xf32>
      tpu.vector_store %arg8[%swap3A, %swap3A_52], %swap3A_55 {strides = array<i32>} : memref<100x128xf32, #tpu.memory_space<vmem>>, vector<1x16xf32>,
      %broadcast_in_dim3A_56 = arith.constant 0.000000e+00 : f32
      %broadcast_in_dim3A_57 = vector.broadcast %broadcast_in_dim3A_56 : f32 to vector<16xf32>
      %swap3A_58 = arith.index_cast %scan3A_49 : i32 to index
      %swap3A_59 = arith.constant 16 : index
      %swap3A_60 = tpu.vector_load %arg8[%swap3A_58, %swap3A_59] {strides = array<i32>} : memref<100x128xf32, #tpu.memory_space<vmem>>, vector<1x16xf32>,
      %swap3A_61 = vector.shape_cast %swap3A_60 : vector<1x16xf32> to vector<16xf32>
      %swap3A_62 = vector.shape_cast %broadcast_in_dim3A_57 : vector<16xf32> to vector<1x16xf32>
      tpu.vector_store %arg8[%swap3A_58, %swap3A_59], %swap3A_62 {strides = array<i32>} : memref<100x128xf32, #tpu.memory_space<vmem>>, vector<1x16xf32>,
      %broadcast_in_dim3A_63 = arith.constant 0.000000e+00 : f32
      %broadcast_in_dim3A_64 = vector.broadcast %broadcast_in_dim3A_63 : f32 to vector<16xf32>
      %swap3A_65 = arith.index_cast %scan3A_49 : i32 to index
      %swap3A_66 = arith.constant 32 : index
      %swap3A_67 = tpu.vector_load %arg8[%swap3A_65, %swap3A_66] {strides = array<i32>} : memref<100x128xf32, #tpu.memory_space<vmem>>, vector<1x16xf32>,
      %swap3A_68 = vector.shape_cast %swap3A_67 : vector<1x16xf32> to vector<16xf32>
      %swap3A_69 = vector.shape_cast %broadcast_in_dim3A_64 : vector<16xf32> to vector<1x16xf32>
      tpu.vector_store %arg8[%swap3A_65, %swap3A_66], %swap3A_69 {strides = array<i32>} : memref<100x128xf32, #tpu.memory_space<vmem>>, vector<1x16xf32>,
      %broadcast_in_dim3A_70 = arith.constant 0.000000e+00 : f32
      %broadcast_in_dim3A_71 = vector.broadcast %broadcast_in_dim3A_70 : f32 to vector<16xf32>
      %swap3A_72 = arith.index_cast %scan3A_49 : i32 to index
      %swap3A_73 = arith.constant 48 : index
      %swap3A_74 = tpu.vector_load %arg8[%swap3A_72, %swap3A_73] {strides = array<i32>} : memref<100x128xf32, #tpu.memory_space<vmem>>, vector<1x16xf32>,
      %swap3A_75 = vector.shape_cast %swap3A_74 : vector<1x16xf32> to vector<16xf32>
      %swap3A_76 = vector.shape_cast %broadcast_in_dim3A_71 : vector<16xf32> to vector<1x16xf32>
      tpu.vector_store %arg8[%swap3A_72, %swap3A_73], %swap3A_76 {strides = array<i32>} : memref<100x128xf32, #tpu.memory_space<vmem>>, vector<1x16xf32>,
      %broadcast_in_dim3A_77 = arith.constant 0.000000e+00 : f32
      %broadcast_in_dim3A_78 = vector.broadcast %broadcast_in_dim3A_77 : f32 to vector<16xf32>
      %swap3A_79 = arith.index_cast %scan3A_49 : i32 to index
      %swap3A_80 = arith.constant 64 : index
      %swap3A_81 = tpu.vector_load %arg8[%swap3A_79, %swap3A_80] {strides = array<i32>} : memref<100x128xf32, #tpu.memory_space<vmem>>, vector<1x16xf32>,
      %swap3A_82 = vector.shape_cast %swap3A_81 : vector<1x16xf32> to vector<16xf32>
      %swap3A_83 = vector.shape_cast %broadcast_in_dim3A_78 : vector<16xf32> to vector<1x16xf32>
      tpu.vector_store %arg8[%swap3A_79, %swap3A_80], %swap3A_83 {strides = array<i32>} : memref<100x128xf32, #tpu.memory_space<vmem>>, vector<1x16xf32>,
      %broadcast_in_dim3A_84 = arith.constant 0.000000e+00 : f32
      %broadcast_in_dim3A_85 = vector.broadcast %broadcast_in_dim3A_84 : f32 to vector<16xf32>
      %swap3A_86 = arith.index_cast %scan3A_49 : i32 to index
      %swap3A_87 = arith.constant 80 : index
      %swap3A_88 = tpu.vector_load %arg8[%swap3A_86, %swap3A_87] {strides = array<i32>} : memref<100x128xf32, #tpu.memory_space<vmem>>, vector<1x16xf32>,
      %swap3A_89 = vector.shape_cast %swap3A_88 : vector<1x16xf32> to vector<16xf32>
      %swap3A_90 = vector.shape_cast %broadcast_in_dim3A_85 : vector<16xf32> to vector<1x16xf32>
      tpu.vector_store %arg8[%swap3A_86, %swap3A_87], %swap3A_90 {strides = array<i32>} : memref<100x128xf32, #tpu.memory_space<vmem>>, vector<1x16xf32>,
      %broadcast_in_dim3A_91 = arith.constant 0.000000e+00 : f32
      %broadcast_in_dim3A_92 = vector.broadcast %broadcast_in_dim3A_91 : f32 to vector<16xf32>
      %swap3A_93 = arith.index_cast %scan3A_49 : i32 to index
      %swap3A_94 = arith.constant 96 : index
      %swap3A_95 = tpu.vector_load %arg8[%swap3A_93, %swap3A_94] {strides = array<i32>} : memref<100x128xf32, #tpu.memory_space<vmem>>, vector<1x16xf32>,
      %swap3A_96 = vector.shape_cast %swap3A_95 : vector<1x16xf32> to vector<16xf32>
      %swap3A_97 = vector.shape_cast %broadcast_in_dim3A_92 : vector<16xf32> to vector<1x16xf32>
      tpu.vector_store %arg8[%swap3A_93, %swap3A_94], %swap3A_97 {strides = array<i32>} : memref<100x128xf32, #tpu.memory_space<vmem>>, vector<1x16xf32>,
      %broadcast_in_dim3A_98 = arith.constant 0.000000e+00 : f32
      %broadcast_in_dim3A_99 = vector.broadcast %broadcast_in_dim3A_98 : f32 to vector<16xf32>
      %swap3A_100 = arith.index_cast %scan3A_49 : i32 to index
      %swap3A_101 = arith.constant 112 : index
      %swap3A_102 = tpu.vector_load %arg8[%swap3A_100, %swap3A_101] {strides = array<i32>} : memref<100x128xf32, #tpu.memory_space<vmem>>, vector<1x16xf32>,
      %swap3A_103 = vector.shape_cast %swap3A_102 : vector<1x16xf32> to vector<16xf32>
      %swap3A_104 = vector.shape_cast %broadcast_in_dim3A_99 : vector<16xf32> to vector<1x16xf32>
      tpu.vector_store %arg8[%swap3A_100, %swap3A_101], %swap3A_104 {strides = array<i32>} : memref<100x128xf32, #tpu.memory_space<vmem>>, vector<1x16xf32>,
      %scan3A_105 = arith.constant 0 : i32
      scf.yield %scan3A_105 : i32
    }
    %scan3A_6 = arith.constant 80 : i32
    %scan3A_7 = arith.constant 0 : i32
    %scan3A_8 = arith.constant 0 : i32
    %scan3A_9 = arith.constant 8 : i32
    %scan3A_10 = arith.addi %scan3A_8, %scan3A_9 : i32
    %scan3A_11 = arith.constant 1 : i32
    %scan3A_12 = scf.for %scan3A_49 = %scan3A_8 to %scan3A_10 step %scan3A_11 iter_args(%scan3A_50 = %scan3A_7) -> (i32)  : i32 {
      %mul3A_51 = arith.constant 640 : i32
      %mul3A_52 = arith.muli %arg1, %mul3A_51 : i32
      %mul3A_53 = arith.constant 80 : i32
      %mul3A_54 = arith.muli %scan3A_49, %mul3A_53 : i32
      %add3A_55 = arith.addi %mul3A_52, %mul3A_54 : i32
      "tpu.region"() ({
        %run_scoped3A = tpu.sem_alloc : memref<!tpu.dma_semaphore, #tpu.memory_space<semaphore_mem>>
        %dma_start3A_57 = arith.constant 0 : i32
        %dma_start3A_58 = arith.constant 0 : i32
        %dma_start3A_59 = tpu.memref_slice %arg8[%dma_start3A_57, %dma_start3A_58] : memref<100x128xf32, #tpu.memory_space<vmem>> -> memref<80x128xf32, #tpu.memory_space<vmem>>
        %dma_start3A_60 = arith.constant 0 : i32
        %dma_start3A_61 = tpu.memref_slice %arg10[%add3A_55, %dma_start3A_60] : memref<10240x128xf32, #tpu.memory_space<vmem_shared>> -> memref<80x128xf32, #tpu.memory_space<vmem_shared>>
        %dma_start3A_62 = arith.constant 0 : i32
        %dma_start3A_63 = tpu.memref_slice %arg10[%add3A_55, %dma_start3A_62] : memref<10240x128xf32, #tpu.memory_space<vmem_shared>> -> memref<80x128xf32, #tpu.memory_space<vmem_shared>>
        %dma_start3A_64 = arith.constant 0 : i32
        %dma_start3A_65 = arith.constant 0 : i32
        %dma_start3A_66 = tpu.memref_slice %arg8[%dma_start3A_64, %dma_start3A_65] : memref<100x128xf32, #tpu.memory_space<vmem>> -> memref<80x128xf32, #tpu.memory_space<vmem>>
        tpu.enqueue_dma source(%dma_start3A_66 : memref<80x128xf32, #tpu.memory_space<vmem>>) target(%dma_start3A_63 : memref<80x128xf32, #tpu.memory_space<vmem_shared>>) target_semaphore(%run_scoped3A : memref<!tpu.dma_semaphore, #tpu.memory_space<semaphore_mem>>)
        %dma_wait3A = arith.constant 0 : i32
        %dma_wait3A_67 = arith.constant 0 : i32
        %dma_wait3A_68 = tpu.memref_slice %arg8[%dma_wait3A, %dma_wait3A_67] : memref<100x128xf32, #tpu.memory_space<vmem>> -> memref<80x128xf32, #tpu.memory_space<vmem>>
        %dma_wait3A_69 = arith.constant 0 : i32
        %dma_wait3A_70 = tpu.memref_slice %arg10[%add3A_55, %dma_wait3A_69] : memref<10240x128xf32, #tpu.memory_space<vmem_shared>> -> memref<80x128xf32, #tpu.memory_space<vmem_shared>>
        %dma_wait3A_71 = arith.constant 0 : i32
        %dma_wait3A_72 = tpu.memref_slice %arg10[%add3A_55, %dma_wait3A_71] : memref<10240x128xf32, #tpu.memory_space<vmem_shared>> -> memref<80x128xf32, #tpu.memory_space<vmem_shared>>
        %dma_wait3A_73 = arith.constant 0 : i32
        %dma_wait3A_74 = arith.constant 0 : i32
        %dma_wait3A_75 = tpu.memref_slice %arg8[%dma_wait3A_73, %dma_wait3A_74] : memref<100x128xf32, #tpu.memory_space<vmem>> -> memref<80x128xf32, #tpu.memory_space<vmem>>
        tpu.wait_dma2 semaphore(%run_scoped3A : memref<!tpu.dma_semaphore, #tpu.memory_space<semaphore_mem>>) src(%dma_wait3A_75 : memref<80x128xf32, #tpu.memory_space<vmem>>) dst(%dma_wait3A_72 : memref<80x128xf32, #tpu.memory_space<vmem_shared>>)
        tpu.yield
      }) : () -> ()
      %scan3A_56 = arith.constant 0 : i32
      scf.yield %scan3A_56 : i32
    }
    %scan3A_13 = arith.constant 8 : i32
    %barrier3A = arith.constant 0 : index
    tpu.barrier barrier_id(%barrier3A)
    "tpu.region"() ({
      %run_scoped3A = tpu.sem_alloc : memref<!tpu.dma_semaphore, #tpu.memory_space<semaphore_mem>>
      %dma_start3A_49 = arith.constant 0 : i32
      %dma_start3A_50 = arith.constant 0 : i32
      %dma_start3A_51 = tpu.memref_slice %arg3[%add3A, %dma_start3A_49, %dma_start3A_50] : memref<32x100x100xi32, #tpu.memory_space<hbm>> -> memref<1x100x100xi32, #tpu.memory_space<hbm>>
      %dma_start3A_52 = tpu.memref_squeeze %dma_start3A_51 : memref<1x100x100xi32, #tpu.memory_space<hbm>> -> memref<100x100xi32, #tpu.memory_space<hbm>>
      %dma_start3A_53 = arith.constant 0 : i32
      %dma_start3A_54 = arith.constant 0 : i32
      %dma_start3A_55 = tpu.memref_slice %arg3[%add3A, %dma_start3A_53, %dma_start3A_54] : memref<32x100x100xi32, #tpu.memory_space<hbm>> -> memref<1x100x100xi32, #tpu.memory_space<hbm>>
      %dma_start3A_56 = tpu.memref_squeeze %dma_start3A_55 : memref<1x100x100xi32, #tpu.memory_space<hbm>> -> memref<100x100xi32, #tpu.memory_space<hbm>>
      tpu.enqueue_dma source(%dma_start3A_56 : memref<100x100xi32, #tpu.memory_space<hbm>>) target(%arg6 : memref<100x100xi32, #tpu.memory_space<vmem>>) target_semaphore(%run_scoped3A : memref<!tpu.dma_semaphore, #tpu.memory_space<semaphore_mem>>)
      %dma_wait3A = arith.constant 0 : i32
      %dma_wait3A_57 = arith.constant 0 : i32
      %dma_wait3A_58 = tpu.memref_slice %arg3[%add3A, %dma_wait3A, %dma_wait3A_57] : memref<32x100x100xi32, #tpu.memory_space<hbm>> -> memref<1x100x100xi32, #tpu.memory_space<hbm>>
      %dma_wait3A_59 = tpu.memref_squeeze %dma_wait3A_58 : memref<1x100x100xi32, #tpu.memory_space<hbm>> -> memref<100x100xi32, #tpu.memory_space<hbm>>
      %dma_wait3A_60 = arith.constant 0 : i32
      %dma_wait3A_61 = arith.constant 0 : i32
      %dma_wait3A_62 = tpu.memref_slice %arg3[%add3A, %dma_wait3A_60, %dma_wait3A_61] : memref<32x100x100xi32, #tpu.memory_space<hbm>> -> memref<1x100x100xi32, #tpu.memory_space<hbm>>
      %dma_wait3A_63 = tpu.memref_squeeze %dma_wait3A_62 : memref<1x100x100xi32, #tpu.memory_space<hbm>> -> memref<100x100xi32, #tpu.memory_space<hbm>>
      tpu.wait_dma2 semaphore(%run_scoped3A : memref<!tpu.dma_semaphore, #tpu.memory_space<semaphore_mem>>) src(%dma_wait3A_63 : memref<100x100xi32, #tpu.memory_space<hbm>>) dst(%arg6 : memref<100x100xi32, #tpu.memory_space<vmem>>)
      tpu.yield
    }) : () -> ()
    %dma_start3A = arith.constant 0 : i32
    %dma_start3A_14 = arith.constant 0 : i32
    %dma_start3A_15 = arith.constant 0 : i32
    %dma_start3A_16 = tpu.memref_slice %arg7[%dma_start3A_14, %dma_start3A_15] : memref<2x100xi32, #tpu.memory_space<vmem>> -> memref<1x100xi32, #tpu.memory_space<vmem>>
    %dma_start3A_17 = tpu.memref_squeeze %dma_start3A_16 : memref<1x100xi32, #tpu.memory_space<vmem>> -> memref<100xi32, #tpu.memory_space<vmem>>
    %dma_start3A_18 = arith.constant 0 : i32
    %dma_start3A_19 = tpu.memref_slice %arg4[%add3A, %dma_start3A, %dma_start3A_18] : memref<32x100x100xi32, #tpu.memory_space<hbm>> -> memref<1x1x100xi32, #tpu.memory_space<hbm>>
    %dma_start3A_20 = tpu.memref_squeeze %dma_start3A_19 : memref<1x1x100xi32, #tpu.memory_space<hbm>> -> memref<100xi32, #tpu.memory_space<hbm>>
    %dma_start3A_21 = arith.constant 0 : i32
    %dma_start3A_22 = tpu.memref_slice %arg7[%dma_start3A_14, %dma_start3A_21] : memref<2x100xi32, #tpu.memory_space<vmem>> -> memref<1x100xi32, #tpu.memory_space<vmem>>
    %dma_start3A_23 = tpu.memref_squeeze %dma_start3A_22 : memref<1x100xi32, #tpu.memory_space<vmem>> -> memref<100xi32, #tpu.memory_space<vmem>>
    %dma_start3A_24 = arith.constant 0 : i32
    %dma_start3A_25 = tpu.memref_slice %arg4[%add3A, %dma_start3A, %dma_start3A_24] : memref<32x100x100xi32, #tpu.memory_space<hbm>> -> memref<1x1x100xi32, #tpu.memory_space<hbm>>
    %dma_start3A_26 = tpu.memref_squeeze %dma_start3A_25 : memref<1x1x100xi32, #tpu.memory_space<hbm>> -> memref<100xi32, #tpu.memory_space<hbm>>
    tpu.enqueue_dma source(%dma_start3A_26 : memref<100xi32, #tpu.memory_space<hbm>>) target(%dma_start3A_23 : memref<100xi32, #tpu.memory_space<vmem>>) target_semaphore(%arg13 : memref<!tpu.dma_semaphore, #tpu.memory_space<semaphore_mem>>)
    %dma_start3A_27 = arith.constant 0 : i32
    %dma_start3A_28 = arith.constant 0 : i32
    %dma_start3A_29 = tpu.memref_slice %arg6[%dma_start3A_27, %dma_start3A_28] : memref<100x100xi32, #tpu.memory_space<vmem>> -> memref<1x100xi32, #tpu.memory_space<vmem>>
    %dma_start3A_30 = tpu.memref_squeeze %dma_start3A_29 : memref<1x100xi32, #tpu.memory_space<vmem>> -> memref<100xi32, #tpu.memory_space<vmem>>
    %dma_start3A_31 = arith.constant 0 : i32
    %dma_start3A_32 = arith.constant 0 : i32
    %dma_start3A_33 = tpu.memref_slice %arg2[%dma_start3A_31, %dma_start3A_32] : memref<10240x128xf32, #tpu.memory_space<hbm>> -> memref<10240x128xf32, #tpu.memory_space<hbm>>
    tpu.enqueue_indirect_dma source(%dma_start3A_33 : memref<10240x128xf32, #tpu.memory_space<hbm>>) target(%arg8 : memref<100x128xf32, #tpu.memory_space<vmem>>) offsets(%dma_start3A_30 : memref<100xi32, #tpu.memory_space<vmem>>) semaphore(%arg11 : memref<!tpu.dma_semaphore, #tpu.memory_space<semaphore_mem>>)
    %scan3A_34 = arith.constant 0 : i32
    %scan3A_35 = arith.constant 0 : i32
    %scan3A_36 = arith.constant 100 : i32
    %scan3A_37 = arith.addi %scan3A_35, %scan3A_36 : i32
    %scan3A_38 = arith.constant 1 : i32
    %scan3A_39 = scf.for %scan3A_49 = %scan3A_35 to %scan3A_37 step %scan3A_38 iter_args(%scan3A_50 = %scan3A_34) -> (i32)  : i32 {
      %jit3A = arith.constant 2 : i32
      %eq3A = arith.constant 0 : i32
      %eq3A_51 = arith.cmpi eq, %jit3A, %eq3A : i32
      %jit3A_52 = arith.constant 1 : i32
      %select_n3A = arith.select %eq3A_51, %jit3A_52, %jit3A : i32
      %rem3A = arith.remsi %scan3A_49, %select_n3A : i32
      %ne3A = arith.constant 0 : i32
      %ne3A_53 = arith.cmpi ne, %rem3A, %ne3A : i32
      %lt3A = arith.constant 0 : i32
      %lt3A_54 = arith.cmpi slt, %rem3A, %lt3A : i32
      %lt3A_55 = arith.constant 0 : i32
      %lt3A_56 = arith.cmpi slt, %select_n3A, %lt3A_55 : i32
      %ne3A_57 = arith.xori %lt3A_54, %lt3A_56 : i1
      %and3A = arith.andi %ne3A_57, %ne3A_53 : i1
      %add3A_58 = arith.addi %rem3A, %select_n3A : i32
      %select_n3A_59 = arith.select %and3A, %add3A_58, %rem3A : i32
      %eq3A_60 = arith.constant 0 : i32
      %eq3A_61 = arith.cmpi eq, %select_n3A_59, %eq3A_60 : i32
      %convert_element_type3A = arith.extui %eq3A_61 : i1 to i32
      %cond3A = arith.constant 0 : i32
      %cond3A_62 = arith.cmpi ne, %convert_element_type3A, %cond3A : i32
      scf.if %cond3A_62 {
        %lt3A_85 = arith.constant 99 : i32
        %lt3A_86 = arith.cmpi slt, %scan3A_49, %lt3A_85 : i32
        %convert_element_type3A_87 = arith.extui %lt3A_86 : i1 to i32
        %cond3A_88 = arith.constant 0 : i32
        %cond3A_89 = arith.cmpi ne, %convert_element_type3A_87, %cond3A_88 : i32
        scf.if %cond3A_89 {
          %add3A_108 = arith.constant 1 : i32
          %add3A_109 = arith.addi %scan3A_49, %add3A_108 : i32
          %dma_start3A_110 = arith.constant 1 : i32
          %dma_start3A_111 = arith.constant 0 : i32
          %dma_start3A_112 = tpu.memref_slice %arg7[%dma_start3A_110, %dma_start3A_111] : memref<2x100xi32, #tpu.memory_space<vmem>> -> memref<1x100xi32, #tpu.memory_space<vmem>>
          %dma_start3A_113 = tpu.memref_squeeze %dma_start3A_112 : memref<1x100xi32, #tpu.memory_space<vmem>> -> memref<100xi32, #tpu.memory_space<vmem>>
          %dma_start3A_114 = arith.constant 0 : i32
          %dma_start3A_115 = tpu.memref_slice %arg4[%add3A, %add3A_109, %dma_start3A_114] : memref<32x100x100xi32, #tpu.memory_space<hbm>> -> memref<1x1x100xi32, #tpu.memory_space<hbm>>
          %dma_start3A_116 = tpu.memref_squeeze %dma_start3A_115 : memref<1x1x100xi32, #tpu.memory_space<hbm>> -> memref<100xi32, #tpu.memory_space<hbm>>
          %dma_start3A_117 = arith.constant 0 : i32
          %dma_start3A_118 = tpu.memref_slice %arg7[%dma_start3A_110, %dma_start3A_117] : memref<2x100xi32, #tpu.memory_space<vmem>> -> memref<1x100xi32, #tpu.memory_space<vmem>>
          %dma_start3A_119 = tpu.memref_squeeze %dma_start3A_118 : memref<1x100xi32, #tpu.memory_space<vmem>> -> memref<100xi32, #tpu.memory_space<vmem>>
          %dma_start3A_120 = arith.constant 0 : i32
          %dma_start3A_121 = tpu.memref_slice %arg4[%add3A, %add3A_109, %dma_start3A_120] : memref<32x100x100xi32, #tpu.memory_space<hbm>> -> memref<1x1x100xi32, #tpu.memory_space<hbm>>
          %dma_start3A_122 = tpu.memref_squeeze %dma_start3A_121 : memref<1x1x100xi32, #tpu.memory_space<hbm>> -> memref<100xi32, #tpu.memory_space<hbm>>
          tpu.enqueue_dma source(%dma_start3A_122 : memref<100xi32, #tpu.memory_space<hbm>>) target(%dma_start3A_119 : memref<100xi32, #tpu.memory_space<vmem>>) target_semaphore(%arg14 : memref<!tpu.dma_semaphore, #tpu.memory_space<semaphore_mem>>)
          %add3A_123 = arith.constant 1 : i32
          %add3A_124 = arith.addi %scan3A_49, %add3A_123 : i32
          %dma_start3A_125 = arith.constant 0 : i32
          %dma_start3A_126 = tpu.memref_slice %arg6[%add3A_124, %dma_start3A_125] : memref<100x100xi32, #tpu.memory_space<vmem>> -> memref<1x100xi32, #tpu.memory_space<vmem>>
          %dma_start3A_127 = tpu.memref_squeeze %dma_start3A_126 : memref<1x100xi32, #tpu.memory_space<vmem>> -> memref<100xi32, #tpu.memory_space<vmem>>
          %dma_start3A_128 = arith.constant 0 : i32
          %dma_start3A_129 = arith.constant 0 : i32
          %dma_start3A_130 = tpu.memref_slice %arg2[%dma_start3A_128, %dma_start3A_129] : memref<10240x128xf32, #tpu.memory_space<hbm>> -> memref<10240x128xf32, #tpu.memory_space<hbm>>
          tpu.enqueue_indirect_dma source(%dma_start3A_130 : memref<10240x128xf32, #tpu.memory_space<hbm>>) target(%arg9 : memref<100x128xf32, #tpu.memory_space<vmem>>) offsets(%dma_start3A_127 : memref<100xi32, #tpu.memory_space<vmem>>) semaphore(%arg12 : memref<!tpu.dma_semaphore, #tpu.memory_space<semaphore_mem>>)
        } else {
        }
        %dma_wait3A = arith.constant 0 : i32
        %dma_wait3A_90 = tpu.memref_slice %arg6[%scan3A_49, %dma_wait3A] : memref<100x100xi32, #tpu.memory_space<vmem>> -> memref<1x100xi32, #tpu.memory_space<vmem>>
        %dma_wait3A_91 = tpu.memref_squeeze %dma_wait3A_90 : memref<1x100xi32, #tpu.memory_space<vmem>> -> memref<100xi32, #tpu.memory_space<vmem>>
        %dma_wait3A_92 = arith.constant 0 : i32
        %dma_wait3A_93 = arith.constant 0 : i32
        %dma_wait3A_94 = tpu.memref_slice %arg2[%dma_wait3A_92, %dma_wait3A_93] : memref<10240x128xf32, #tpu.memory_space<hbm>> -> memref<10240x128xf32, #tpu.memory_space<hbm>>
        tpu.wait_indirect_dma semaphore(%arg11 : memref<!tpu.dma_semaphore, #tpu.memory_space<semaphore_mem>>) src(%dma_wait3A_94 : memref<10240x128xf32, #tpu.memory_space<hbm>>) dst(%arg8 : memref<100x128xf32, #tpu.memory_space<vmem>>)
        %dma_wait3A_95 = arith.constant 0 : i32
        %dma_wait3A_96 = arith.constant 0 : i32
        %dma_wait3A_97 = tpu.memref_slice %arg7[%dma_wait3A_95, %dma_wait3A_96] : memref<2x100xi32, #tpu.memory_space<vmem>> -> memref<1x100xi32, #tpu.memory_space<vmem>>
        %dma_wait3A_98 = tpu.memref_squeeze %dma_wait3A_97 : memref<1x100xi32, #tpu.memory_space<vmem>> -> memref<100xi32, #tpu.memory_space<vmem>>
        %dma_wait3A_99 = arith.constant 0 : i32
        %dma_wait3A_100 = tpu.memref_slice %arg4[%add3A, %scan3A_49, %dma_wait3A_99] : memref<32x100x100xi32, #tpu.memory_space<hbm>> -> memref<1x1x100xi32, #tpu.memory_space<hbm>>
        %dma_wait3A_101 = tpu.memref_squeeze %dma_wait3A_100 : memref<1x1x100xi32, #tpu.memory_space<hbm>> -> memref<100xi32, #tpu.memory_space<hbm>>
        %dma_wait3A_102 = arith.constant 0 : i32
        %dma_wait3A_103 = tpu.memref_slice %arg7[%dma_wait3A_95, %dma_wait3A_102] : memref<2x100xi32, #tpu.memory_space<vmem>> -> memref<1x100xi32, #tpu.memory_space<vmem>>
        %dma_wait3A_104 = tpu.memref_squeeze %dma_wait3A_103 : memref<1x100xi32, #tpu.memory_space<vmem>> -> memref<100xi32, #tpu.memory_space<vmem>>
        %dma_wait3A_105 = arith.constant 0 : i32
        %dma_wait3A_106 = tpu.memref_slice %arg4[%add3A, %scan3A_49, %dma_wait3A_105] : memref<32x100x100xi32, #tpu.memory_space<hbm>> -> memref<1x1x100xi32, #tpu.memory_space<hbm>>
        %dma_wait3A_107 = tpu.memref_squeeze %dma_wait3A_106 : memref<1x1x100xi32, #tpu.memory_space<hbm>> -> memref<100xi32, #tpu.memory_space<hbm>>
        tpu.wait_dma2 semaphore(%arg13 : memref<!tpu.dma_semaphore, #tpu.memory_space<semaphore_mem>>) src(%dma_wait3A_107 : memref<100xi32, #tpu.memory_space<hbm>>) dst(%dma_wait3A_104 : memref<100xi32, #tpu.memory_space<vmem>>)
        %run_scoped3A = arith.constant 0 : i32
        "tpu.region"() ({
          %run_scoped3A_108 = tpu.sem_alloc : memref<!tpu.dma_semaphore, #tpu.memory_space<semaphore_mem>>
          %dma_start3A_109 = arith.constant 0 : i32
          %dma_start3A_110 = tpu.memref_slice %arg7[%run_scoped3A, %dma_start3A_109] : memref<2x100xi32, #tpu.memory_space<vmem>> -> memref<1x100xi32, #tpu.memory_space<vmem>>
          %dma_start3A_111 = tpu.memref_squeeze %dma_start3A_110 : memref<1x100xi32, #tpu.memory_space<vmem>> -> memref<100xi32, #tpu.memory_space<vmem>>
          %dma_start3A_112 = arith.constant 0 : i32
          %dma_start3A_113 = arith.constant 0 : i32
          %dma_start3A_114 = tpu.memref_slice %arg10[%dma_start3A_112, %dma_start3A_113] : memref<10240x128xf32, #tpu.memory_space<vmem_shared>> -> memref<10240x128xf32, #tpu.memory_space<vmem_shared>>
          tpu.enqueue_indirect_dma source(%arg8 : memref<100x128xf32, #tpu.memory_space<vmem>>) target(%dma_start3A_114 : memref<10240x128xf32, #tpu.memory_space<vmem_shared>>) offsets(%dma_start3A_111 : memref<100xi32, #tpu.memory_space<vmem>>) semaphore(%run_scoped3A_108 : memref<!tpu.dma_semaphore, #tpu.memory_space<semaphore_mem>>) {add = true}
          %dma_wait3A_115 = arith.constant 0 : i32
          %dma_wait3A_116 = tpu.memref_slice %arg7[%run_scoped3A, %dma_wait3A_115] : memref<2x100xi32, #tpu.memory_space<vmem>> -> memref<1x100xi32, #tpu.memory_space<vmem>>
          %dma_wait3A_117 = tpu.memref_squeeze %dma_wait3A_116 : memref<1x100xi32, #tpu.memory_space<vmem>> -> memref<100xi32, #tpu.memory_space<vmem>>
          %dma_wait3A_118 = arith.constant 0 : i32
          %dma_wait3A_119 = arith.constant 0 : i32
          %dma_wait3A_120 = tpu.memref_slice %arg10[%dma_wait3A_118, %dma_wait3A_119] : memref<10240x128xf32, #tpu.memory_space<vmem_shared>> -> memref<10240x128xf32, #tpu.memory_space<vmem_shared>>
          tpu.wait_indirect_dma semaphore(%run_scoped3A_108 : memref<!tpu.dma_semaphore, #tpu.memory_space<semaphore_mem>>) src(%arg8 : memref<100x128xf32, #tpu.memory_space<vmem>>) dst(%dma_wait3A_120 : memref<10240x128xf32, #tpu.memory_space<vmem_shared>>)
          tpu.yield
        }) : () -> ()
      } else {
      }
      %jit3A_63 = arith.constant 2 : i32
      %eq3A_64 = arith.constant 0 : i32
      %eq3A_65 = arith.cmpi eq, %jit3A_63, %eq3A_64 : i32
      %jit3A_66 = arith.constant 1 : i32
      %select_n3A_67 = arith.select %eq3A_65, %jit3A_66, %jit3A_63 : i32
      %rem3A_68 = arith.remsi %scan3A_49, %select_n3A_67 : i32
      %ne3A_69 = arith.constant 0 : i32
      %ne3A_70 = arith.cmpi ne, %rem3A_68, %ne3A_69 : i32
      %lt3A_71 = arith.constant 0 : i32
      %lt3A_72 = arith.cmpi slt, %rem3A_68, %lt3A_71 : i32
      %lt3A_73 = arith.constant 0 : i32
      %lt3A_74 = arith.cmpi slt, %select_n3A_67, %lt3A_73 : i32
      %ne3A_75 = arith.xori %lt3A_72, %lt3A_74 : i1
      %and3A_76 = arith.andi %ne3A_75, %ne3A_70 : i1
      %add3A_77 = arith.addi %rem3A_68, %select_n3A_67 : i32
      %select_n3A_78 = arith.select %and3A_76, %add3A_77, %rem3A_68 : i32
      %eq3A_79 = arith.constant 1 : i32
      %eq3A_80 = arith.cmpi eq, %select_n3A_78, %eq3A_79 : i32
      %convert_element_type3A_81 = arith.extui %eq3A_80 : i1 to i32
      %cond3A_82 = arith.constant 0 : i32
      %cond3A_83 = arith.cmpi ne, %convert_element_type3A_81, %cond3A_82 : i32
      scf.if %cond3A_83 {
        %lt3A_85 = arith.constant 99 : i32
        %lt3A_86 = arith.cmpi slt, %scan3A_49, %lt3A_85 : i32
        %convert_element_type3A_87 = arith.extui %lt3A_86 : i1 to i32
        %cond3A_88 = arith.constant 0 : i32
        %cond3A_89 = arith.cmpi ne, %convert_element_type3A_87, %cond3A_88 : i32
        scf.if %cond3A_89 {
          %add3A_108 = arith.constant 1 : i32
          %add3A_109 = arith.addi %scan3A_49, %add3A_108 : i32
          %dma_start3A_110 = arith.constant 0 : i32
          %dma_start3A_111 = arith.constant 0 : i32
          %dma_start3A_112 = tpu.memref_slice %arg7[%dma_start3A_110, %dma_start3A_111] : memref<2x100xi32, #tpu.memory_space<vmem>> -> memref<1x100xi32, #tpu.memory_space<vmem>>
          %dma_start3A_113 = tpu.memref_squeeze %dma_start3A_112 : memref<1x100xi32, #tpu.memory_space<vmem>> -> memref<100xi32, #tpu.memory_space<vmem>>
          %dma_start3A_114 = arith.constant 0 : i32
          %dma_start3A_115 = tpu.memref_slice %arg4[%add3A, %add3A_109, %dma_start3A_114] : memref<32x100x100xi32, #tpu.memory_space<hbm>> -> memref<1x1x100xi32, #tpu.memory_space<hbm>>
          %dma_start3A_116 = tpu.memref_squeeze %dma_start3A_115 : memref<1x1x100xi32, #tpu.memory_space<hbm>> -> memref<100xi32, #tpu.memory_space<hbm>>
          %dma_start3A_117 = arith.constant 0 : i32
          %dma_start3A_118 = tpu.memref_slice %arg7[%dma_start3A_110, %dma_start3A_117] : memref<2x100xi32, #tpu.memory_space<vmem>> -> memref<1x100xi32, #tpu.memory_space<vmem>>
          %dma_start3A_119 = tpu.memref_squeeze %dma_start3A_118 : memref<1x100xi32, #tpu.memory_space<vmem>> -> memref<100xi32, #tpu.memory_space<vmem>>
          %dma_start3A_120 = arith.constant 0 : i32
          %dma_start3A_121 = tpu.memref_slice %arg4[%add3A, %add3A_109, %dma_start3A_120] : memref<32x100x100xi32, #tpu.memory_space<hbm>> -> memref<1x1x100xi32, #tpu.memory_space<hbm>>
          %dma_start3A_122 = tpu.memref_squeeze %dma_start3A_121 : memref<1x1x100xi32, #tpu.memory_space<hbm>> -> memref<100xi32, #tpu.memory_space<hbm>>
          tpu.enqueue_dma source(%dma_start3A_122 : memref<100xi32, #tpu.memory_space<hbm>>) target(%dma_start3A_119 : memref<100xi32, #tpu.memory_space<vmem>>) target_semaphore(%arg13 : memref<!tpu.dma_semaphore, #tpu.memory_space<semaphore_mem>>)
          %add3A_123 = arith.constant 1 : i32
          %add3A_124 = arith.addi %scan3A_49, %add3A_123 : i32
          %dma_start3A_125 = arith.constant 0 : i32
          %dma_start3A_126 = tpu.memref_slice %arg6[%add3A_124, %dma_start3A_125] : memref<100x100xi32, #tpu.memory_space<vmem>> -> memref<1x100xi32, #tpu.memory_space<vmem>>
          %dma_start3A_127 = tpu.memref_squeeze %dma_start3A_126 : memref<1x100xi32, #tpu.memory_space<vmem>> -> memref<100xi32, #tpu.memory_space<vmem>>
          %dma_start3A_128 = arith.constant 0 : i32
          %dma_start3A_129 = arith.constant 0 : i32
          %dma_start3A_130 = tpu.memref_slice %arg2[%dma_start3A_128, %dma_start3A_129] : memref<10240x128xf32, #tpu.memory_space<hbm>> -> memref<10240x128xf32, #tpu.memory_space<hbm>>
          tpu.enqueue_indirect_dma source(%dma_start3A_130 : memref<10240x128xf32, #tpu.memory_space<hbm>>) target(%arg8 : memref<100x128xf32, #tpu.memory_space<vmem>>) offsets(%dma_start3A_127 : memref<100xi32, #tpu.memory_space<vmem>>) semaphore(%arg11 : memref<!tpu.dma_semaphore, #tpu.memory_space<semaphore_mem>>)
        } else {
        }
        %dma_wait3A = arith.constant 0 : i32
        %dma_wait3A_90 = tpu.memref_slice %arg6[%scan3A_49, %dma_wait3A] : memref<100x100xi32, #tpu.memory_space<vmem>> -> memref<1x100xi32, #tpu.memory_space<vmem>>
        %dma_wait3A_91 = tpu.memref_squeeze %dma_wait3A_90 : memref<1x100xi32, #tpu.memory_space<vmem>> -> memref<100xi32, #tpu.memory_space<vmem>>
        %dma_wait3A_92 = arith.constant 0 : i32
        %dma_wait3A_93 = arith.constant 0 : i32
        %dma_wait3A_94 = tpu.memref_slice %arg2[%dma_wait3A_92, %dma_wait3A_93] : memref<10240x128xf32, #tpu.memory_space<hbm>> -> memref<10240x128xf32, #tpu.memory_space<hbm>>
        tpu.wait_indirect_dma semaphore(%arg12 : memref<!tpu.dma_semaphore, #tpu.memory_space<semaphore_mem>>) src(%dma_wait3A_94 : memref<10240x128xf32, #tpu.memory_space<hbm>>) dst(%arg9 : memref<100x128xf32, #tpu.memory_space<vmem>>)
        %dma_wait3A_95 = arith.constant 1 : i32
        %dma_wait3A_96 = arith.constant 0 : i32
        %dma_wait3A_97 = tpu.memref_slice %arg7[%dma_wait3A_95, %dma_wait3A_96] : memref<2x100xi32, #tpu.memory_space<vmem>> -> memref<1x100xi32, #tpu.memory_space<vmem>>
        %dma_wait3A_98 = tpu.memref_squeeze %dma_wait3A_97 : memref<1x100xi32, #tpu.memory_space<vmem>> -> memref<100xi32, #tpu.memory_space<vmem>>
        %dma_wait3A_99 = arith.constant 0 : i32
        %dma_wait3A_100 = tpu.memref_slice %arg4[%add3A, %scan3A_49, %dma_wait3A_99] : memref<32x100x100xi32, #tpu.memory_space<hbm>> -> memref<1x1x100xi32, #tpu.memory_space<hbm>>
        %dma_wait3A_101 = tpu.memref_squeeze %dma_wait3A_100 : memref<1x1x100xi32, #tpu.memory_space<hbm>> -> memref<100xi32, #tpu.memory_space<hbm>>
        %dma_wait3A_102 = arith.constant 0 : i32
        %dma_wait3A_103 = tpu.memref_slice %arg7[%dma_wait3A_95, %dma_wait3A_102] : memref<2x100xi32, #tpu.memory_space<vmem>> -> memref<1x100xi32, #tpu.memory_space<vmem>>
        %dma_wait3A_104 = tpu.memref_squeeze %dma_wait3A_103 : memref<1x100xi32, #tpu.memory_space<vmem>> -> memref<100xi32, #tpu.memory_space<vmem>>
        %dma_wait3A_105 = arith.constant 0 : i32
        %dma_wait3A_106 = tpu.memref_slice %arg4[%add3A, %scan3A_49, %dma_wait3A_105] : memref<32x100x100xi32, #tpu.memory_space<hbm>> -> memref<1x1x100xi32, #tpu.memory_space<hbm>>
        %dma_wait3A_107 = tpu.memref_squeeze %dma_wait3A_106 : memref<1x1x100xi32, #tpu.memory_space<hbm>> -> memref<100xi32, #tpu.memory_space<hbm>>
        tpu.wait_dma2 semaphore(%arg14 : memref<!tpu.dma_semaphore, #tpu.memory_space<semaphore_mem>>) src(%dma_wait3A_107 : memref<100xi32, #tpu.memory_space<hbm>>) dst(%dma_wait3A_104 : memref<100xi32, #tpu.memory_space<vmem>>)
        %run_scoped3A = arith.constant 1 : i32
        "tpu.region"() ({
          %run_scoped3A_108 = tpu.sem_alloc : memref<!tpu.dma_semaphore, #tpu.memory_space<semaphore_mem>>
          %dma_start3A_109 = arith.constant 0 : i32
          %dma_start3A_110 = tpu.memref_slice %arg7[%run_scoped3A, %dma_start3A_109] : memref<2x100xi32, #tpu.memory_space<vmem>> -> memref<1x100xi32, #tpu.memory_space<vmem>>
          %dma_start3A_111 = tpu.memref_squeeze %dma_start3A_110 : memref<1x100xi32, #tpu.memory_space<vmem>> -> memref<100xi32, #tpu.memory_space<vmem>>
          %dma_start3A_112 = arith.constant 0 : i32
          %dma_start3A_113 = arith.constant 0 : i32
          %dma_start3A_114 = tpu.memref_slice %arg10[%dma_start3A_112, %dma_start3A_113] : memref<10240x128xf32, #tpu.memory_space<vmem_shared>> -> memref<10240x128xf32, #tpu.memory_space<vmem_shared>>
          tpu.enqueue_indirect_dma source(%arg9 : memref<100x128xf32, #tpu.memory_space<vmem>>) target(%dma_start3A_114 : memref<10240x128xf32, #tpu.memory_space<vmem_shared>>) offsets(%dma_start3A_111 : memref<100xi32, #tpu.memory_space<vmem>>) semaphore(%run_scoped3A_108 : memref<!tpu.dma_semaphore, #tpu.memory_space<semaphore_mem>>) {add = true}
          %dma_wait3A_115 = arith.constant 0 : i32
          %dma_wait3A_116 = tpu.memref_slice %arg7[%run_scoped3A, %dma_wait3A_115] : memref<2x100xi32, #tpu.memory_space<vmem>> -> memref<1x100xi32, #tpu.memory_space<vmem>>
          %dma_wait3A_117 = tpu.memref_squeeze %dma_wait3A_116 : memref<1x100xi32, #tpu.memory_space<vmem>> -> memref<100xi32, #tpu.memory_space<vmem>>
          %dma_wait3A_118 = arith.constant 0 : i32
          %dma_wait3A_119 = arith.constant 0 : i32
          %dma_wait3A_120 = tpu.memref_slice %arg10[%dma_wait3A_118, %dma_wait3A_119] : memref<10240x128xf32, #tpu.memory_space<vmem_shared>> -> memref<10240x128xf32, #tpu.memory_space<vmem_shared>>
          tpu.wait_indirect_dma semaphore(%run_scoped3A_108 : memref<!tpu.dma_semaphore, #tpu.memory_space<semaphore_mem>>) src(%arg9 : memref<100x128xf32, #tpu.memory_space<vmem>>) dst(%dma_wait3A_120 : memref<10240x128xf32, #tpu.memory_space<vmem_shared>>)
          tpu.yield
        }) : () -> ()
      } else {
      }
      %scan3A_84 = arith.constant 0 : i32
      scf.yield %scan3A_84 : i32
    }
    %scan3A_40 = arith.constant 100 : i32
    %barrier3A_41 = arith.constant 0 : index
    tpu.barrier barrier_id(%barrier3A_41)
    %scan3A_42 = arith.constant 0 : i32
    %scan3A_43 = arith.constant 0 : i32
    %scan3A_44 = arith.constant 8 : i32
    %scan3A_45 = arith.addi %scan3A_43, %scan3A_44 : i32
    %scan3A_46 = arith.constant 1 : i32
    %scan3A_47 = scf.for %scan3A_49 = %scan3A_43 to %scan3A_45 step %scan3A_46 iter_args(%scan3A_50 = %scan3A_42) -> (i32)  : i32 {
      %mul3A_51 = arith.constant 640 : i32
      %mul3A_52 = arith.muli %arg1, %mul3A_51 : i32
      %mul3A_53 = arith.constant 80 : i32
      %mul3A_54 = arith.muli %scan3A_49, %mul3A_53 : i32
      %add3A_55 = arith.addi %mul3A_52, %mul3A_54 : i32
      %mul3A_56 = arith.constant 640 : i32
      %mul3A_57 = arith.muli %arg1, %mul3A_56 : i32
      %mul3A_58 = arith.constant 80 : i32
      %mul3A_59 = arith.muli %scan3A_49, %mul3A_58 : i32
      %add3A_60 = arith.addi %mul3A_57, %mul3A_59 : i32
      "tpu.region"() ({
        %run_scoped3A = tpu.sem_alloc : memref<!tpu.dma_semaphore, #tpu.memory_space<semaphore_mem>>
        %dma_start3A_62 = arith.constant 0 : i32
        %dma_start3A_63 = tpu.memref_slice %arg5[%arg0, %add3A_60, %dma_start3A_62] : memref<2x10240x128xf32, #tpu.memory_space<hbm>> -> memref<1x80x128xf32, #tpu.memory_space<hbm>>
        %dma_start3A_64 = tpu.memref_squeeze %dma_start3A_63 : memref<1x80x128xf32, #tpu.memory_space<hbm>> -> memref<80x128xf32, #tpu.memory_space<hbm>>
        %dma_start3A_65 = arith.constant 0 : i32
        %dma_start3A_66 = tpu.memref_slice %arg10[%add3A_55, %dma_start3A_65] : memref<10240x128xf32, #tpu.memory_space<vmem_shared>> -> memref<80x128xf32, #tpu.memory_space<vmem_shared>>
        tpu.enqueue_dma source(%dma_start3A_66 : memref<80x128xf32, #tpu.memory_space<vmem_shared>>) target(%dma_start3A_64 : memref<80x128xf32, #tpu.memory_space<hbm>>) target_semaphore(%run_scoped3A : memref<!tpu.dma_semaphore, #tpu.memory_space<semaphore_mem>>)
        %dma_wait3A = arith.constant 0 : i32
        %dma_wait3A_67 = tpu.memref_slice %arg5[%arg0, %add3A_60, %dma_wait3A] : memref<2x10240x128xf32, #tpu.memory_space<hbm>> -> memref<1x80x128xf32, #tpu.memory_space<hbm>>
        %dma_wait3A_68 = tpu.memref_squeeze %dma_wait3A_67 : memref<1x80x128xf32, #tpu.memory_space<hbm>> -> memref<80x128xf32, #tpu.memory_space<hbm>>
        %dma_wait3A_69 = arith.constant 0 : i32
        %dma_wait3A_70 = tpu.memref_slice %arg10[%add3A_55, %dma_wait3A_69] : memref<10240x128xf32, #tpu.memory_space<vmem_shared>> -> memref<80x128xf32, #tpu.memory_space<vmem_shared>>
        tpu.wait_dma2 semaphore(%run_scoped3A : memref<!tpu.dma_semaphore, #tpu.memory_space<semaphore_mem>>) src(%dma_wait3A_70 : memref<80x128xf32, #tpu.memory_space<vmem_shared>>) dst(%dma_wait3A_68 : memref<80x128xf32, #tpu.memory_space<hbm>>)
        tpu.yield
      }) : () -> ()
      %scan3A_61 = arith.constant 0 : i32
      scf.yield %scan3A_61 : i32
    }
    %scan3A_48 = arith.constant 8 : i32
    return
  }
}

module attributes {stable_mosaic.version = 14 : i64} {
  func.func @_tc1_body(%arg0: i32, %arg1: memref<256x128xf32, #tpu.memory_space<vmem>>, %arg2: memref<128x128xf32, #tpu.memory_space<vmem>>, %arg3: memref<2x256xf32, #tpu.memory_space<vmem>>, %arg4: memref<256x128xf32, #tpu.memory_space<vmem>>, %arg5: memref<256xf32, #tpu.memory_space<vmem>>) attributes {dimension_semantics = [#tpu.dimension_semantics<arbitrary>], iteration_bounds = array<i64: 40>, scalar_prefetch = 0 : i64, scratch_operands = 0 : i64, tpu.core_type = #tpu.core_type<tc>, window_params = [{transform_indices = @transform_0, window_bounds = array<i64: 256, 128>}, {pipeline_mode = #tpu.pipeline_mode<synchronous>, transform_indices = @transform_1, window_bounds = array<i64: 128, 128>}, {transform_indices = @transform_2, window_bounds = array<i64: 2, 256>}, {transform_indices = @transform_3, window_bounds = array<i64: 256, 128>}, {transform_indices = @transform_4, window_bounds = array<i64: 256>}]} {
    %get3A = arith.constant 0 : index
    %get3A_0 = arith.constant 0 : index
    %get3A_1 = vector.load %arg3[%get3A, %get3A_0] : memref<2x256xf32, #tpu.memory_space<vmem>>, vector<1x256xf32>
    %get3A_2 = vector.shape_cast %get3A_1 : vector<1x256xf32> to vector<256xf32>
    %get3A_3 = arith.constant 1 : index
    %get3A_4 = arith.constant 0 : index
    %get3A_5 = vector.load %arg3[%get3A_3, %get3A_4] : memref<2x256xf32, #tpu.memory_space<vmem>>, vector<1x256xf32>
    %get3A_6 = vector.shape_cast %get3A_5 : vector<1x256xf32> to vector<256xf32>
    %add3A = arith.addf %get3A_2, %get3A_6 : vector<256xf32>
    %add3A_7 = arith.constant 1.000000e+00 : f32
    %add3A_8 = vector.broadcast %add3A_7 : f32 to vector<256xf32>
    %add3A_9 = arith.addf %add3A, %add3A_8 : vector<256xf32>
    %rsqrt3A = math.rsqrt %add3A_9 : vector<256xf32>
    %get3A_10 = arith.constant 0 : index
    %get3A_11 = arith.constant 0 : index
    %get3A_12 = vector.load %arg1[%get3A_10, %get3A_11] : memref<256x128xf32, #tpu.memory_space<vmem>>, vector<256x128xf32>
    %get3A_13 = arith.constant 0 : index
    %get3A_14 = arith.constant 0 : index
    %get3A_15 = vector.load %arg2[%get3A_13, %get3A_14] : memref<128x128xf32, #tpu.memory_space<vmem>>, vector<128x128xf32>
    %dot_general3A = arith.constant dense<0.000000e+00> : vector<256x128xf32>
    %dot_general3A_16 = tpu.matmul %get3A_12, %get3A_15, %dot_general3A {dimension_numbers = #tpu.dot_dimension_numbers<[1], [0], [0], [1], [0, 0, 1, 1], [], []>, transpose_lhs_hint = false} : vector<256x128xf32>, vector<128x128xf32>, vector<256x128xf32> -> vector<256x128xf32>
    %broadcast_in_dim3A = vector.shape_cast %rsqrt3A : vector<256xf32> to vector<256x1xf32>
    %mul3A = vector.broadcast %broadcast_in_dim3A : vector<256x1xf32> to vector<256x128xf32>
    %mul3A_17 = arith.mulf %dot_general3A_16, %mul3A : vector<256x128xf32>
    %swap3A = arith.constant 0 : index
    %swap3A_18 = arith.constant 0 : index
    %swap3A_19 = vector.load %arg4[%swap3A, %swap3A_18] : memref<256x128xf32, #tpu.memory_space<vmem>>, vector<256x128xf32>
    tpu.vector_store %arg4[%swap3A, %swap3A_18], %mul3A_17 {strides = array<i32>} : memref<256x128xf32, #tpu.memory_space<vmem>>, vector<256x128xf32>,
    %swap3A_20 = arith.constant 0 : index
    %swap3A_21 = vector.load %arg5[%swap3A_20] : memref<256xf32, #tpu.memory_space<vmem>>, vector<256xf32>
    tpu.vector_store %arg5[%swap3A_20], %rsqrt3A {strides = array<i32>} : memref<256xf32, #tpu.memory_space<vmem>>, vector<256xf32>,
    return
  }
  func.func @transform_0(%arg0: i32) -> (i32, i32) {
    %c0_i32 = arith.constant 0 : i32
    %c0_i32_0 = arith.constant 0 : i32
    return %arg0, %c0_i32 : i32, i32
  }
  func.func @transform_1(%arg0: i32) -> (i32, i32) {
    %c0_i32 = arith.constant 0 : i32
    %c0_i32_0 = arith.constant 0 : i32
    %c0_i32_1 = arith.constant 0 : i32
    return %c0_i32, %c0_i32_0 : i32, i32
  }
  func.func @transform_2(%arg0: i32) -> (i32, i32) {
    %c0_i32 = arith.constant 0 : i32
    %c0_i32_0 = arith.constant 0 : i32
    return %c0_i32, %arg0 : i32, i32
  }
  func.func @transform_3(%arg0: i32) -> (i32, i32) {
    %c0_i32 = arith.constant 0 : i32
    %c0_i32_0 = arith.constant 0 : i32
    return %arg0, %c0_i32 : i32, i32
  }
  func.func @transform_4(%arg0: i32) -> i32 {
    %c0_i32 = arith.constant 0 : i32
    return %arg0 : i32
  }
}

module attributes {stable_mosaic.version = 14 : i64} {
  func.func @_tc2_body(%arg0: i32, %arg1: memref<2x256x128xf32, #tpu.memory_space<vmem>>, %arg2: memref<256x128xf32, #tpu.memory_space<vmem>>, %arg3: memref<256xf32, #tpu.memory_space<vmem>>, %arg4: memref<128xf32, #tpu.memory_space<vmem>>, %arg5: memref<128xf32, #tpu.memory_space<vmem>>, %arg6: memref<128xf32, #tpu.memory_space<vmem>>, %arg7: memref<128x128xf32, #tpu.memory_space<vmem>>, %arg8: memref<256x128xf32, #tpu.memory_space<vmem>>) attributes {dimension_semantics = [#tpu.dimension_semantics<arbitrary>], iteration_bounds = array<i64: 40>, scalar_prefetch = 0 : i64, scratch_operands = 0 : i64, tpu.core_type = #tpu.core_type<tc>, window_params = [{transform_indices = @transform_0, window_bounds = array<i64: 2, 256, 128>}, {transform_indices = @transform_1, window_bounds = array<i64: 256, 128>}, {transform_indices = @transform_2, window_bounds = array<i64: 256>}, {pipeline_mode = #tpu.pipeline_mode<synchronous>, transform_indices = @transform_3, window_bounds = array<i64: 128>}, {pipeline_mode = #tpu.pipeline_mode<synchronous>, transform_indices = @transform_4, window_bounds = array<i64: 128>}, {pipeline_mode = #tpu.pipeline_mode<synchronous>, transform_indices = @transform_5, window_bounds = array<i64: 128>}, {pipeline_mode = #tpu.pipeline_mode<synchronous>, transform_indices = @transform_6, window_bounds = array<i64: 128, 128>}, {transform_indices = @transform_7, window_bounds = array<i64: 256, 128>}]} {
    %get3A = arith.constant 0 : index
    %get3A_0 = vector.load %arg3[%get3A] : memref<256xf32, #tpu.memory_space<vmem>>, vector<256xf32>
    %get3A_1 = arith.constant 0 : index
    %get3A_2 = arith.constant 0 : index
    %get3A_3 = arith.constant 0 : index
    %get3A_4 = vector.load %arg1[%get3A_1, %get3A_2, %get3A_3] : memref<2x256x128xf32, #tpu.memory_space<vmem>>, vector<1x256x128xf32>
    %get3A_5 = vector.shape_cast %get3A_4 : vector<1x256x128xf32> to vector<256x128xf32>
    %get3A_6 = arith.constant 1 : index
    %get3A_7 = arith.constant 0 : index
    %get3A_8 = arith.constant 0 : index
    %get3A_9 = vector.load %arg1[%get3A_6, %get3A_7, %get3A_8] : memref<2x256x128xf32, #tpu.memory_space<vmem>>, vector<1x256x128xf32>
    %get3A_10 = vector.shape_cast %get3A_9 : vector<1x256x128xf32> to vector<256x128xf32>
    %add3A = arith.addf %get3A_5, %get3A_10 : vector<256x128xf32>
    %get3A_11 = arith.constant 0 : index
    %get3A_12 = arith.constant 0 : index
    %get3A_13 = vector.load %arg2[%get3A_11, %get3A_12] : memref<256x128xf32, #tpu.memory_space<vmem>>, vector<256x128xf32>
    %add3A_14 = arith.addf %add3A, %get3A_13 : vector<256x128xf32>
    %broadcast_in_dim3A = vector.shape_cast %get3A_0 : vector<256xf32> to vector<256x1xf32>
    %mul3A = vector.broadcast %broadcast_in_dim3A : vector<256x1xf32> to vector<256x128xf32>
    %mul3A_15 = arith.mulf %add3A_14, %mul3A : vector<256x128xf32>
    %get3A_16 = arith.constant 0 : index
    %get3A_17 = vector.load %arg4[%get3A_16] : memref<128xf32, #tpu.memory_space<vmem>>, vector<128xf32>
    %broadcast_in_dim3A_18 = vector.shape_cast %get3A_17 : vector<128xf32> to vector<1x128xf32>
    %add3A_19 = vector.broadcast %broadcast_in_dim3A_18 : vector<1x128xf32> to vector<256x128xf32>
    %add3A_20 = arith.addf %mul3A_15, %add3A_19 : vector<256x128xf32>
    %max3A = arith.constant 0.000000e+00 : f32
    %max3A_21 = vector.broadcast %max3A : f32 to vector<256x128xf32>
    %max3A_22 = arith.maximumf %add3A_20, %max3A_21 : vector<256x128xf32>
    %reduce_sum3A = arith.constant dense<0.000000e+00> : vector<256xf32>
    %reduce_sum3A_23 = vector.multi_reduction <add>, %max3A_22, %reduce_sum3A [1] : vector<256x128xf32> to vector<256xf32>
    %broadcast_in_dim3A_24 = vector.shape_cast %reduce_sum3A_23 : vector<256xf32> to vector<256x1xf32>
    %div3A = arith.constant 1.280000e+02 : f32
    %div3A_25 = vector.broadcast %div3A : f32 to vector<256x1xf32>
    %div3A_26 = arith.divf %broadcast_in_dim3A_24, %div3A_25 : vector<256x1xf32>
    %sub3A = vector.broadcast %div3A_26 : vector<256x1xf32> to vector<256x128xf32>
    %sub3A_27 = arith.subf %max3A_22, %sub3A : vector<256x128xf32>
    %integer_pow3A = arith.mulf %sub3A_27, %sub3A_27 : vector<256x128xf32>
    %reduce_sum3A_28 = arith.constant dense<0.000000e+00> : vector<256xf32>
    %reduce_sum3A_29 = vector.multi_reduction <add>, %integer_pow3A, %reduce_sum3A_28 [1] : vector<256x128xf32> to vector<256xf32>
    %broadcast_in_dim3A_30 = vector.shape_cast %reduce_sum3A_29 : vector<256xf32> to vector<256x1xf32>
    %div3A_31 = arith.constant 1.280000e+02 : f32
    %div3A_32 = vector.broadcast %div3A_31 : f32 to vector<256x1xf32>
    %div3A_33 = arith.divf %broadcast_in_dim3A_30, %div3A_32 : vector<256x1xf32>
    %sub3A_34 = vector.broadcast %div3A_26 : vector<256x1xf32> to vector<256x128xf32>
    %sub3A_35 = arith.subf %max3A_22, %sub3A_34 : vector<256x128xf32>
    %add3A_36 = arith.constant 9.99999974E-6 : f32
    %add3A_37 = vector.broadcast %add3A_36 : f32 to vector<256x1xf32>
    %add3A_38 = arith.addf %div3A_33, %add3A_37 : vector<256x1xf32>
    %sqrt3A = math.sqrt %add3A_38 : vector<256x1xf32>
    %div3A_39 = vector.broadcast %sqrt3A : vector<256x1xf32> to vector<256x128xf32>
    %div3A_40 = arith.divf %sub3A_35, %div3A_39 : vector<256x128xf32>
    %get3A_41 = arith.constant 0 : index
    %get3A_42 = vector.load %arg5[%get3A_41] : memref<128xf32, #tpu.memory_space<vmem>>, vector<128xf32>
    %broadcast_in_dim3A_43 = vector.shape_cast %get3A_42 : vector<128xf32> to vector<1x128xf32>
    %mul3A_44 = vector.broadcast %broadcast_in_dim3A_43 : vector<1x128xf32> to vector<256x128xf32>
    %mul3A_45 = arith.mulf %div3A_40, %mul3A_44 : vector<256x128xf32>
    %get3A_46 = arith.constant 0 : index
    %get3A_47 = vector.load %arg6[%get3A_46] : memref<128xf32, #tpu.memory_space<vmem>>, vector<128xf32>
    %broadcast_in_dim3A_48 = vector.shape_cast %get3A_47 : vector<128xf32> to vector<1x128xf32>
    %add3A_49 = vector.broadcast %broadcast_in_dim3A_48 : vector<1x128xf32> to vector<256x128xf32>
    %add3A_50 = arith.addf %mul3A_45, %add3A_49 : vector<256x128xf32>
    %get3A_51 = arith.constant 0 : index
    %get3A_52 = arith.constant 0 : index
    %get3A_53 = vector.load %arg7[%get3A_51, %get3A_52] : memref<128x128xf32, #tpu.memory_space<vmem>>, vector<128x128xf32>
    %dot_general3A = arith.constant dense<0.000000e+00> : vector<256x128xf32>
    %dot_general3A_54 = tpu.matmul %add3A_50, %get3A_53, %dot_general3A {dimension_numbers = #tpu.dot_dimension_numbers<[1], [0], [0], [1], [0, 0, 1, 1], [], []>, transpose_lhs_hint = false} : vector<256x128xf32>, vector<128x128xf32>, vector<256x128xf32> -> vector<256x128xf32>
    %broadcast_in_dim3A_55 = vector.shape_cast %get3A_0 : vector<256xf32> to vector<256x1xf32>
    %mul3A_56 = vector.broadcast %broadcast_in_dim3A_55 : vector<256x1xf32> to vector<256x128xf32>
    %mul3A_57 = arith.mulf %dot_general3A_54, %mul3A_56 : vector<256x128xf32>
    %swap3A = arith.constant 0 : index
    %swap3A_58 = arith.constant 0 : index
    %swap3A_59 = vector.load %arg8[%swap3A, %swap3A_58] : memref<256x128xf32, #tpu.memory_space<vmem>>, vector<256x128xf32>
    tpu.vector_store %arg8[%swap3A, %swap3A_58], %mul3A_57 {strides = array<i32>} : memref<256x128xf32, #tpu.memory_space<vmem>>, vector<256x128xf32>,
    return
  }
  func.func @transform_0(%arg0: i32) -> (i32, i32, i32) {
    %c0_i32 = arith.constant 0 : i32
    %c0_i32_0 = arith.constant 0 : i32
    %c0_i32_1 = arith.constant 0 : i32
    return %c0_i32, %arg0, %c0_i32_0 : i32, i32, i32
  }
  func.func @transform_1(%arg0: i32) -> (i32, i32) {
    %c0_i32 = arith.constant 0 : i32
    %c0_i32_0 = arith.constant 0 : i32
    return %arg0, %c0_i32 : i32, i32
  }
  func.func @transform_2(%arg0: i32) -> i32 {
    %c0_i32 = arith.constant 0 : i32
    return %arg0 : i32
  }
  func.func @transform_3(%arg0: i32) -> i32 {
    %c0_i32 = arith.constant 0 : i32
    %c0_i32_0 = arith.constant 0 : i32
    return %c0_i32 : i32
  }
  func.func @transform_4(%arg0: i32) -> i32 {
    %c0_i32 = arith.constant 0 : i32
    %c0_i32_0 = arith.constant 0 : i32
    return %c0_i32 : i32
  }
  func.func @transform_5(%arg0: i32) -> i32 {
    %c0_i32 = arith.constant 0 : i32
    %c0_i32_0 = arith.constant 0 : i32
    return %c0_i32 : i32
  }
  func.func @transform_6(%arg0: i32) -> (i32, i32) {
    %c0_i32 = arith.constant 0 : i32
    %c0_i32_0 = arith.constant 0 : i32
    %c0_i32_1 = arith.constant 0 : i32
    return %c0_i32, %c0_i32_0 : i32, i32
  }
  func.func @transform_7(%arg0: i32) -> (i32, i32) {
    %c0_i32 = arith.constant 0 : i32
    %c0_i32_0 = arith.constant 0 : i32
    return %arg0, %c0_i32 : i32, i32
  }
}

module attributes {stable_mosaic.version = 14 : i64} {
  func.func @_tc3_body(%arg0: i32, %arg1: memref<2x256x128xf32, #tpu.memory_space<vmem>>, %arg2: memref<256x128xf32, #tpu.memory_space<vmem>>, %arg3: memref<256xf32, #tpu.memory_space<vmem>>, %arg4: memref<128xf32, #tpu.memory_space<vmem>>, %arg5: memref<256xi32, #tpu.memory_space<vmem>>, %arg6: memref<128x128xf32, #tpu.memory_space<vmem>>, %arg7: memref<128xf32, #tpu.memory_space<vmem>>, %arg8: memref<128x10xf32, #tpu.memory_space<vmem>>, %arg9: memref<10xf32, #tpu.memory_space<vmem>>, %arg10: memref<256x128xf32, #tpu.memory_space<vmem>>, %arg11: memref<64x10xf32, #tpu.memory_space<vmem>>, %arg12: memref<64x128xf32, #tpu.memory_space<vmem>>) attributes {dimension_semantics = [#tpu.dimension_semantics<arbitrary>], iteration_bounds = array<i64: 40>, scalar_prefetch = 0 : i64, scratch_operands = 1 : i64, tpu.core_type = #tpu.core_type<tc>, window_params = [{transform_indices = @transform_0, window_bounds = array<i64: 2, 256, 128>}, {transform_indices = @transform_1, window_bounds = array<i64: 256, 128>}, {transform_indices = @transform_2, window_bounds = array<i64: 256>}, {pipeline_mode = #tpu.pipeline_mode<synchronous>, transform_indices = @transform_3, window_bounds = array<i64: 128>}, {transform_indices = @transform_4, window_bounds = array<i64: 256>}, {pipeline_mode = #tpu.pipeline_mode<synchronous>, transform_indices = @transform_5, window_bounds = array<i64: 128, 128>}, {pipeline_mode = #tpu.pipeline_mode<synchronous>, transform_indices = @transform_6, window_bounds = array<i64: 128>}, {pipeline_mode = #tpu.pipeline_mode<synchronous>, transform_indices = @transform_7, window_bounds = array<i64: 128, 10>}, {pipeline_mode = #tpu.pipeline_mode<synchronous>, transform_indices = @transform_8, window_bounds = array<i64: 10>}, {transform_indices = @transform_9, window_bounds = array<i64: 256, 128>}, {pipeline_mode = #tpu.pipeline_mode<synchronous>, transform_indices = @transform_10, window_bounds = array<i64: 64, 10>}]} {
    %get3A = arith.constant 0 : index
    %get3A_0 = vector.load %arg3[%get3A] : memref<256xf32, #tpu.memory_space<vmem>>, vector<256xf32>
    %get3A_1 = arith.constant 0 : index
    %get3A_2 = arith.constant 0 : index
    %get3A_3 = arith.constant 0 : index
    %get3A_4 = vector.load %arg1[%get3A_1, %get3A_2, %get3A_3] : memref<2x256x128xf32, #tpu.memory_space<vmem>>, vector<1x256x128xf32>
    %get3A_5 = vector.shape_cast %get3A_4 : vector<1x256x128xf32> to vector<256x128xf32>
    %get3A_6 = arith.constant 1 : index
    %get3A_7 = arith.constant 0 : index
    %get3A_8 = arith.constant 0 : index
    %get3A_9 = vector.load %arg1[%get3A_6, %get3A_7, %get3A_8] : memref<2x256x128xf32, #tpu.memory_space<vmem>>, vector<1x256x128xf32>
    %get3A_10 = vector.shape_cast %get3A_9 : vector<1x256x128xf32> to vector<256x128xf32>
    %add3A = arith.addf %get3A_5, %get3A_10 : vector<256x128xf32>
    %get3A_11 = arith.constant 0 : index
    %get3A_12 = arith.constant 0 : index
    %get3A_13 = vector.load %arg2[%get3A_11, %get3A_12] : memref<256x128xf32, #tpu.memory_space<vmem>>, vector<256x128xf32>
    %add3A_14 = arith.addf %add3A, %get3A_13 : vector<256x128xf32>
    %broadcast_in_dim3A = vector.shape_cast %get3A_0 : vector<256xf32> to vector<256x1xf32>
    %mul3A = vector.broadcast %broadcast_in_dim3A : vector<256x1xf32> to vector<256x128xf32>
    %mul3A_15 = arith.mulf %add3A_14, %mul3A : vector<256x128xf32>
    %get3A_16 = arith.constant 0 : index
    %get3A_17 = vector.load %arg4[%get3A_16] : memref<128xf32, #tpu.memory_space<vmem>>, vector<128xf32>
    %broadcast_in_dim3A_18 = vector.shape_cast %get3A_17 : vector<128xf32> to vector<1x128xf32>
    %add3A_19 = vector.broadcast %broadcast_in_dim3A_18 : vector<1x128xf32> to vector<256x128xf32>
    %add3A_20 = arith.addf %mul3A_15, %add3A_19 : vector<256x128xf32>
    %swap3A = arith.constant 0 : index
    %swap3A_21 = arith.constant 0 : index
    %swap3A_22 = vector.load %arg10[%swap3A, %swap3A_21] : memref<256x128xf32, #tpu.memory_space<vmem>>, vector<256x128xf32>
    tpu.vector_store %arg10[%swap3A, %swap3A_21], %add3A_20 {strides = array<i32>} : memref<256x128xf32, #tpu.memory_space<vmem>>, vector<256x128xf32>,
    %max3A = arith.constant 0.000000e+00 : f32
    %max3A_23 = vector.broadcast %max3A : f32 to vector<256x128xf32>
    %max3A_24 = arith.maximumf %add3A_20, %max3A_23 : vector<256x128xf32>
    %get3A_25 = arith.constant 0 : index
    %get3A_26 = vector.load %arg5[%get3A_25] : memref<256xi32, #tpu.memory_space<vmem>>, vector<256xi32>
    %broadcast_in_dim3A_27 = vector.shape_cast %get3A_26 : vector<256xi32> to vector<1x256xi32>
    %iota3A = tpu.iota {dimensions = array<i32: 0>} : vector<64x256xi32>
    %eq3A = vector.broadcast %broadcast_in_dim3A_27 : vector<1x256xi32> to vector<64x256xi32>
    %eq3A_28 = arith.cmpi eq, %eq3A, %iota3A : vector<64x256xi32>
    %convert_element_type3A = arith.extui %eq3A_28 : vector<64x256xi1> to vector<64x256xi32>
    %convert_element_type3A_29 = arith.sitofp %convert_element_type3A : vector<64x256xi32> to vector<64x256xf32>
    %dot_general3A = arith.constant dense<0.000000e+00> : vector<64x128xf32>
    %dot_general3A_30 = tpu.matmul %convert_element_type3A_29, %max3A_24, %dot_general3A {dimension_numbers = #tpu.dot_dimension_numbers<[1], [0], [0], [1], [0, 0, 1, 1], [], []>, transpose_lhs_hint = false} : vector<64x256xf32>, vector<256x128xf32>, vector<64x128xf32> -> vector<64x128xf32>
    %eq3A_31 = arith.constant 0 : i32
    %eq3A_32 = arith.cmpi eq, %arg0, %eq3A_31 : i32
    %convert_element_type3A_33 = arith.extui %eq3A_32 : i1 to i32
    %cond3A = arith.constant 0 : i32
    %cond3A_34 = arith.cmpi ne, %convert_element_type3A_33, %cond3A : i32
    scf.if %cond3A_34 {
      %swap3A_44 = arith.constant 0 : index
      %swap3A_45 = arith.constant 0 : index
      %swap3A_46 = vector.load %arg12[%swap3A_44, %swap3A_45] : memref<64x128xf32, #tpu.memory_space<vmem>>, vector<64x128xf32>
      tpu.vector_store %arg12[%swap3A_44, %swap3A_45], %dot_general3A_30 {strides = array<i32>} : memref<64x128xf32, #tpu.memory_space<vmem>>, vector<64x128xf32>,
    } else {
    }
    %gt3A = arith.constant 0 : i32
    %gt3A_35 = arith.cmpi sgt, %arg0, %gt3A : i32
    %convert_element_type3A_36 = arith.extui %gt3A_35 : i1 to i32
    %cond3A_37 = arith.constant 0 : i32
    %cond3A_38 = arith.cmpi ne, %convert_element_type3A_36, %cond3A_37 : i32
    scf.if %cond3A_38 {
      %get3A_44 = arith.constant 0 : index
      %get3A_45 = arith.constant 0 : index
      %get3A_46 = vector.load %arg12[%get3A_44, %get3A_45] : memref<64x128xf32, #tpu.memory_space<vmem>>, vector<64x128xf32>
      %add3A_47 = arith.addf %get3A_46, %dot_general3A_30 : vector<64x128xf32>
      %swap3A_48 = arith.constant 0 : index
      %swap3A_49 = arith.constant 0 : index
      %swap3A_50 = vector.load %arg12[%swap3A_48, %swap3A_49] : memref<64x128xf32, #tpu.memory_space<vmem>>, vector<64x128xf32>
      tpu.vector_store %arg12[%swap3A_48, %swap3A_49], %add3A_47 {strides = array<i32>} : memref<64x128xf32, #tpu.memory_space<vmem>>, vector<64x128xf32>,
    } else {
    }
    %eq3A_39 = arith.constant 39 : i32
    %eq3A_40 = arith.cmpi eq, %arg0, %eq3A_39 : i32
    %convert_element_type3A_41 = arith.extui %eq3A_40 : i1 to i32
    %cond3A_42 = arith.constant 0 : i32
    %cond3A_43 = arith.cmpi ne, %convert_element_type3A_41, %cond3A_42 : i32
    scf.if %cond3A_43 {
      %get3A_44 = arith.constant 0 : index
      %get3A_45 = arith.constant 0 : index
      %get3A_46 = vector.load %arg12[%get3A_44, %get3A_45] : memref<64x128xf32, #tpu.memory_space<vmem>>, vector<64x128xf32>
      %get3A_47 = arith.constant 0 : index
      %get3A_48 = arith.constant 0 : index
      %get3A_49 = vector.load %arg6[%get3A_47, %get3A_48] : memref<128x128xf32, #tpu.memory_space<vmem>>, vector<128x128xf32>
      %dot_general3A_50 = arith.constant dense<0.000000e+00> : vector<64x128xf32>
      %dot_general3A_51 = tpu.matmul %get3A_46, %get3A_49, %dot_general3A_50 {dimension_numbers = #tpu.dot_dimension_numbers<[1], [0], [0], [1], [0, 0, 1, 1], [], []>, transpose_lhs_hint = false} : vector<64x128xf32>, vector<128x128xf32>, vector<64x128xf32> -> vector<64x128xf32>
      %get3A_52 = arith.constant 0 : index
      %get3A_53 = vector.load %arg7[%get3A_52] : memref<128xf32, #tpu.memory_space<vmem>>, vector<128xf32>
      %broadcast_in_dim3A_54 = vector.shape_cast %get3A_53 : vector<128xf32> to vector<1x128xf32>
      %add3A_55 = vector.broadcast %broadcast_in_dim3A_54 : vector<1x128xf32> to vector<64x128xf32>
      %add3A_56 = arith.addf %dot_general3A_51, %add3A_55 : vector<64x128xf32>
      %get3A_57 = arith.constant 0 : index
      %get3A_58 = arith.constant 0 : index
      %get3A_59 = vector.load %arg8[%get3A_57, %get3A_58] : memref<128x10xf32, #tpu.memory_space<vmem>>, vector<128x10xf32>
      %dot_general3A_60 = arith.constant dense<0.000000e+00> : vector<64x10xf32>
      %dot_general3A_61 = tpu.matmul %add3A_56, %get3A_59, %dot_general3A_60 {dimension_numbers = #tpu.dot_dimension_numbers<[1], [0], [0], [1], [0, 0, 1, 1], [], []>, transpose_lhs_hint = false} : vector<64x128xf32>, vector<128x10xf32>, vector<64x10xf32> -> vector<64x10xf32>
      %get3A_62 = arith.constant 0 : index
      %get3A_63 = vector.load %arg9[%get3A_62] : memref<10xf32, #tpu.memory_space<vmem>>, vector<10xf32>
      %broadcast_in_dim3A_64 = vector.shape_cast %get3A_63 : vector<10xf32> to vector<1x10xf32>
      %add3A_65 = vector.broadcast %broadcast_in_dim3A_64 : vector<1x10xf32> to vector<64x10xf32>
      %add3A_66 = arith.addf %dot_general3A_61, %add3A_65 : vector<64x10xf32>
      %reduce_max3A = arith.constant dense<0xFF800000> : vector<64xf32>
      %reduce_max3A_67 = vector.multi_reduction <maximumf>, %add3A_66, %reduce_max3A [1] : vector<64x10xf32> to vector<64xf32>
      %broadcast_in_dim3A_68 = vector.shape_cast %reduce_max3A_67 : vector<64xf32> to vector<64x1xf32>
      %sub3A = vector.broadcast %broadcast_in_dim3A_68 : vector<64x1xf32> to vector<64x10xf32>
      %sub3A_69 = arith.subf %add3A_66, %sub3A : vector<64x10xf32>
      %sub3A_70 = vector.broadcast %broadcast_in_dim3A_68 : vector<64x1xf32> to vector<64x10xf32>
      %sub3A_71 = arith.subf %add3A_66, %sub3A_70 : vector<64x10xf32>
      %exp3A = math.exp %sub3A_71 : vector<64x10xf32>
      %reduce_sum3A = arith.constant dense<0.000000e+00> : vector<64xf32>
      %reduce_sum3A_72 = vector.multi_reduction <add>, %exp3A, %reduce_sum3A [1] : vector<64x10xf32> to vector<64xf32>
      %broadcast_in_dim3A_73 = vector.shape_cast %reduce_sum3A_72 : vector<64xf32> to vector<64x1xf32>
      %log3A = math.log %broadcast_in_dim3A_73 : vector<64x1xf32>
      %sub3A_74 = vector.broadcast %log3A : vector<64x1xf32> to vector<64x10xf32>
      %sub3A_75 = arith.subf %sub3A_69, %sub3A_74 : vector<64x10xf32>
      %swap3A_76 = arith.constant 0 : index
      %swap3A_77 = arith.constant 0 : index
      %swap3A_78 = vector.load %arg11[%swap3A_76, %swap3A_77] : memref<64x10xf32, #tpu.memory_space<vmem>>, vector<64x10xf32>
      tpu.vector_store %arg11[%swap3A_76, %swap3A_77], %sub3A_75 {strides = array<i32>} : memref<64x10xf32, #tpu.memory_space<vmem>>, vector<64x10xf32>,
    } else {
    }
    return
  }
  func.func @transform_0(%arg0: i32) -> (i32, i32, i32) {
    %c0_i32 = arith.constant 0 : i32
    %c0_i32_0 = arith.constant 0 : i32
    %c0_i32_1 = arith.constant 0 : i32
    return %c0_i32, %arg0, %c0_i32_0 : i32, i32, i32
  }
  func.func @transform_1(%arg0: i32) -> (i32, i32) {
    %c0_i32 = arith.constant 0 : i32
    %c0_i32_0 = arith.constant 0 : i32
    return %arg0, %c0_i32 : i32, i32
  }
  func.func @transform_2(%arg0: i32) -> i32 {
    %c0_i32 = arith.constant 0 : i32
    return %arg0 : i32
  }
  func.func @transform_3(%arg0: i32) -> i32 {
    %c0_i32 = arith.constant 0 : i32
    %c0_i32_0 = arith.constant 0 : i32
    return %c0_i32 : i32
  }
  func.func @transform_4(%arg0: i32) -> i32 {
    %c0_i32 = arith.constant 0 : i32
    return %arg0 : i32
  }
  func.func @transform_5(%arg0: i32) -> (i32, i32) {
    %c0_i32 = arith.constant 0 : i32
    %c0_i32_0 = arith.constant 0 : i32
    %c0_i32_1 = arith.constant 0 : i32
    return %c0_i32, %c0_i32_0 : i32, i32
  }
  func.func @transform_6(%arg0: i32) -> i32 {
    %c0_i32 = arith.constant 0 : i32
    %c0_i32_0 = arith.constant 0 : i32
    return %c0_i32 : i32
  }
  func.func @transform_7(%arg0: i32) -> (i32, i32) {
    %c0_i32 = arith.constant 0 : i32
    %c0_i32_0 = arith.constant 0 : i32
    %c0_i32_1 = arith.constant 0 : i32
    return %c0_i32, %c0_i32_0 : i32, i32
  }
  func.func @transform_8(%arg0: i32) -> i32 {
    %c0_i32 = arith.constant 0 : i32
    %c0_i32_0 = arith.constant 0 : i32
    return %c0_i32 : i32
  }
  func.func @transform_9(%arg0: i32) -> (i32, i32) {
    %c0_i32 = arith.constant 0 : i32
    %c0_i32_0 = arith.constant 0 : i32
    return %arg0, %c0_i32 : i32, i32
  }
  func.func @transform_10(%arg0: i32) -> (i32, i32) {
    %c0_i32 = arith.constant 0 : i32
    %c0_i32_0 = arith.constant 0 : i32
    %c0_i32_1 = arith.constant 0 : i32
    return %c0_i32, %c0_i32_0 : i32, i32
  }
}

</mosaic_0001>

<sc_bundles>
// kernel: kernel.11.cloned.1.call-start
scs
__scs_entry_jumppad:
0x0: {  	(pc) =	sbr.rel $0x88, $3  }
0x1: {  	(tag) =	ssettag $0x0;
	lr =	simm.s32 $0x1  }
0x2: {  	[smem:$0x3F94] =	sst lr;
	_ =	strace $0xD0000000  }
0x3: {  	_ = 	snop  }
0x4: {  	_ = 	snop  }
0x5: {  	_ = 	snop  }
0x6: {  	_ = 	snop  }
0x7: {  	_ = 	snop  }
__scs_overlays_trampoline_lowered:
0x8: {  	[smem:$0x3FA3] =	sst s0  }
0x9: {  	[smem:$0x3FA4] =	sst s1  }
0xa: {  	[smem:$0x3FA5] =	sst s2  }
0xb: {  	[smem:$0x3FA6] =	sst s3  }
0xc: {  	[smem:$0x3FA7] =	sst s4  }
0xd: {  	[smem:$0x3FA8] =	sst s5  }
0xe: {  	[smem:$0x3FA9] =	sst s6  }
0xf: {  	[smem:$0x3FAA] =	sst s7  }
0x10: {  	[smem:$0x3FAB] =	sst s8  }
0x11: {  	[smem:$0x3FAC] =	sst s9;
	s0 =	simm.s32 @!p0 $0x0  }
0x12: {  	s1 =	sld [smem:$0x3F92];
	s0 =	simm.s32 @p0 $0x1  }
0x13: {  	[smem:$0x3FAD] =	sst s0;
	s0 =	simm.s32 @!p1 $0x0  }
0x14: {  	s2 =	sld [smem:$0x3F91];
	s0 =	simm.s32 @p1 $0x1  }
0x15: {  	[smem:$0x3FAE] =	sst s0;
	s0 =	simm.s32 @!p2 $0x0  }
0x16: {  	s3 =	sld [smem:$0x3FDB];
	s0 =	simm.s32 @p2 $0x1  }
0x17: {  	s4 =	simm.s32 $0x1BF5;
	[smem:$0x3FB0] =	sst s0  }
0x18: {  	s0 =	sld [smem:$0x3F93];
	_ =	swait.ge [sflag:s4], $0x0  }
0x19: {  	s7 =	sld [smem:$0x3F94]  }
0x1a: {  	s8 =	sadd.s32 $0xFFFFE003, lr  }
0x1b: {  	s9 =	sadd.s32 $0xFFFFFEF7, lr;
	s5 =	simm.s32 $0xFFFFFFFF;
	p2 =	slt.u32 s8, $0xFFFFF086  }
0x1c: {  	p1 =	slt.u32 s9, $0xF7A;
	s5 =	simm.s32 @!p2 $0x0  }
0x1d: {  	s5 =	simm.s32 @p1 $0x1;
	p0 =	seq.s32 s7, s2  }
0x1e: {  	s7 =	smul.u32 @!p0 $0xF7A, s2;
	p2 =	seq.s32 @!p0 s5, $0x0  }
0x1f: {  	s9 =	smul.u32 $0xF7A, s1;
	s8 =	simm.s32 @!p0 $0x1BF5;
	p2 =	por !p2, p0  }
0x20: {  	[sflag:s8] =	ssyncset.s32 @!p0 $0xFFFFF086;
	s6 =	sadd.s32 @!p0 s3, s7;
	s7 =	simm.s32 @!p0 $0x108  }
0x21: {  	s3 =	sadd.s32 s3, s9;
	s6 =	sadd.s32 @!p0 $0x88, s6;
	s7 =	simm.s32 @p2 $0x1082  }
0x22: {  	[simem:s7], [sflag:s8] =	dma.local @!p0 [hbm:s6], $0xF7A  }
0x23: {  	s9 =	sor.u32 $0xD0000000, s2;
	s6 =	simm.s32 $0x108;
	_ =	swait.ge @!p0 [sflag:s8], $0x0  }
0x24: {  	s3 =	sadd.s32 $0x88, s3;
	s6 =	simm.s32 @!p1 $0x1082;
	[sflag:s4] =	ssyncset.s32 $0xFFFFF086  }
0x25: {  	[simem:s6], [sflag:s4] =	dma.local [hbm:s3], $0xF7A  }
0x26: {  	[smem:$0x3F94] =	sst s1;
	(tag) =	ssettag s2;
	_ =	strace s9  }
0x27: {  	s1 =	sld [smem:$0x3FA4]  }
0x28: {  	s2 =	sld [smem:$0x3FA5]  }
0x29: {  	s4 =	sld [smem:$0x3FA7]  }
0x2a: {  	p0 =	seq.s32 s5, $0x0;
	s5 =	sld [smem:$0x3FA8]  }
0x2b: {  	s6 =	sld [smem:$0x3FA9]  }
0x2c: {  	s7 =	sld [smem:$0x3FAA]  }
0x2d: {  	s3 =	simm.s32 $0x108;
	s8 =	sld [smem:$0x3FAB]  }
0x2e: {  	s3 =	simm.s32 @!p0 $0x1082;
	s9 =	sld [smem:$0x3FAC]  }
0x2f: {  	lr =	sadd.s32 s0, s3;
	s0 =	sld [smem:$0x3FA3]  }
0x30: {  	s3 =	sld [smem:$0x3FA6]  }
0x31: {  	[smem:$0x3FAF] =	sst s10  }
0x32: {  	s10 =	sld [smem:$0x3FAD];
	_ =	sdelay $0x3  }
0x33: {  	p0 =	seq.s32 s10, $0x1;
	s10 =	sld [smem:$0x3FAF];
	_ =	sdelay $0x3  }
0x34: {  	[smem:$0x3FAF] =	sst s10  }
0x35: {  	s10 =	sld [smem:$0x3FAE];
	_ =	sdelay $0x3  }
0x36: {  	p1 =	seq.s32 s10, $0x1;
	s10 =	sld [smem:$0x3FAF];
	_ =	sdelay $0x3  }
0x37: {  	[smem:$0x3FAF] =	sst s10  }
0x38: {  	s10 =	sld [smem:$0x3FB0]  }
0x39: {  	_ = 	snop;
	(pc) =	sbr.ind lr, $3  }
0x3a: {  	_ = 	snop  }
0x3b: {  	_ = 	snop  }
0x3c: {  	p2 =	seq.s32 s10, $0x1;
	s10 =	sld [smem:$0x3FAF]  }
0x3d: {  	_ =	shalt  }
0x3e: {  	_ =	shalt  }
0x3f: {  	_ =	shalt  }
0x40: {  	_ =	shalt  }
0x41: {  	_ =	shalt  }
0x42: {  	_ =	shalt  }
0x43: {  	_ =	shalt  }
0x44: {  	_ =	shalt  }
0x45: {  	_ =	shalt  }
0x46: {  	_ =	shalt  }
0x47: {  	_ =	shalt  }
0x48: {  	_ =	shalt  }
0x49: {  	_ =	shalt  }
0x4a: {  	_ =	shalt  }
0x4b: {  	_ =	shalt  }
0x4c: {  	_ =	shalt  }
0x4d: {  	_ =	shalt  }
0x4e: {  	_ =	shalt  }
0x4f: {  	_ =	shalt  }
0x50: {  	_ =	shalt  }
0x51: {  	_ =	shalt  }
0x52: {  	_ =	shalt  }
0x53: {  	_ =	shalt  }
0x54: {  	_ =	shalt  }
0x55: {  	_ =	shalt  }
0x56: {  	_ =	shalt  }
0x57: {  	_ =	shalt  }
0x58: {  	_ =	shalt  }
0x59: {  	_ =	shalt  }
0x5a: {  	_ =	shalt  }
0x5b: {  	_ =	shalt  }
0x5c: {  	_ =	shalt  }
0x5d: {  	_ =	shalt  }
0x5e: {  	_ =	shalt  }
0x5f: {  	_ =	shalt  }
0x60: {  	_ =	shalt  }
0x61: {  	_ =	shalt  }
0x62: {  	_ =	shalt  }
0x63: {  	_ =	shalt  }
0x64: {  	_ =	shalt  }
0x65: {  	_ =	shalt  }
0x66: {  	_ =	shalt  }
0x67: {  	_ =	shalt  }
0x68: {  	_ =	shalt  }
0x69: {  	_ =	shalt  }
0x6a: {  	_ =	shalt  }
0x6b: {  	_ =	shalt  }
0x6c: {  	_ =	shalt  }
0x6d: {  	_ =	shalt  }
0x6e: {  	_ =	shalt  }
0x6f: {  	_ =	shalt  }
0x70: {  	_ =	shalt  }
0x71: {  	_ =	shalt  }
0x72: {  	_ =	shalt  }
0x73: {  	_ =	shalt  }
0x74: {  	_ =	shalt  }
0x75: {  	_ =	shalt  }
0x76: {  	_ =	shalt  }
0x77: {  	_ =	shalt  }
0x78: {  	_ =	shalt  }
0x79: {  	_ =	shalt  }
0x7a: {  	_ =	shalt  }
0x7b: {  	_ =	shalt  }
0x7c: {  	_ =	shalt  }
0x7d: {  	_ =	shalt  }
0x7e: {  	_ =	shalt  }
0x7f: {  	_ =	shalt  }
0x80: {  	_ =	shalt  }
0x81: {  	_ =	shalt  }
0x82: {  	_ =	shalt  }
0x83: {  	_ =	shalt  }
0x84: {  	_ =	shalt  }
0x85: {  	_ =	shalt  }
0x86: {  	_ =	shalt  }
0x87: {  	_ =	shalt  }
.Lfunc_end0:
.L_simem_size_0:
called_computation.1_lowered:
.L_overlay_start_0:
0x88: {  	s2 =	sld [smem:$0x3FD9]  }
0x89: {  	s3 =	sld [smem:$0x3FFE];
	_ =	sdelay $0x1  }
0x8a: {  	s1 =	srdreg.scid  }
0x8b: {  	s0 =	sand.u32 $0x1, s1  }
0x8c: {  	s16 =	sshll.u32 s0, $0xA;
	s2 =	sadd.s32 s3, s2  }
0x8d: {  	s2 =	sadd.s32 s2, s16  }
0x8e: {  	[smem:$0x3FBB] =	sst s2  }
0x8f: {  	_ = 	snop  }
0x90: {  	(tm) =	ssettm $0x1  }
0x91: {  	s17 =	sld [smem:$0x3FFB];
	_ =	sdelay $0x3  }
0x92: {  	_ =	strace s17  }
0x93: {  	s2 =	sld [smem:$0x3FFC];
	_ =	sdelay $0x3  }
0x94: {  	_ =	strace s2  }
0x95: {  	s2 =	sld [smem:$0x3FFD];
	_ =	sdelay $0x3  }
0x96: {  	_ =	strace s2  }
0x97: {  	_ =	strace $0x8FFFFFFF  }
0x98: {  	s18 =	sld [smem:$0x3FDB];
	_ =	sdelay $0x1  }
0x99: {  	s19 =	simm.s32 $_scs_section_size  }
0x9a: {  	s4 =	simm.s32 $_size__tile_overlayer_lowered;
	s5 =	simm.s32 $_tile_overlayer_lowered  }
0x9b: {  	s22 =	simm.s32 $0x1BFF;
	s21 =	sshll.u32 s5, $0x1;
	s2 =	sadd.s32 s19, s18  }
0x9c: {  	s6 =	simm.s32 $0x0;
	s20 =	sshll.u32 s4, $0x1;
	s4 =	sadd.s32 s21, s2  }
0x9d: {  	[timem:s6], [sflag:s22] =	dma.local [hbm:s4], s20  }
0x9e: {  	_ =	swait.ge [sflag:s22], s20  }
0x9f: {  	s3 =	ssub.s32 $0x0, s20;
	[sflag:s22] =	ssyncset.done $0x0  }
0xa0: {  	[sflag:s22] =	ssyncadd.s32 s3;
	_ =	sdelay $0x1  }
0xa1: {  	s23 =	simm.s32 $0x1B8B  }
0xa2: {  	_ =	swait.ge [sflag:s23], $0x1  }
0xa3: {  	[sflag:s23] =	ssyncset.done $0x0  }
0xa4: {  	s25 =	simm.s32 $0x1B8E;
	s24 =	sld [smem:$0x3FFE];
	[sflag:s23] =	ssyncadd.s32 $0xFFFFFFFF  }
0xa5: {  	s26 =	simm.s32 $execute0_lowered;
	[smem:$0x3FD2] =	sst s25  }
0xa6: {  	s4 =	sshll.u32 s26, $0x1;
	_ =	strace $0x80000049;
	[dreg:$0x1] =	wrdreg $0xFFFFFFFF  }
0xa7: {  	s28 =	simm.s32 $_size_execute0_lowered;
	s2 =	sadd.s32 s2, s4;
	[dreg:$0x0] =	wrdreg $0x0  }
0xa8: {  	s4 =	sshll.u32 s28, $0x1;
	[dreg:$0x2] =	wrdreg s2  }
0xa9: {  	[dreg:$0x3] =	wrdreg s4  }
0xaa: {  	[dreg:$0x4] =	wrdreg $0xC0  }
0xab: {  	_ =	task [dreg:s6], $0x5FFFF  }
0xac: {  	[dreg:$0x1] =	wrdreg $0xFFFFFFFF  }
0xad: {  	[dreg:$0x0] =	wrdreg $0x60  }
0xae: {  	[dreg:$0x2] =	wrdreg s24  }
0xaf: {  	[dreg:$0x3] =	wrdreg $0x9D000  }
0xb0: {  	[dreg:$0x4] =	wrdreg $0x9  }
0xb1: {  	_ =	task.clear_ibuf [dreg:s6], $0x5FFFF;
	_ =	strace $0x90000049  }
0xb2: {  	s29 =	simm.s32 $0x9;
	_ =	strace $0x8000004B  }
0xb3: {  	_ =	swait.ge [sflag:s29], $0x1  }
0xb4: {  	[sflag:s29] =	ssyncadd.s32 $0xFFFFFFFF  }
0xb5: {  	_ =	strace $0x9000004B  }
0xb6: {  	_ =	sfence  }
0xb7: {  	s30 =	sld [smem:$0x0];
	_ =	sdelay $0x2  }
0xb8: {  	s31 =	sshll.u32 s1, $0xD;
	s1 =	sshrl.u32 s1, $0x2  }
0xb9: {  	s3 =	sand.u32 $0x4000, s31;
	s1 =	sadd.s32 s1, s30  }
0xba: {  	s0 =	sor.u32 s3, s0;
	s1 =	sshll.u32 s1, $0x11  }
0xbb: {  	s0 =	sor.u32 s1, s0  }
0xbc: {  	s0 =	sadd.s32 $0x8F2B, s0  }
0xbd: {  	[sflag:s0] =	ssyncadd.remote.s32 $0x1  }
0xbe: {  	_ =	sfence.sel $0xFFFF  }
0xbf: {  	[dreg:$0x0] =	wrdreg $0xFFFFFFFF;
	(pc) =	sbr.abs _section_cstart, $3  }
0xc0: {  	[dreg:$0x1] =	wrdreg $0xFFFFFFFF  }
0xc1: {  	_ =	task.clear_ibuf [dreg:s6], $0x2FFFF;
	_ =	strace $0x9FFFFFFF  }
0xc2: {  	(tm) =	ssettm $0x7FFFFFFF  }
0xc3: {  	_ =	shalt  }
tec
execute0_lowered:
.L_overlay_start_1:
0x0: {  	(tag) =	ssettag $0x1  }
0x1: {  	s0 =	rddreg [dreg:$0x0]  }
0x2: {  	s1 =	rddreg [dreg:$0x1];
	s2 =	srdreg.scid  }
0x3: {  	s3 =	simm.s32 $0x0;
	s12 =	stileid.u32;
	s28 =	simm.s32 $0x5  }
0x4: {  	s30 =	simm.s32 $0x64;
	s31 =	simm.s32 $0x2;
	s7 =	smul.u32 $0x14000, s12  }
0x5: {  	s2 =	sand.u32 $0x1, s2;
	[smem:$0x7FF] =	sst s3;
	s26 =	smul.u32 $0x50000, s12  }
0x6: {  	s4 =	sadd.s32 $0x1E400, s0;
	s9 =	sadd.s32 $0x46400, s0;
	s6 =	smul.u32 $0x140000, s2  }
0x7: {  	s5 =	sshll.u32 s2, $0x4;
	_ =	strace $0x8000004A;
	s2 =	ssub.s32 $0x2, s2  }
0x8: {  	s5 =	sor.u32 s12, s5;
	s10 =	sshrl.u32 s2, $0x1;
	s12 =	sadd.s32 $0x5000, s7  }
0x9: {  	s13 =	sadd.s32 $0x7800, s7;
	s22 =	sadd.s32 $0xA000, s7;
	s23 =	sadd.s32 $0xC800, s7  }
0xa: {  	s24 =	sadd.s32 $0xF000, s7;
	s26 =	sshrl.u32 s26, $0x2;
	s5 =	smul.u32 $0x3400, s5  }
0xb: {  	s8 =	sadd.s32 s6, s7;
	s2 =	ssub.s32 s2, s10;
	s10 =	sor.u32 $0x2800, s7  }
0xc: {  	s7 =	sadd.s32 $0x11800, s7;
	s29 =	sadd.s32 s6, s12;
	s15 =	sadd.s32 s6, s13  }
0xd: {  	s16 =	sadd.s32 s6, s22;
	s18 =	sadd.s32 s6, s23;
	s19 =	sadd.s32 s6, s24  }
0xe: {  	s22 =	sadd.s32 s22, s1;
	s23 =	sadd.s32 s23, s1;
	s24 =	sadd.s32 s24, s1  }
0xf: {  	s8 =	sshrl.u32 s8, $0x3;
	s14 =	sadd.s32 s6, s10;
	s15 =	sshrl.u32 s15, $0x3  }
0x10: {  	s16 =	sshrl.u32 s16, $0x3;
	s6 =	sadd.s32 s6, s7;
	s2 =	smax.u32 s2, $0x1  }
0x11: {  	s20 =	sshrl.u32 s19, $0x3;
	s8 =	sadd.s32 s9, s8;
	[dreg:$0xd] =	wrdreg s2  }
0x12: {  	s14 =	sshrl.u32 s14, $0x3;
	s17 =	sadd.s32 s9, s16;
	[dreg:$0x3] =	wrdreg s8  }
0x13: {  	s6 =	sshrl.u32 s6, $0x3;
	s14 =	sadd.s32 s9, s14;
	[dreg:$0x7] =	wrdreg s17  }
0x14: {  	s6 =	sadd.s32 s9, s6;
	[dreg:$0x4] =	wrdreg s14;
	s14 =	sshrl.u32 s29, $0x3  }
0x15: {  	s11 =	sshrl.u32 s5, $0x3;
	[dreg:$0xa] =	wrdreg s6;
	s14 =	sadd.s32 s9, s14  }
0x16: {  	s21 =	sadd.s32 s11, s0;
	[dreg:$0x5] =	wrdreg s14;
	s14 =	sadd.s32 s9, s15  }
0x17: {  	s25 =	sadd.s32 $0x11400, s21;
	[dreg:$0x6] =	wrdreg s14;
	s14 =	sshrl.u32 s18, $0x3  }
0x18: {  	s19 =	sadd.s32 s10, s1;
	[dreg:$0xb] =	wrdreg s25;
	s14 =	sadd.s32 s9, s14  }
0x19: {  	s21 =	sadd.s32 s13, s1;
	[dreg:$0x8] =	wrdreg s14;
	s14 =	sadd.s32 s9, s20  }
0x1a: {  	s25 =	sadd.s32 s7, s1;
	[dreg:$0x9] =	wrdreg s14;
	s14 =	sadd.s32 $0x4400, s0  }
0x1b: {  	s18 =	sadd.s32 s26, s1;
	s26 =	simm.s32 $0x3500;
	s29 =	sadd.s32 s14, s11  }
0x1c: {  	v0 =	vimm.f32 $0.0e+00;
	s20 =	sadd.s32 s12, s1;
	s0 =	simm.s32 $0x4;
	[dreg:$0xc] =	wrdreg s29  }
.LBB2_1:
0x1d: {  	s2 =	simm.s32 $0x0;
	s6 =	simm.s32 $0x200  }
.LBB2_2:
0x1e: {  	p0 =	sne.s32 s6, $0x9E00;
	[tilespmem:s2+$0x3570] =	vst v0  }
0x1f: {  	[tilespmem:s2+$0x3500] =	vst v0  }
0x20: {  	[tilespmem:s2+$0x3510] =	vst v0  }
.Ltmp0:
0x21: {  	[tilespmem:s2+$0x3520] =	vst v0;
	(pc) =	sbr.rel @p0 .LBB2_2-.Ltmp0, $4  }
0x22: {  	[tilespmem:s2+$0x3530] =	vst v0  }
0x23: {  	[tilespmem:s2+$0x3540] =	vst v0  }
0x24: {  	[tilespmem:s2+$0x3550] =	vst v0  }
0x25: {  	[tilespmem:s2+$0x3560] =	vst v0;
	s2 =	sshra.s32 s6, $0x2;
	s6 =	sadd.s32 $0x200, s6  }
0x26: {  	[tilespmem:s2+$0x3570] =	vst v0  }
0x27: {  	[tilespmem:s2+$0x3500] =	vst v0  }
0x28: {  	[tilespmem:s2+$0x3510] =	vst v0  }
0x29: {  	[tilespmem:s2+$0x3520] =	vst v0  }
0x2a: {  	[tilespmem:s2+$0x3530] =	vst v0  }
0x2b: {  	[tilespmem:s2+$0x3540] =	vst v0  }
0x2c: {  	[tilespmem:s2+$0x3550] =	vst v0  }
0x2d: {  	[tilespmem:s2+$0x3560] =	vst v0  }
0x2e: {  	[spmem:s18] =	stream.linear.scatter [tilespmem:s26], [sflag:$0x5], $0x2800, $0x38;
	[tilespmem:$0x1DD00] =	vst v63  }
0x2f: {  	_ =	swait.ge [sflag:s28], $0x2800  }
0x30: {  	[sflag:s28] =	ssyncset.done $0x0  }
0x31: {  	[sflag:s28] =	ssyncadd.s32 $0xFFFFD800  }
0x32: {  	[spmem:s19] =	stream.linear.scatter [tilespmem:s26], [sflag:$0x5], $0x2800, $0x38;
	[tilespmem:$0x1DD00] =	vst v63  }
0x33: {  	_ =	swait.ge [sflag:s28], $0x2800  }
0x34: {  	[sflag:s28] =	ssyncset.done $0x0  }
0x35: {  	[sflag:s28] =	ssyncadd.s32 $0xFFFFD800  }
0x36: {  	[spmem:s20] =	stream.linear.scatter [tilespmem:s26], [sflag:$0x5], $0x2800, $0x38;
	[tilespmem:$0x1DD00] =	vst v63  }
0x37: {  	_ =	swait.ge [sflag:s28], $0x2800  }
0x38: {  	[sflag:s28] =	ssyncset.done $0x0  }
0x39: {  	[sflag:s28] =	ssyncadd.s32 $0xFFFFD800  }
0x3a: {  	[spmem:s21] =	stream.linear.scatter [tilespmem:s26], [sflag:$0x5], $0x2800, $0x38;
	[tilespmem:$0x1DD00] =	vst v63  }
0x3b: {  	_ =	swait.ge [sflag:s28], $0x2800  }
0x3c: {  	[sflag:s28] =	ssyncset.done $0x0  }
0x3d: {  	[sflag:s28] =	ssyncadd.s32 $0xFFFFD800  }
0x3e: {  	[spmem:s22] =	stream.linear.scatter [tilespmem:s26], [sflag:$0x5], $0x2800, $0x38;
	[tilespmem:$0x1DD00] =	vst v63  }
0x3f: {  	_ =	swait.ge [sflag:s28], $0x2800  }
0x40: {  	[sflag:s28] =	ssyncset.done $0x0  }
0x41: {  	[sflag:s28] =	ssyncadd.s32 $0xFFFFD800  }
0x42: {  	[spmem:s23] =	stream.linear.scatter [tilespmem:s26], [sflag:$0x5], $0x2800, $0x38;
	[tilespmem:$0x1DD00] =	vst v63  }
0x43: {  	_ =	swait.ge [sflag:s28], $0x2800  }
0x44: {  	[sflag:s28] =	ssyncset.done $0x0  }
0x45: {  	[sflag:s28] =	ssyncadd.s32 $0xFFFFD800  }
0x46: {  	[spmem:s24] =	stream.linear.scatter [tilespmem:s26], [sflag:$0x5], $0x2800, $0x38;
	[tilespmem:$0x1DD00] =	vst v63  }
0x47: {  	_ =	swait.ge [sflag:s28], $0x2800  }
0x48: {  	[sflag:s28] =	ssyncset.done $0x0  }
0x49: {  	[sflag:s28] =	ssyncadd.s32 $0xFFFFD800  }
0x4a: {  	[spmem:s25] =	stream.linear.scatter [tilespmem:s26], [sflag:$0x5], $0x2800, $0x38;
	[tilespmem:$0x1DD00] =	vst v63  }
0x4b: {  	_ =	swait.ge [sflag:s28], $0x2800  }
0x4c: {  	[sflag:s28] =	ssyncset.done $0x0  }
0x4d: {  	[sflag:s28] =	ssyncadd.s32 $0xFFFFD800  }
0x4e: {  	[bflag:$0x0] =	sbarrier.arrive $0xFFFF  }
0x4f: {  	s2 =	simm.s32 $0x0;
	s6 =	rddreg [dreg:$0xb]  }
0x50: {  	[tilespmem:s2], [sflag:$0x5] =	stream.linear.gather [hbm4b:s6+s2], $0x3200, $0x38;
	[tilespmem:$0x1DD00] =	vst v63  }
0x51: {  	s16 =	sand.u32 $0x1, s2;
	_ =	swait.ge [sflag:s28], $0x3200  }
0x52: {  	s7 =	simm.s32 $0x3400;
	p1 =	seq.s32 s16, $0x1;
	[sflag:s28] =	ssyncset.done $0x0  }
0x53: {  	s6 =	simm.s32 @p1 $0x80;
	s15 =	rddreg [dreg:$0xc];
	[sflag:s28] =	ssyncadd.s32 $0xFFFFCE00  }
0x54: {  	[tilespmem:s7], [sflag:$0x3] =	stream.linear.gather [hbm4b:s15+s2], $0x80, $0x38;
	[tilespmem:$0x1DD00] =	vst v63  }
0x55: {  	s8 =	simm.s32 $0x80;
	s9 =	simm.s32 $0x1;
	s7 =	sand.u32 @p1 $0x7C00, s6  }
0x56: {  	s29 =	simm.s32 $0x2;
	s6 =	sand.u32 @p1 $0x300, s6;
	s7 =	sadd.s32 @p1 s5, s7  }
0x57: {  	[tilespmem:s26], [sflag:$0x1] =	stream.indirect.gather [hbm4b:s4+s30], $0x80, s2, s30, $0xb8;
	[tilespmem:$0x1DD00] =	vst v63  }
0x58: {  	s17 =	sand.u32 $0x1, s9;
	p0 =	por p1, p1;
	s6 =	sor.u32 @p1 s6, s7  }
0x59: {  	p2 =	seq.s32 s17, $0x1;
	s10 =	simm.s32 @p0 $0x0;
	s6 =	sshrl.u32 @p1 s6, $0x3  }
0x5a: {  	s11 =	simm.s32 @p0 $0x2;
	s7 =	simm.s32 @p0 $0x3400;
	s6 =	sadd.s32 @p0 s14, s6  }
0x5b: {  	[tilespmem:s7], [sflag:$0x3] =	stream.linear.gather @p0 [hbm4b:s6+s10], $0x80, $0x38;
	[tilespmem:$0x1DD00] =	vst v63  }
0x5c: {  	s13 =	simm.s32 @p0 $0x6900;
	s10 =	simm.s32 @p0 $0x64;
	s6 =	simm.s32 @p0 $0x3500  }
0x5d: {  	[tilespmem:s6], [sflag:$0x1] =	stream.indirect.gather @p0 [hbm4b:s4+s10], $0x80, s8, s10, $0xb8;
	[tilespmem:$0x1DD00] =	vst v63  }
0x5e: {  	s9 =	simm.s32 @!p0 $0x3400;
	s2 =	sand.u32 @!p1 $0x3C00, s2;
	_ =	swait.ge @p0 [sflag:s11], $0x3200  }
0x5f: {  	s2 =	sadd.s32 @!p1 s5, s2;
	s7 =	simm.s32 @!p0 $0x6;
	[sflag:s11] =	ssyncset.done @p0 $0x0  }
0x60: {  	s6 =	simm.s32 @!p1 $0x80;
	[sflag:s11] =	ssyncadd.s32 @p0 $0xFFFFCE00;
	s11 =	simm.s32 @p0 $0x4  }
0x61: {  	s7 =	simm.s32 @p0 $0x5;
	s6 =	sand.u32 @!p0 $0x380, s6;
	_ =	swait.ge @p0 [sflag:s11], $0x80  }
0x62: {  	s12 =	sor.u32 @!p0 s6, s2;
	s6 =	simm.s32 $0x80;
	[sflag:s11] =	ssyncset.done @p0 $0x0  }
0x63: {  	s12 =	sshrl.u32 @!p0 s12, $0x3;
	[sflag:s11] =	ssyncadd.s32 @p0 $0xFFFFFF80;
	s11 =	simm.s32 @p0 $0x3480  }
0x64: {  	[spmem:s1] =	stream.indirect.scatter.add.f32 @p0 [tilespmem:s13], [sflag:$0x5], $0x80, s11, s10, $0xb8;
	[tilespmem:$0x1DD00] =	vst v63  }
0x65: {  	s10 =	sadd.s32 @!p0 s14, s12;
	s11 =	simm.s32 @!p0 $0x0;
	s12 =	simm.s32 @!p0 $0x3480  }
0x66: {  	[tilespmem:s12], [sflag:$0x4] =	stream.linear.gather @!p0 [hbm4b:s10+s11], $0x80, $0x38;
	[tilespmem:$0x1DD00] =	vst v63  }
0x67: {  	s11 =	simm.s32 @!p0 $0x1;
	s10 =	simm.s32 @!p0 $0x64;
	s12 =	simm.s32 @!p0 $0x6900  }
0x68: {  	[tilespmem:s12], [sflag:$0x2] =	stream.indirect.gather @!p0 [hbm4b:s4+s10], $0x80, s8, s10, $0xb8;
	[tilespmem:$0x1DD00] =	vst v63  }
0x69: {  	s2 =	simm.s32 $0x100;
	s15 =	sand.u32 @!p2 $0x3C00, s6;
	_ =	swait.ge @!p0 [sflag:s11], $0x3200  }
0x6a: {  	s13 =	simm.s32 @p2 $0x100;
	s8 =	simm.s32 @!p0 $0x3500;
	[sflag:s11] =	ssyncset.done @!p0 $0x0  }
0x6b: {  	s12 =	simm.s32 @!p0 $0x3;
	[sflag:s11] =	ssyncadd.s32 @!p0 $0xFFFFCE00;
	s11 =	sand.u32 @p2 $0x7C00, s13  }
0x6c: {  	s13 =	sand.u32 @p2 $0x300, s13;
	_ =	swait.ge @!p0 [sflag:s12], $0x80;
	s11 =	sadd.s32 @p2 s5, s11  }
0x6d: {  	[sflag:s12] =	ssyncset.done @!p0 $0x0;
	s13 =	sor.u32 @p2 s13, s11;
	s11 =	simm.s32 @!p2 $0x100  }
0x6e: {  	[sflag:s12] =	ssyncadd.s32 @!p0 $0xFFFFFF80;
	s13 =	sshrl.u32 @p2 s13, $0x3;
	s12 =	sadd.s32 @!p2 s5, s15  }
.LBB2_4:
0x6f: {  	[spmem:s1] =	stream.indirect.scatter.add.f32 @!p0 [tilespmem:s8], [sflag:$0x6], $0x80, s9, s10, $0xb8;
	[tilespmem:$0x1DD00] =	vst v63  }
0x70: {  	s10 =	smov.u32 s29;
	s15 =	smov.u32 s2;
	p0 =	por p2, p2  }
0x71: {  	s29 =	sadd.s32 $0x1, s29;
	s8 =	sand.u32 @!p0 $0x380, s11;
	_ =	swait.ge [sflag:s7], $0x3200  }
0x72: {  	s9 =	simm.s32 @p0 $0x3400;
	s11 =	sor.u32 @!p0 s8, s12;
	[sflag:s7] =	ssyncset.done $0x0  }
0x73: {  	s8 =	sadd.s32 @p0 s14, s13;
	s12 =	simm.s32 @p0 $0x0;
	[sflag:s7] =	ssyncadd.s32 $0xFFFFCE00  }
0x74: {  	[tilespmem:s9], [sflag:$0x3] =	stream.linear.gather @p0 [hbm4b:s8+s12], $0x80, $0x38;
	[tilespmem:$0x1DD00] =	vst v63  }
0x75: {  	s7 =	simm.s32 @p0 $0x3500;
	s12 =	simm.s32 @p0 $0x64;
	s8 =	simm.s32 @p0 $0x2  }
0x76: {  	[tilespmem:s7], [sflag:$0x1] =	stream.indirect.gather @p0 [hbm4b:s4+s12], $0x80, s2, s12, $0xb8;
	[tilespmem:$0x1DD00] =	vst v63  }
0x77: {  	s6 =	sadd.s32 $0x80, s6;
	s2 =	sadd.s32 $0x80, s2;
	_ =	swait.ge @p0 [sflag:s8], $0x3200  }
0x78: {  	p1 =	sne.s32 s29, $0x63;
	s13 =	simm.s32 @p0 $0x4;
	[sflag:s8] =	ssyncset.done @p0 $0x0  }
0x79: {  	s7 =	simm.s32 @!p0 $0x6;
	[sflag:s8] =	ssyncadd.s32 @p0 $0xFFFFCE00;
	s8 =	simm.s32 @!p0 $0x3500  }
0x7a: {  	s9 =	simm.s32 @!p0 $0x3400;
	s7 =	simm.s32 @p0 $0x5;
	_ =	swait.ge @p0 [sflag:s13], $0x80  }
0x7b: {  	s16 =	simm.s32 @p0 $0x6900;
	s17 =	simm.s32 @!p0 $0x1;
	[sflag:s13] =	ssyncset.done @p0 $0x0  }
0x7c: {  	s11 =	sshrl.u32 @!p0 s11, $0x3;
	[sflag:s13] =	ssyncadd.s32 @p0 $0xFFFFFF80;
	s13 =	simm.s32 @p0 $0x3480  }
0x7d: {  	[spmem:s1] =	stream.indirect.scatter.add.f32 @p0 [tilespmem:s16], [sflag:$0x5], $0x80, s13, s12, $0xb8;
	[tilespmem:$0x1DD00] =	vst v63  }
0x7e: {  	s11 =	sadd.s32 @!p0 s14, s11;
	s12 =	simm.s32 @!p0 $0x0;
	s13 =	simm.s32 @!p0 $0x3480  }
0x7f: {  	[tilespmem:s13], [sflag:$0x4] =	stream.linear.gather @!p0 [hbm4b:s11+s12], $0x80, $0x38;
	[tilespmem:$0x1DD00] =	vst v63  }
0x80: {  	s11 =	sand.u32 $0x1, s10;
	s10 =	simm.s32 @!p0 $0x64;
	s12 =	simm.s32 @!p0 $0x6900  }
0x81: {  	[tilespmem:s12], [sflag:$0x2] =	stream.indirect.gather @!p0 [hbm4b:s4+s10], $0x80, s15, s10, $0xb8;
	[tilespmem:$0x1DD00] =	vst v63  }
0x82: {  	p2 =	seq.s32 s11, $0x1;
	s15 =	simm.s32 @!p0 $0x3;
	_ =	swait.ge @!p0 [sflag:s17], $0x3200  }
.Ltmp1:
0x83: {  	s11 =	sadd.s32 @p2 $0x80, s6;
	[sflag:s17] =	ssyncset.done @!p0 $0x0;
	(pc) =	sbr.rel @p1 .LBB2_4-.Ltmp1, $4  }
0x84: {  	s12 =	sand.u32 @p2 $0x7C00, s11;
	s11 =	sand.u32 @p2 $0x300, s11;
	[sflag:s17] =	ssyncadd.s32 @!p0 $0xFFFFCE00  }
0x85: {  	s16 =	sand.u32 @!p2 $0x3C00, s6;
	s12 =	sadd.s32 @p2 s5, s12;
	_ =	swait.ge @!p0 [sflag:s15], $0x80  }
0x86: {  	s12 =	sor.u32 @p2 s11, s12;
	s11 =	sadd.s32 @!p2 $0x80, s6;
	[sflag:s15] =	ssyncset.done @!p0 $0x0  }
0x87: {  	s13 =	sshrl.u32 @p2 s12, $0x3;
	s12 =	sadd.s32 @!p2 s5, s16;
	[sflag:s15] =	ssyncadd.s32 @!p0 $0xFFFFFF80  }
0x88: {  	[spmem:s1] =	stream.indirect.scatter.add.f32 @!p0 [tilespmem:s8], [sflag:$0x6], $0x80, s9, s10, $0xb8;
	[tilespmem:$0x1DD00] =	vst v63  }
0x89: {  	p0 =	por p2, p2;
	_ =	swait.ge [sflag:s7], $0x3200  }
0x8a: {  	s6 =	simm.s32 @p0 $0x3400;
	[sflag:s7] =	ssyncset.done $0x0  }
0x8b: {  	s8 =	sadd.s32 @p0 s14, s13;
	[sflag:s7] =	ssyncadd.s32 $0xFFFFCE00;
	s7 =	simm.s32 @p0 $0x0  }
0x8c: {  	[tilespmem:s6], [sflag:$0x3] =	stream.linear.gather @p0 [hbm4b:s8+s7], $0x80, $0x38;
	[tilespmem:$0x1DD00] =	vst v63  }
0x8d: {  	s6 =	simm.s32 @p0 $0x64;
	s7 =	simm.s32 @p0 $0x3500;
	s8 =	simm.s32 @p0 $0x2  }
0x8e: {  	[tilespmem:s7], [sflag:$0x1] =	stream.indirect.gather @p0 [hbm4b:s4+s6], $0x80, s2, s6, $0xb8;
	[tilespmem:$0x1DD00] =	vst v63  }
0x8f: {  	_ =	swait.ge @p0 [sflag:s8], $0x3200  }
0x90: {  	[sflag:s8] =	ssyncset.done @p0 $0x0  }
0x91: {  	s7 =	simm.s32 @p0 $0x4;
	[sflag:s8] =	ssyncadd.s32 @p0 $0xFFFFCE00  }
0x92: {  	_ =	swait.ge @p0 [sflag:s7], $0x80  }
0x93: {  	[sflag:s7] =	ssyncset.done @p0 $0x0  }
0x94: {  	s8 =	simm.s32 @p0 $0x6900;
	[sflag:s7] =	ssyncadd.s32 @p0 $0xFFFFFF80;
	s7 =	simm.s32 @p0 $0x3480  }
0x95: {  	[spmem:s1] =	stream.indirect.scatter.add.f32 @p0 [tilespmem:s8], [sflag:$0x5], $0x80, s7, s6, $0xb8;
	[tilespmem:$0x1DD00] =	vst v63  }
0x96: {  	s6 =	sand.u32 @!p0 $0x380, s11  }
0x97: {  	s6 =	sor.u32 @!p0 s6, s12  }
0x98: {  	s6 =	sshrl.u32 @!p0 s6, $0x3  }
0x99: {  	s7 =	simm.s32 @!p0 $0x0;
	s8 =	simm.s32 @!p0 $0x3480;
	s6 =	sadd.s32 @!p0 s14, s6  }
0x9a: {  	[tilespmem:s8], [sflag:$0x4] =	stream.linear.gather @!p0 [hbm4b:s6+s7], $0x80, $0x38;
	[tilespmem:$0x1DD00] =	vst v63  }
0x9b: {  	s6 =	simm.s32 @!p0 $0x64;
	s7 =	simm.s32 @!p0 $0x6900  }
0x9c: {  	[tilespmem:s7], [sflag:$0x2] =	stream.indirect.gather @!p0 [hbm4b:s4+s6], $0x80, s2, s6, $0xb8;
	[tilespmem:$0x1DD00] =	vst v63  }
0x9d: {  	s2 =	simm.s32 @!p0 $0x1  }
0x9e: {  	_ =	swait.ge @!p0 [sflag:s2], $0x3200  }
0x9f: {  	[sflag:s2] =	ssyncset.done @!p0 $0x0  }
0xa0: {  	s7 =	simm.s32 @!p0 $0x3;
	[sflag:s2] =	ssyncadd.s32 @!p0 $0xFFFFCE00  }
0xa1: {  	_ =	swait.ge @!p0 [sflag:s7], $0x80  }
0xa2: {  	[sflag:s7] =	ssyncset.done @!p0 $0x0  }
0xa3: {  	s2 =	simm.s32 @!p0 $0x3500;
	[sflag:s7] =	ssyncadd.s32 @!p0 $0xFFFFFF80;
	s7 =	simm.s32 @!p0 $0x3400  }
0xa4: {  	[spmem:s1] =	stream.indirect.scatter.add.f32 @!p0 [tilespmem:s2], [sflag:$0x6], $0x80, s7, s6, $0xb8;
	[tilespmem:$0x1DD00] =	vst v63  }
0xa5: {  	s2 =	simm.s32 @!p0 $0x6  }
0xa6: {  	s2 =	simm.s32 @p0 $0x5  }
0xa7: {  	_ =	swait.ge [sflag:s2], $0x3200  }
0xa8: {  	[sflag:s2] =	ssyncset.done $0x0  }
0xa9: {  	[sflag:s2] =	ssyncadd.s32 $0xFFFFCE00  }
0xaa: {  	_ =	swait.ge [sflag:s31], $0x3200  }
0xab: {  	[sflag:s31] =	ssyncset.done $0x0  }
0xac: {  	[sflag:s31] =	ssyncadd.s32 $0xFFFFCE00  }
0xad: {  	_ =	swait.ge [sflag:s0], $0x80  }
0xae: {  	[sflag:s0] =	ssyncset.done $0x0  }
0xaf: {  	s9 =	simm.s32 $0x3480;
	s10 =	simm.s32 $0x6900;
	[sflag:s0] =	ssyncadd.s32 $0xFFFFFF80  }
0xb0: {  	[spmem:s1] =	stream.indirect.scatter.add.f32 [tilespmem:s10], [sflag:$0x5], $0x80, s9, s30, $0xb8;
	[tilespmem:$0x1DD00] =	vst v63  }
0xb1: {  	_ =	swait.ge [sflag:s28], $0x3200  }
0xb2: {  	[sflag:s28] =	ssyncset.done $0x0  }
0xb3: {  	s11 =	stileid.u32;
	[sflag:s28] =	ssyncadd.s32 $0xFFFFCE00  }
0xb4: {  	s2 =	sshll.u32 s11, $0x6;
	[bflag:$0x0] =	sbarrier.arrive $0xFFFF  }
0xb5: {  	s12 =	sshrl.u32 s18, $0x3;
	s2 =	sor.u32 $0x1C05, s2;
	s13 =	rddreg [dreg:$0x3]  }
0xb6: {  	[hbm:s13], [sflag:s2] =	dma.local [spmem:s12], $0x500  }
0xb7: {  	_ =	swait.ge [sflag:s28], $0x500  }
0xb8: {  	[sflag:s28] =	ssyncset.done $0x0  }
0xb9: {  	s15 =	sshrl.u32 s19, $0x3;
	s16 =	rddreg [dreg:$0x4];
	[sflag:s28] =	ssyncadd.s32 $0xFFFFFB00  }
0xba: {  	[hbm:s16], [sflag:s2] =	dma.local [spmem:s15], $0x500  }
0xbb: {  	_ =	swait.ge [sflag:s28], $0x500  }
0xbc: {  	[sflag:s28] =	ssyncset.done $0x0  }
0xbd: {  	s17 =	sshrl.u32 s20, $0x3;
	s29 =	rddreg [dreg:$0x5];
	[sflag:s28] =	ssyncadd.s32 $0xFFFFFB00  }
0xbe: {  	[hbm:s29], [sflag:s2] =	dma.local [spmem:s17], $0x500  }
0xbf: {  	_ =	swait.ge [sflag:s28], $0x500  }
0xc0: {  	[sflag:s28] =	ssyncset.done $0x0  }
0xc1: {  	s7 =	sshrl.u32 s21, $0x3;
	s8 =	rddreg [dreg:$0x6];
	[sflag:s28] =	ssyncadd.s32 $0xFFFFFB00  }
0xc2: {  	[hbm:s8], [sflag:s2] =	dma.local [spmem:s7], $0x500  }
0xc3: {  	_ =	swait.ge [sflag:s28], $0x500  }
0xc4: {  	[sflag:s28] =	ssyncset.done $0x0  }
0xc5: {  	s9 =	sshrl.u32 s22, $0x3;
	s10 =	rddreg [dreg:$0x7];
	[sflag:s28] =	ssyncadd.s32 $0xFFFFFB00  }
0xc6: {  	[hbm:s10], [sflag:s2] =	dma.local [spmem:s9], $0x500  }
0xc7: {  	_ =	swait.ge [sflag:s28], $0x500  }
0xc8: {  	[sflag:s28] =	ssyncset.done $0x0  }
0xc9: {  	s11 =	sshrl.u32 s23, $0x3;
	s12 =	rddreg [dreg:$0x8];
	[sflag:s28] =	ssyncadd.s32 $0xFFFFFB00  }
0xca: {  	[hbm:s12], [sflag:s2] =	dma.local [spmem:s11], $0x500  }
0xcb: {  	_ =	swait.ge [sflag:s28], $0x500  }
0xcc: {  	[sflag:s28] =	ssyncset.done $0x0  }
0xcd: {  	s13 =	sshrl.u32 s24, $0x3;
	s15 =	rddreg [dreg:$0x9];
	[sflag:s28] =	ssyncadd.s32 $0xFFFFFB00  }
0xce: {  	[hbm:s15], [sflag:s2] =	dma.local [spmem:s13], $0x500  }
0xcf: {  	_ =	swait.ge [sflag:s28], $0x500  }
0xd0: {  	[sflag:s28] =	ssyncset.done $0x0  }
0xd1: {  	s16 =	sshrl.u32 s25, $0x3;
	s17 =	rddreg [dreg:$0xa];
	[sflag:s28] =	ssyncadd.s32 $0xFFFFFB00  }
0xd2: {  	[hbm:s17], [sflag:s2] =	dma.local [spmem:s16], $0x500  }
0xd3: {  	_ =	swait.ge [sflag:s28], $0x500  }
0xd4: {  	s3 =	sadd.s32 $0x1, s3;
	s29 =	rddreg [dreg:$0xd]  }
0xd5: {  	p0 =	sne.s32 s3, s29  }
.Ltmp2:
0xd6: {  	_ = 	snop;
	(pc) =	sbr.rel @p0 .LBB2_1-.Ltmp2, $3  }
0xd7: {  	_ =	sdelay $0x1  }
0xd8: {  	[sflag:s28] =	ssyncset.done $0x0  }
0xd9: {  	[sflag:s28] =	ssyncadd.s32 $0xFFFFFB00  }
0xda: {  	_ =	sfence.sel $0x180000  }
0xdb: {  	[bflag:$0x0] =	sbarrier.arrive $0xFFFF  }
0xdc: {  	_ =	strace $0x9000004A  }
0xdd: {  	s0 =	stileid.u32;
	[bflag:$0x2] =	sbarrier.arrive $0xFFFF  }
0xde: {  	p0 =	sne.s32 s0, $0x0;
	s0 =	rddreg [dreg:$0x2]  }
0xdf: {  	s0 =	sadd.s32 @!p0 $0x100000, s0  }
0xe0: {  	[sflag:s0] =	ssyncadd.tile.s32 @!p0 $0x1;
	_ =	shalt  }
.Lfunc_end2:
_tile_overlayer_lowered:
.L_overlay_start_2:
0xe1: {  	(tag) =	ssettag $0x2  }
0xe2: {  	s0 =	rddreg [dreg:$0x0];
	s2 =	stileid.u32  }
0xe3: {  	s1 =	rddreg [dreg:$0x1];
	p0 =	sne.s32 s2, $0x0  }
0xe4: {  	s3 =	rddreg [dreg:$0x2];
	[bflag:$0x3] =	sbarrier.arrive $0xFFFF;
	s2 =	simm.s32 @!p0 $0x1C05  }
0xe5: {  	[timem:s3], [sflag:s2] =	dma.local @!p0 [hbm:s0], s1  }
0xe6: {  	s0 =	simm.s32 @!p0 $0x5  }
0xe7: {  	_ =	swait.ge @!p0 [sflag:s0], s1  }
0xe8: {  	s1 =	ssub.s32 @!p0 $0x0, s1;
	[sflag:s0] =	ssyncset.done @!p0 $0x0  }
0xe9: {  	[sflag:s0] =	ssyncadd.s32 @!p0 s1  }
0xea: {  	[bflag:$0x3] =	sbarrier.arrive $0xFFFF  }
0xeb: {  	_ =	shalt  }

// kernel: kernel.14.cloned.1.call-start
scs
__scs_entry_jumppad:
0x0: {  	(pc) =	sbr.rel $0x88, $3  }
0x1: {  	(tag) =	ssettag $0x0;
	lr =	simm.s32 $0x1  }
0x2: {  	[smem:$0x3F94] =	sst lr;
	_ =	strace $0xD0000000  }
0x3: {  	_ = 	snop  }
0x4: {  	_ = 	snop  }
0x5: {  	_ = 	snop  }
0x6: {  	_ = 	snop  }
0x7: {  	_ = 	snop  }
__scs_overlays_trampoline_lowered:
0x8: {  	[smem:$0x3FA3] =	sst s0  }
0x9: {  	[smem:$0x3FA4] =	sst s1  }
0xa: {  	[smem:$0x3FA5] =	sst s2  }
0xb: {  	[smem:$0x3FA6] =	sst s3  }
0xc: {  	[smem:$0x3FA7] =	sst s4  }
0xd: {  	[smem:$0x3FA8] =	sst s5  }
0xe: {  	[smem:$0x3FA9] =	sst s6  }
0xf: {  	[smem:$0x3FAA] =	sst s7  }
0x10: {  	[smem:$0x3FAB] =	sst s8  }
0x11: {  	[smem:$0x3FAC] =	sst s9;
	s0 =	simm.s32 @!p0 $0x0  }
0x12: {  	s1 =	sld [smem:$0x3F92];
	s0 =	simm.s32 @p0 $0x1  }
0x13: {  	[smem:$0x3FAD] =	sst s0;
	s0 =	simm.s32 @!p1 $0x0  }
0x14: {  	s2 =	sld [smem:$0x3F91];
	s0 =	simm.s32 @p1 $0x1  }
0x15: {  	[smem:$0x3FAE] =	sst s0;
	s0 =	simm.s32 @!p2 $0x0  }
0x16: {  	s3 =	sld [smem:$0x3FDB];
	s0 =	simm.s32 @p2 $0x1  }
0x17: {  	s4 =	simm.s32 $0x1BF5;
	[smem:$0x3FB0] =	sst s0  }
0x18: {  	s0 =	sld [smem:$0x3F93];
	_ =	swait.ge [sflag:s4], $0x0  }
0x19: {  	s7 =	sld [smem:$0x3F94]  }
0x1a: {  	s8 =	sadd.s32 $0xFFFFE003, lr  }
0x1b: {  	s9 =	sadd.s32 $0xFFFFFEF7, lr;
	s5 =	simm.s32 $0xFFFFFFFF;
	p2 =	slt.u32 s8, $0xFFFFF086  }
0x1c: {  	p1 =	slt.u32 s9, $0xF7A;
	s5 =	simm.s32 @!p2 $0x0  }
0x1d: {  	s5 =	simm.s32 @p1 $0x1;
	p0 =	seq.s32 s7, s2  }
0x1e: {  	s7 =	smul.u32 @!p0 $0xF7A, s2;
	p2 =	seq.s32 @!p0 s5, $0x0  }
0x1f: {  	s9 =	smul.u32 $0xF7A, s1;
	s8 =	simm.s32 @!p0 $0x1BF5;
	p2 =	por !p2, p0  }
0x20: {  	[sflag:s8] =	ssyncset.s32 @!p0 $0xFFFFF086;
	s6 =	sadd.s32 @!p0 s3, s7;
	s7 =	simm.s32 @!p0 $0x108  }
0x21: {  	s3 =	sadd.s32 s3, s9;
	s6 =	sadd.s32 @!p0 $0x88, s6;
	s7 =	simm.s32 @p2 $0x1082  }
0x22: {  	[simem:s7], [sflag:s8] =	dma.local @!p0 [hbm:s6], $0xF7A  }
0x23: {  	s9 =	sor.u32 $0xD0000000, s2;
	s6 =	simm.s32 $0x108;
	_ =	swait.ge @!p0 [sflag:s8], $0x0  }
0x24: {  	s3 =	sadd.s32 $0x88, s3;
	s6 =	simm.s32 @!p1 $0x1082;
	[sflag:s4] =	ssyncset.s32 $0xFFFFF086  }
0x25: {  	[simem:s6], [sflag:s4] =	dma.local [hbm:s3], $0xF7A  }
0x26: {  	[smem:$0x3F94] =	sst s1;
	(tag) =	ssettag s2;
	_ =	strace s9  }
0x27: {  	s1 =	sld [smem:$0x3FA4]  }
0x28: {  	s2 =	sld [smem:$0x3FA5]  }
0x29: {  	s4 =	sld [smem:$0x3FA7]  }
0x2a: {  	p0 =	seq.s32 s5, $0x0;
	s5 =	sld [smem:$0x3FA8]  }
0x2b: {  	s6 =	sld [smem:$0x3FA9]  }
0x2c: {  	s7 =	sld [smem:$0x3FAA]  }
0x2d: {  	s3 =	simm.s32 $0x108;
	s8 =	sld [smem:$0x3FAB]  }
0x2e: {  	s3 =	simm.s32 @!p0 $0x1082;
	s9 =	sld [smem:$0x3FAC]  }
0x2f: {  	lr =	sadd.s32 s0, s3;
	s0 =	sld [smem:$0x3FA3]  }
0x30: {  	s3 =	sld [smem:$0x3FA6]  }
0x31: {  	[smem:$0x3FAF] =	sst s10  }
0x32: {  	s10 =	sld [smem:$0x3FAD];
	_ =	sdelay $0x3  }
0x33: {  	p0 =	seq.s32 s10, $0x1;
	s10 =	sld [smem:$0x3FAF];
	_ =	sdelay $0x3  }
0x34: {  	[smem:$0x3FAF] =	sst s10  }
0x35: {  	s10 =	sld [smem:$0x3FAE];
	_ =	sdelay $0x3  }
0x36: {  	p1 =	seq.s32 s10, $0x1;
	s10 =	sld [smem:$0x3FAF];
	_ =	sdelay $0x3  }
0x37: {  	[smem:$0x3FAF] =	sst s10  }
0x38: {  	s10 =	sld [smem:$0x3FB0]  }
0x39: {  	_ = 	snop;
	(pc) =	sbr.ind lr, $3  }
0x3a: {  	_ = 	snop  }
0x3b: {  	_ = 	snop  }
0x3c: {  	p2 =	seq.s32 s10, $0x1;
	s10 =	sld [smem:$0x3FAF]  }
0x3d: {  	_ =	shalt  }
0x3e: {  	_ =	shalt  }
0x3f: {  	_ =	shalt  }
0x40: {  	_ =	shalt  }
0x41: {  	_ =	shalt  }
0x42: {  	_ =	shalt  }
0x43: {  	_ =	shalt  }
0x44: {  	_ =	shalt  }
0x45: {  	_ =	shalt  }
0x46: {  	_ =	shalt  }
0x47: {  	_ =	shalt  }
0x48: {  	_ =	shalt  }
0x49: {  	_ =	shalt  }
0x4a: {  	_ =	shalt  }
0x4b: {  	_ =	shalt  }
0x4c: {  	_ =	shalt  }
0x4d: {  	_ =	shalt  }
0x4e: {  	_ =	shalt  }
0x4f: {  	_ =	shalt  }
0x50: {  	_ =	shalt  }
0x51: {  	_ =	shalt  }
0x52: {  	_ =	shalt  }
0x53: {  	_ =	shalt  }
0x54: {  	_ =	shalt  }
0x55: {  	_ =	shalt  }
0x56: {  	_ =	shalt  }
0x57: {  	_ =	shalt  }
0x58: {  	_ =	shalt  }
0x59: {  	_ =	shalt  }
0x5a: {  	_ =	shalt  }
0x5b: {  	_ =	shalt  }
0x5c: {  	_ =	shalt  }
0x5d: {  	_ =	shalt  }
0x5e: {  	_ =	shalt  }
0x5f: {  	_ =	shalt  }
0x60: {  	_ =	shalt  }
0x61: {  	_ =	shalt  }
0x62: {  	_ =	shalt  }
0x63: {  	_ =	shalt  }
0x64: {  	_ =	shalt  }
0x65: {  	_ =	shalt  }
0x66: {  	_ =	shalt  }
0x67: {  	_ =	shalt  }
0x68: {  	_ =	shalt  }
0x69: {  	_ =	shalt  }
0x6a: {  	_ =	shalt  }
0x6b: {  	_ =	shalt  }
0x6c: {  	_ =	shalt  }
0x6d: {  	_ =	shalt  }
0x6e: {  	_ =	shalt  }
0x6f: {  	_ =	shalt  }
0x70: {  	_ =	shalt  }
0x71: {  	_ =	shalt  }
0x72: {  	_ =	shalt  }
0x73: {  	_ =	shalt  }
0x74: {  	_ =	shalt  }
0x75: {  	_ =	shalt  }
0x76: {  	_ =	shalt  }
0x77: {  	_ =	shalt  }
0x78: {  	_ =	shalt  }
0x79: {  	_ =	shalt  }
0x7a: {  	_ =	shalt  }
0x7b: {  	_ =	shalt  }
0x7c: {  	_ =	shalt  }
0x7d: {  	_ =	shalt  }
0x7e: {  	_ =	shalt  }
0x7f: {  	_ =	shalt  }
0x80: {  	_ =	shalt  }
0x81: {  	_ =	shalt  }
0x82: {  	_ =	shalt  }
0x83: {  	_ =	shalt  }
0x84: {  	_ =	shalt  }
0x85: {  	_ =	shalt  }
0x86: {  	_ =	shalt  }
0x87: {  	_ =	shalt  }
.Lfunc_end0:
.L_simem_size_0:
called_computation.2_lowered:
.L_overlay_start_0:
0x88: {  	s2 =	sld [smem:$0x3FD9]  }
0x89: {  	s3 =	sld [smem:$0x3FFE];
	_ =	sdelay $0x1  }
0x8a: {  	s1 =	srdreg.scid  }
0x8b: {  	s0 =	sand.u32 $0x1, s1  }
0x8c: {  	s16 =	sshll.u32 s0, $0xA;
	s2 =	sadd.s32 s3, s2  }
0x8d: {  	s2 =	sadd.s32 s2, s16  }
0x8e: {  	[smem:$0x3FBB] =	sst s2  }
0x8f: {  	_ = 	snop  }
0x90: {  	(tm) =	ssettm $0x1  }
0x91: {  	s17 =	sld [smem:$0x3FFB];
	_ =	sdelay $0x3  }
0x92: {  	_ =	strace s17  }
0x93: {  	s2 =	sld [smem:$0x3FFC];
	_ =	sdelay $0x3  }
0x94: {  	_ =	strace s2  }
0x95: {  	s2 =	sld [smem:$0x3FFD];
	_ =	sdelay $0x3  }
0x96: {  	_ =	strace s2  }
0x97: {  	_ =	strace $0x8FFFFFFF  }
0x98: {  	s18 =	sld [smem:$0x3FDB];
	_ =	sdelay $0x1  }
0x99: {  	s19 =	simm.s32 $_scs_section_size  }
0x9a: {  	s4 =	simm.s32 $_size__tile_overlayer_lowered;
	s5 =	simm.s32 $_tile_overlayer_lowered  }
0x9b: {  	s22 =	simm.s32 $0x1BFF;
	s21 =	sshll.u32 s5, $0x1;
	s2 =	sadd.s32 s19, s18  }
0x9c: {  	s6 =	simm.s32 $0x0;
	s20 =	sshll.u32 s4, $0x1;
	s4 =	sadd.s32 s21, s2  }
0x9d: {  	[timem:s6], [sflag:s22] =	dma.local [hbm:s4], s20  }
0x9e: {  	_ =	swait.ge [sflag:s22], s20  }
0x9f: {  	s3 =	ssub.s32 $0x0, s20;
	[sflag:s22] =	ssyncset.done $0x0  }
0xa0: {  	[sflag:s22] =	ssyncadd.s32 s3;
	_ =	sdelay $0x1  }
0xa1: {  	s23 =	simm.s32 $0x1B8B  }
0xa2: {  	_ =	swait.ge [sflag:s23], $0x1  }
0xa3: {  	[sflag:s23] =	ssyncset.done $0x0  }
0xa4: {  	s25 =	simm.s32 $0x1B8E;
	s24 =	sld [smem:$0x3FFE];
	[sflag:s23] =	ssyncadd.s32 $0xFFFFFFFF  }
0xa5: {  	s26 =	simm.s32 $execute0_lowered;
	[smem:$0x3FD2] =	sst s25  }
0xa6: {  	s4 =	sshll.u32 s26, $0x1;
	_ =	strace $0x8000004C;
	[dreg:$0x1] =	wrdreg $0xFFFFFFFF  }
0xa7: {  	s28 =	simm.s32 $_size_execute0_lowered;
	s2 =	sadd.s32 s2, s4;
	[dreg:$0x0] =	wrdreg $0x0  }
0xa8: {  	s4 =	sshll.u32 s28, $0x1;
	[dreg:$0x2] =	wrdreg s2  }
0xa9: {  	[dreg:$0x3] =	wrdreg s4  }
0xaa: {  	[dreg:$0x4] =	wrdreg $0xC0  }
0xab: {  	_ =	task [dreg:s6], $0x5FFFF  }
0xac: {  	[dreg:$0x1] =	wrdreg $0xFFFFFFFF  }
0xad: {  	[dreg:$0x0] =	wrdreg $0x60  }
0xae: {  	[dreg:$0x2] =	wrdreg s24  }
0xaf: {  	[dreg:$0x3] =	wrdreg $0x9D000  }
0xb0: {  	[dreg:$0x4] =	wrdreg $0x9  }
0xb1: {  	_ =	task.clear_ibuf [dreg:s6], $0x5FFFF;
	_ =	strace $0x9000004C  }
0xb2: {  	s29 =	simm.s32 $0x9;
	_ =	strace $0x8000004E  }
0xb3: {  	_ =	swait.ge [sflag:s29], $0x1  }
0xb4: {  	[sflag:s29] =	ssyncadd.s32 $0xFFFFFFFF  }
0xb5: {  	_ =	strace $0x9000004E  }
0xb6: {  	_ =	sfence  }
0xb7: {  	s30 =	sld [smem:$0x0];
	_ =	sdelay $0x2  }
0xb8: {  	s31 =	sshll.u32 s1, $0xD;
	s1 =	sshrl.u32 s1, $0x2  }
0xb9: {  	s3 =	sand.u32 $0x4000, s31;
	s1 =	sadd.s32 s1, s30  }
0xba: {  	s0 =	sor.u32 s3, s0;
	s1 =	sshll.u32 s1, $0x11  }
0xbb: {  	s0 =	sor.u32 s1, s0  }
0xbc: {  	s0 =	sadd.s32 $0x8F2B, s0  }
0xbd: {  	[sflag:s0] =	ssyncadd.remote.s32 $0x1  }
0xbe: {  	_ =	sfence.sel $0xFFFF  }
0xbf: {  	[dreg:$0x0] =	wrdreg $0xFFFFFFFF;
	(pc) =	sbr.abs _section_cstart, $3  }
0xc0: {  	[dreg:$0x1] =	wrdreg $0xFFFFFFFF  }
0xc1: {  	_ =	task.clear_ibuf [dreg:s6], $0x2FFFF;
	_ =	strace $0x9FFFFFFF  }
0xc2: {  	(tm) =	ssettm $0x7FFFFFFF  }
0xc3: {  	_ =	shalt  }
tec
execute0_lowered:
.L_overlay_start_1:
0x0: {  	(tag) =	ssettag $0x1  }
0x1: {  	s0 =	rddreg [dreg:$0x0]  }
0x2: {  	s1 =	rddreg [dreg:$0x1];
	s2 =	srdreg.scid  }
0x3: {  	s3 =	simm.s32 $0x0;
	s12 =	stileid.u32;
	s28 =	simm.s32 $0x5  }
0x4: {  	s30 =	simm.s32 $0x64;
	s31 =	simm.s32 $0x2;
	s7 =	smul.u32 $0x14000, s12  }
0x5: {  	s2 =	sand.u32 $0x1, s2;
	[smem:$0x7FF] =	sst s3;
	s26 =	smul.u32 $0x50000, s12  }
0x6: {  	s4 =	sadd.s32 $0x1E400, s0;
	s9 =	sadd.s32 $0x46400, s0;
	s6 =	smul.u32 $0x140000, s2  }
0x7: {  	s5 =	sshll.u32 s2, $0x4;
	_ =	strace $0x8000004D;
	s2 =	ssub.s32 $0x2, s2  }
0x8: {  	s5 =	sor.u32 s12, s5;
	s10 =	sshrl.u32 s2, $0x1;
	s12 =	sadd.s32 $0x5000, s7  }
0x9: {  	s13 =	sadd.s32 $0x7800, s7;
	s22 =	sadd.s32 $0xA000, s7;
	s23 =	sadd.s32 $0xC800, s7  }
0xa: {  	s24 =	sadd.s32 $0xF000, s7;
	s26 =	sshrl.u32 s26, $0x2;
	s5 =	smul.u32 $0x3400, s5  }
0xb: {  	s8 =	sadd.s32 s6, s7;
	s2 =	ssub.s32 s2, s10;
	s10 =	sor.u32 $0x2800, s7  }
0xc: {  	s7 =	sadd.s32 $0x11800, s7;
	s29 =	sadd.s32 s6, s12;
	s15 =	sadd.s32 s6, s13  }
0xd: {  	s16 =	sadd.s32 s6, s22;
	s18 =	sadd.s32 s6, s23;
	s19 =	sadd.s32 s6, s24  }
0xe: {  	s22 =	sadd.s32 s22, s1;
	s23 =	sadd.s32 s23, s1;
	s24 =	sadd.s32 s24, s1  }
0xf: {  	s8 =	sshrl.u32 s8, $0x3;
	s14 =	sadd.s32 s6, s10;
	s15 =	sshrl.u32 s15, $0x3  }
0x10: {  	s16 =	sshrl.u32 s16, $0x3;
	s6 =	sadd.s32 s6, s7;
	s2 =	smax.u32 s2, $0x1  }
0x11: {  	s20 =	sshrl.u32 s19, $0x3;
	s8 =	sadd.s32 s9, s8;
	[dreg:$0xd] =	wrdreg s2  }
0x12: {  	s14 =	sshrl.u32 s14, $0x3;
	s17 =	sadd.s32 s9, s16;
	[dreg:$0x3] =	wrdreg s8  }
0x13: {  	s6 =	sshrl.u32 s6, $0x3;
	s14 =	sadd.s32 s9, s14;
	[dreg:$0x7] =	wrdreg s17  }
0x14: {  	s6 =	sadd.s32 s9, s6;
	[dreg:$0x4] =	wrdreg s14;
	s14 =	sshrl.u32 s29, $0x3  }
0x15: {  	s11 =	sshrl.u32 s5, $0x3;
	[dreg:$0xa] =	wrdreg s6;
	s14 =	sadd.s32 s9, s14  }
0x16: {  	s21 =	sadd.s32 s11, s0;
	[dreg:$0x5] =	wrdreg s14;
	s14 =	sadd.s32 s9, s15  }
0x17: {  	s25 =	sadd.s32 $0x11400, s21;
	[dreg:$0x6] =	wrdreg s14;
	s14 =	sshrl.u32 s18, $0x3  }
0x18: {  	s19 =	sadd.s32 s10, s1;
	[dreg:$0xb] =	wrdreg s25;
	s14 =	sadd.s32 s9, s14  }
0x19: {  	s21 =	sadd.s32 s13, s1;
	[dreg:$0x8] =	wrdreg s14;
	s14 =	sadd.s32 s9, s20  }
0x1a: {  	s25 =	sadd.s32 s7, s1;
	[dreg:$0x9] =	wrdreg s14;
	s14 =	sadd.s32 $0x4400, s0  }
0x1b: {  	s18 =	sadd.s32 s26, s1;
	s26 =	simm.s32 $0x3500;
	s29 =	sadd.s32 s14, s11  }
0x1c: {  	v0 =	vimm.f32 $0.0e+00;
	s20 =	sadd.s32 s12, s1;
	s0 =	simm.s32 $0x4;
	[dreg:$0xc] =	wrdreg s29  }
.LBB2_1:
0x1d: {  	s2 =	simm.s32 $0x0;
	s6 =	simm.s32 $0x200  }
.LBB2_2:
0x1e: {  	p0 =	sne.s32 s6, $0x9E00;
	[tilespmem:s2+$0x3570] =	vst v0  }
0x1f: {  	[tilespmem:s2+$0x3500] =	vst v0  }
0x20: {  	[tilespmem:s2+$0x3510] =	vst v0  }
.Ltmp0:
0x21: {  	[tilespmem:s2+$0x3520] =	vst v0;
	(pc) =	sbr.rel @p0 .LBB2_2-.Ltmp0, $4  }
0x22: {  	[tilespmem:s2+$0x3530] =	vst v0  }
0x23: {  	[tilespmem:s2+$0x3540] =	vst v0  }
0x24: {  	[tilespmem:s2+$0x3550] =	vst v0  }
0x25: {  	[tilespmem:s2+$0x3560] =	vst v0;
	s2 =	sshra.s32 s6, $0x2;
	s6 =	sadd.s32 $0x200, s6  }
0x26: {  	[tilespmem:s2+$0x3570] =	vst v0  }
0x27: {  	[tilespmem:s2+$0x3500] =	vst v0  }
0x28: {  	[tilespmem:s2+$0x3510] =	vst v0  }
0x29: {  	[tilespmem:s2+$0x3520] =	vst v0  }
0x2a: {  	[tilespmem:s2+$0x3530] =	vst v0  }
0x2b: {  	[tilespmem:s2+$0x3540] =	vst v0  }
0x2c: {  	[tilespmem:s2+$0x3550] =	vst v0  }
0x2d: {  	[tilespmem:s2+$0x3560] =	vst v0  }
0x2e: {  	[spmem:s18] =	stream.linear.scatter [tilespmem:s26], [sflag:$0x5], $0x2800, $0x38;
	[tilespmem:$0x1DD00] =	vst v63  }
0x2f: {  	_ =	swait.ge [sflag:s28], $0x2800  }
0x30: {  	[sflag:s28] =	ssyncset.done $0x0  }
0x31: {  	[sflag:s28] =	ssyncadd.s32 $0xFFFFD800  }
0x32: {  	[spmem:s19] =	stream.linear.scatter [tilespmem:s26], [sflag:$0x5], $0x2800, $0x38;
	[tilespmem:$0x1DD00] =	vst v63  }
0x33: {  	_ =	swait.ge [sflag:s28], $0x2800  }
0x34: {  	[sflag:s28] =	ssyncset.done $0x0  }
0x35: {  	[sflag:s28] =	ssyncadd.s32 $0xFFFFD800  }
0x36: {  	[spmem:s20] =	stream.linear.scatter [tilespmem:s26], [sflag:$0x5], $0x2800, $0x38;
	[tilespmem:$0x1DD00] =	vst v63  }
0x37: {  	_ =	swait.ge [sflag:s28], $0x2800  }
0x38: {  	[sflag:s28] =	ssyncset.done $0x0  }
0x39: {  	[sflag:s28] =	ssyncadd.s32 $0xFFFFD800  }
0x3a: {  	[spmem:s21] =	stream.linear.scatter [tilespmem:s26], [sflag:$0x5], $0x2800, $0x38;
	[tilespmem:$0x1DD00] =	vst v63  }
0x3b: {  	_ =	swait.ge [sflag:s28], $0x2800  }
0x3c: {  	[sflag:s28] =	ssyncset.done $0x0  }
0x3d: {  	[sflag:s28] =	ssyncadd.s32 $0xFFFFD800  }
0x3e: {  	[spmem:s22] =	stream.linear.scatter [tilespmem:s26], [sflag:$0x5], $0x2800, $0x38;
	[tilespmem:$0x1DD00] =	vst v63  }
0x3f: {  	_ =	swait.ge [sflag:s28], $0x2800  }
0x40: {  	[sflag:s28] =	ssyncset.done $0x0  }
0x41: {  	[sflag:s28] =	ssyncadd.s32 $0xFFFFD800  }
0x42: {  	[spmem:s23] =	stream.linear.scatter [tilespmem:s26], [sflag:$0x5], $0x2800, $0x38;
	[tilespmem:$0x1DD00] =	vst v63  }
0x43: {  	_ =	swait.ge [sflag:s28], $0x2800  }
0x44: {  	[sflag:s28] =	ssyncset.done $0x0  }
0x45: {  	[sflag:s28] =	ssyncadd.s32 $0xFFFFD800  }
0x46: {  	[spmem:s24] =	stream.linear.scatter [tilespmem:s26], [sflag:$0x5], $0x2800, $0x38;
	[tilespmem:$0x1DD00] =	vst v63  }
0x47: {  	_ =	swait.ge [sflag:s28], $0x2800  }
0x48: {  	[sflag:s28] =	ssyncset.done $0x0  }
0x49: {  	[sflag:s28] =	ssyncadd.s32 $0xFFFFD800  }
0x4a: {  	[spmem:s25] =	stream.linear.scatter [tilespmem:s26], [sflag:$0x5], $0x2800, $0x38;
	[tilespmem:$0x1DD00] =	vst v63  }
0x4b: {  	_ =	swait.ge [sflag:s28], $0x2800  }
0x4c: {  	[sflag:s28] =	ssyncset.done $0x0  }
0x4d: {  	[sflag:s28] =	ssyncadd.s32 $0xFFFFD800  }
0x4e: {  	[bflag:$0x0] =	sbarrier.arrive $0xFFFF  }
0x4f: {  	s2 =	simm.s32 $0x0;
	s6 =	rddreg [dreg:$0xb]  }
0x50: {  	[tilespmem:s2], [sflag:$0x5] =	stream.linear.gather [hbm4b:s6+s2], $0x3200, $0x38;
	[tilespmem:$0x1DD00] =	vst v63  }
0x51: {  	s16 =	sand.u32 $0x1, s2;
	_ =	swait.ge [sflag:s28], $0x3200  }
0x52: {  	s7 =	simm.s32 $0x3400;
	p1 =	seq.s32 s16, $0x1;
	[sflag:s28] =	ssyncset.done $0x0  }
0x53: {  	s6 =	simm.s32 @p1 $0x80;
	s15 =	rddreg [dreg:$0xc];
	[sflag:s28] =	ssyncadd.s32 $0xFFFFCE00  }
0x54: {  	[tilespmem:s7], [sflag:$0x3] =	stream.linear.gather [hbm4b:s15+s2], $0x80, $0x38;
	[tilespmem:$0x1DD00] =	vst v63  }
0x55: {  	s8 =	simm.s32 $0x80;
	s9 =	simm.s32 $0x1;
	s7 =	sand.u32 @p1 $0x7C00, s6  }
0x56: {  	s29 =	simm.s32 $0x2;
	s6 =	sand.u32 @p1 $0x300, s6;
	s7 =	sadd.s32 @p1 s5, s7  }
0x57: {  	[tilespmem:s26], [sflag:$0x1] =	stream.indirect.gather [hbm4b:s4+s30], $0x80, s2, s30, $0xb8;
	[tilespmem:$0x1DD00] =	vst v63  }
0x58: {  	s17 =	sand.u32 $0x1, s9;
	p0 =	por p1, p1;
	s6 =	sor.u32 @p1 s6, s7  }
0x59: {  	p2 =	seq.s32 s17, $0x1;
	s10 =	simm.s32 @p0 $0x0;
	s6 =	sshrl.u32 @p1 s6, $0x3  }
0x5a: {  	s11 =	simm.s32 @p0 $0x2;
	s7 =	simm.s32 @p0 $0x3400;
	s6 =	sadd.s32 @p0 s14, s6  }
0x5b: {  	[tilespmem:s7], [sflag:$0x3] =	stream.linear.gather @p0 [hbm4b:s6+s10], $0x80, $0x38;
	[tilespmem:$0x1DD00] =	vst v63  }
0x5c: {  	s13 =	simm.s32 @p0 $0x6900;
	s10 =	simm.s32 @p0 $0x64;
	s6 =	simm.s32 @p0 $0x3500  }
0x5d: {  	[tilespmem:s6], [sflag:$0x1] =	stream.indirect.gather @p0 [hbm4b:s4+s10], $0x80, s8, s10, $0xb8;
	[tilespmem:$0x1DD00] =	vst v63  }
0x5e: {  	s9 =	simm.s32 @!p0 $0x3400;
	s2 =	sand.u32 @!p1 $0x3C00, s2;
	_ =	swait.ge @p0 [sflag:s11], $0x3200  }
0x5f: {  	s2 =	sadd.s32 @!p1 s5, s2;
	s7 =	simm.s32 @!p0 $0x6;
	[sflag:s11] =	ssyncset.done @p0 $0x0  }
0x60: {  	s6 =	simm.s32 @!p1 $0x80;
	[sflag:s11] =	ssyncadd.s32 @p0 $0xFFFFCE00;
	s11 =	simm.s32 @p0 $0x4  }
0x61: {  	s7 =	simm.s32 @p0 $0x5;
	s6 =	sand.u32 @!p0 $0x380, s6;
	_ =	swait.ge @p0 [sflag:s11], $0x80  }
0x62: {  	s12 =	sor.u32 @!p0 s6, s2;
	s6 =	simm.s32 $0x80;
	[sflag:s11] =	ssyncset.done @p0 $0x0  }
0x63: {  	s12 =	sshrl.u32 @!p0 s12, $0x3;
	[sflag:s11] =	ssyncadd.s32 @p0 $0xFFFFFF80;
	s11 =	simm.s32 @p0 $0x3480  }
0x64: {  	[spmem:s1] =	stream.indirect.scatter.add.f32 @p0 [tilespmem:s13], [sflag:$0x5], $0x80, s11, s10, $0xb8;
	[tilespmem:$0x1DD00] =	vst v63  }
0x65: {  	s10 =	sadd.s32 @!p0 s14, s12;
	s11 =	simm.s32 @!p0 $0x0;
	s12 =	simm.s32 @!p0 $0x3480  }
0x66: {  	[tilespmem:s12], [sflag:$0x4] =	stream.linear.gather @!p0 [hbm4b:s10+s11], $0x80, $0x38;
	[tilespmem:$0x1DD00] =	vst v63  }
0x67: {  	s11 =	simm.s32 @!p0 $0x1;
	s10 =	simm.s32 @!p0 $0x64;
	s12 =	simm.s32 @!p0 $0x6900  }
0x68: {  	[tilespmem:s12], [sflag:$0x2] =	stream.indirect.gather @!p0 [hbm4b:s4+s10], $0x80, s8, s10, $0xb8;
	[tilespmem:$0x1DD00] =	vst v63  }
0x69: {  	s2 =	simm.s32 $0x100;
	s15 =	sand.u32 @!p2 $0x3C00, s6;
	_ =	swait.ge @!p0 [sflag:s11], $0x3200  }
0x6a: {  	s13 =	simm.s32 @p2 $0x100;
	s8 =	simm.s32 @!p0 $0x3500;
	[sflag:s11] =	ssyncset.done @!p0 $0x0  }
0x6b: {  	s12 =	simm.s32 @!p0 $0x3;
	[sflag:s11] =	ssyncadd.s32 @!p0 $0xFFFFCE00;
	s11 =	sand.u32 @p2 $0x7C00, s13  }
0x6c: {  	s13 =	sand.u32 @p2 $0x300, s13;
	_ =	swait.ge @!p0 [sflag:s12], $0x80;
	s11 =	sadd.s32 @p2 s5, s11  }
0x6d: {  	[sflag:s12] =	ssyncset.done @!p0 $0x0;
	s13 =	sor.u32 @p2 s13, s11;
	s11 =	simm.s32 @!p2 $0x100  }
0x6e: {  	[sflag:s12] =	ssyncadd.s32 @!p0 $0xFFFFFF80;
	s13 =	sshrl.u32 @p2 s13, $0x3;
	s12 =	sadd.s32 @!p2 s5, s15  }
.LBB2_4:
0x6f: {  	[spmem:s1] =	stream.indirect.scatter.add.f32 @!p0 [tilespmem:s8], [sflag:$0x6], $0x80, s9, s10, $0xb8;
	[tilespmem:$0x1DD00] =	vst v63  }
0x70: {  	s10 =	smov.u32 s29;
	s15 =	smov.u32 s2;
	p0 =	por p2, p2  }
0x71: {  	s29 =	sadd.s32 $0x1, s29;
	s8 =	sand.u32 @!p0 $0x380, s11;
	_ =	swait.ge [sflag:s7], $0x3200  }
0x72: {  	s9 =	simm.s32 @p0 $0x3400;
	s11 =	sor.u32 @!p0 s8, s12;
	[sflag:s7] =	ssyncset.done $0x0  }
0x73: {  	s8 =	sadd.s32 @p0 s14, s13;
	s12 =	simm.s32 @p0 $0x0;
	[sflag:s7] =	ssyncadd.s32 $0xFFFFCE00  }
0x74: {  	[tilespmem:s9], [sflag:$0x3] =	stream.linear.gather @p0 [hbm4b:s8+s12], $0x80, $0x38;
	[tilespmem:$0x1DD00] =	vst v63  }
0x75: {  	s7 =	simm.s32 @p0 $0x3500;
	s12 =	simm.s32 @p0 $0x64;
	s8 =	simm.s32 @p0 $0x2  }
0x76: {  	[tilespmem:s7], [sflag:$0x1] =	stream.indirect.gather @p0 [hbm4b:s4+s12], $0x80, s2, s12, $0xb8;
	[tilespmem:$0x1DD00] =	vst v63  }
0x77: {  	s6 =	sadd.s32 $0x80, s6;
	s2 =	sadd.s32 $0x80, s2;
	_ =	swait.ge @p0 [sflag:s8], $0x3200  }
0x78: {  	p1 =	sne.s32 s29, $0x63;
	s13 =	simm.s32 @p0 $0x4;
	[sflag:s8] =	ssyncset.done @p0 $0x0  }
0x79: {  	s7 =	simm.s32 @!p0 $0x6;
	[sflag:s8] =	ssyncadd.s32 @p0 $0xFFFFCE00;
	s8 =	simm.s32 @!p0 $0x3500  }
0x7a: {  	s9 =	simm.s32 @!p0 $0x3400;
	s7 =	simm.s32 @p0 $0x5;
	_ =	swait.ge @p0 [sflag:s13], $0x80  }
0x7b: {  	s16 =	simm.s32 @p0 $0x6900;
	s17 =	simm.s32 @!p0 $0x1;
	[sflag:s13] =	ssyncset.done @p0 $0x0  }
0x7c: {  	s11 =	sshrl.u32 @!p0 s11, $0x3;
	[sflag:s13] =	ssyncadd.s32 @p0 $0xFFFFFF80;
	s13 =	simm.s32 @p0 $0x3480  }
0x7d: {  	[spmem:s1] =	stream.indirect.scatter.add.f32 @p0 [tilespmem:s16], [sflag:$0x5], $0x80, s13, s12, $0xb8;
	[tilespmem:$0x1DD00] =	vst v63  }
0x7e: {  	s11 =	sadd.s32 @!p0 s14, s11;
	s12 =	simm.s32 @!p0 $0x0;
	s13 =	simm.s32 @!p0 $0x3480  }
0x7f: {  	[tilespmem:s13], [sflag:$0x4] =	stream.linear.gather @!p0 [hbm4b:s11+s12], $0x80, $0x38;
	[tilespmem:$0x1DD00] =	vst v63  }
0x80: {  	s11 =	sand.u32 $0x1, s10;
	s10 =	simm.s32 @!p0 $0x64;
	s12 =	simm.s32 @!p0 $0x6900  }
0x81: {  	[tilespmem:s12], [sflag:$0x2] =	stream.indirect.gather @!p0 [hbm4b:s4+s10], $0x80, s15, s10, $0xb8;
	[tilespmem:$0x1DD00] =	vst v63  }
0x82: {  	p2 =	seq.s32 s11, $0x1;
	s15 =	simm.s32 @!p0 $0x3;
	_ =	swait.ge @!p0 [sflag:s17], $0x3200  }
.Ltmp1:
0x83: {  	s11 =	sadd.s32 @p2 $0x80, s6;
	[sflag:s17] =	ssyncset.done @!p0 $0x0;
	(pc) =	sbr.rel @p1 .LBB2_4-.Ltmp1, $4  }
0x84: {  	s12 =	sand.u32 @p2 $0x7C00, s11;
	s11 =	sand.u32 @p2 $0x300, s11;
	[sflag:s17] =	ssyncadd.s32 @!p0 $0xFFFFCE00  }
0x85: {  	s16 =	sand.u32 @!p2 $0x3C00, s6;
	s12 =	sadd.s32 @p2 s5, s12;
	_ =	swait.ge @!p0 [sflag:s15], $0x80  }
0x86: {  	s12 =	sor.u32 @p2 s11, s12;
	s11 =	sadd.s32 @!p2 $0x80, s6;
	[sflag:s15] =	ssyncset.done @!p0 $0x0  }
0x87: {  	s13 =	sshrl.u32 @p2 s12, $0x3;
	s12 =	sadd.s32 @!p2 s5, s16;
	[sflag:s15] =	ssyncadd.s32 @!p0 $0xFFFFFF80  }
0x88: {  	[spmem:s1] =	stream.indirect.scatter.add.f32 @!p0 [tilespmem:s8], [sflag:$0x6], $0x80, s9, s10, $0xb8;
	[tilespmem:$0x1DD00] =	vst v63  }
0x89: {  	p0 =	por p2, p2;
	_ =	swait.ge [sflag:s7], $0x3200  }
0x8a: {  	s6 =	simm.s32 @p0 $0x3400;
	[sflag:s7] =	ssyncset.done $0x0  }
0x8b: {  	s8 =	sadd.s32 @p0 s14, s13;
	[sflag:s7] =	ssyncadd.s32 $0xFFFFCE00;
	s7 =	simm.s32 @p0 $0x0  }
0x8c: {  	[tilespmem:s6], [sflag:$0x3] =	stream.linear.gather @p0 [hbm4b:s8+s7], $0x80, $0x38;
	[tilespmem:$0x1DD00] =	vst v63  }
0x8d: {  	s6 =	simm.s32 @p0 $0x64;
	s7 =	simm.s32 @p0 $0x3500;
	s8 =	simm.s32 @p0 $0x2  }
0x8e: {  	[tilespmem:s7], [sflag:$0x1] =	stream.indirect.gather @p0 [hbm4b:s4+s6], $0x80, s2, s6, $0xb8;
	[tilespmem:$0x1DD00] =	vst v63  }
0x8f: {  	_ =	swait.ge @p0 [sflag:s8], $0x3200  }
0x90: {  	[sflag:s8] =	ssyncset.done @p0 $0x0  }
0x91: {  	s7 =	simm.s32 @p0 $0x4;
	[sflag:s8] =	ssyncadd.s32 @p0 $0xFFFFCE00  }
0x92: {  	_ =	swait.ge @p0 [sflag:s7], $0x80  }
0x93: {  	[sflag:s7] =	ssyncset.done @p0 $0x0  }
0x94: {  	s8 =	simm.s32 @p0 $0x6900;
	[sflag:s7] =	ssyncadd.s32 @p0 $0xFFFFFF80;
	s7 =	simm.s32 @p0 $0x3480  }
0x95: {  	[spmem:s1] =	stream.indirect.scatter.add.f32 @p0 [tilespmem:s8], [sflag:$0x5], $0x80, s7, s6, $0xb8;
	[tilespmem:$0x1DD00] =	vst v63  }
0x96: {  	s6 =	sand.u32 @!p0 $0x380, s11  }
0x97: {  	s6 =	sor.u32 @!p0 s6, s12  }
0x98: {  	s6 =	sshrl.u32 @!p0 s6, $0x3  }
0x99: {  	s7 =	simm.s32 @!p0 $0x0;
	s8 =	simm.s32 @!p0 $0x3480;
	s6 =	sadd.s32 @!p0 s14, s6  }
0x9a: {  	[tilespmem:s8], [sflag:$0x4] =	stream.linear.gather @!p0 [hbm4b:s6+s7], $0x80, $0x38;
	[tilespmem:$0x1DD00] =	vst v63  }
0x9b: {  	s6 =	simm.s32 @!p0 $0x64;
	s7 =	simm.s32 @!p0 $0x6900  }
0x9c: {  	[tilespmem:s7], [sflag:$0x2] =	stream.indirect.gather @!p0 [hbm4b:s4+s6], $0x80, s2, s6, $0xb8;
	[tilespmem:$0x1DD00] =	vst v63  }
0x9d: {  	s2 =	simm.s32 @!p0 $0x1  }
0x9e: {  	_ =	swait.ge @!p0 [sflag:s2], $0x3200  }
0x9f: {  	[sflag:s2] =	ssyncset.done @!p0 $0x0  }
0xa0: {  	s7 =	simm.s32 @!p0 $0x3;
	[sflag:s2] =	ssyncadd.s32 @!p0 $0xFFFFCE00  }
0xa1: {  	_ =	swait.ge @!p0 [sflag:s7], $0x80  }
0xa2: {  	[sflag:s7] =	ssyncset.done @!p0 $0x0  }
0xa3: {  	s2 =	simm.s32 @!p0 $0x3500;
	[sflag:s7] =	ssyncadd.s32 @!p0 $0xFFFFFF80;
	s7 =	simm.s32 @!p0 $0x3400  }
0xa4: {  	[spmem:s1] =	stream.indirect.scatter.add.f32 @!p0 [tilespmem:s2], [sflag:$0x6], $0x80, s7, s6, $0xb8;
	[tilespmem:$0x1DD00] =	vst v63  }
0xa5: {  	s2 =	simm.s32 @!p0 $0x6  }
0xa6: {  	s2 =	simm.s32 @p0 $0x5  }
0xa7: {  	_ =	swait.ge [sflag:s2], $0x3200  }
0xa8: {  	[sflag:s2] =	ssyncset.done $0x0  }
0xa9: {  	[sflag:s2] =	ssyncadd.s32 $0xFFFFCE00  }
0xaa: {  	_ =	swait.ge [sflag:s31], $0x3200  }
0xab: {  	[sflag:s31] =	ssyncset.done $0x0  }
0xac: {  	[sflag:s31] =	ssyncadd.s32 $0xFFFFCE00  }
0xad: {  	_ =	swait.ge [sflag:s0], $0x80  }
0xae: {  	[sflag:s0] =	ssyncset.done $0x0  }
0xaf: {  	s9 =	simm.s32 $0x3480;
	s10 =	simm.s32 $0x6900;
	[sflag:s0] =	ssyncadd.s32 $0xFFFFFF80  }
0xb0: {  	[spmem:s1] =	stream.indirect.scatter.add.f32 [tilespmem:s10], [sflag:$0x5], $0x80, s9, s30, $0xb8;
	[tilespmem:$0x1DD00] =	vst v63  }
0xb1: {  	_ =	swait.ge [sflag:s28], $0x3200  }
0xb2: {  	[sflag:s28] =	ssyncset.done $0x0  }
0xb3: {  	s11 =	stileid.u32;
	[sflag:s28] =	ssyncadd.s32 $0xFFFFCE00  }
0xb4: {  	s2 =	sshll.u32 s11, $0x6;
	[bflag:$0x0] =	sbarrier.arrive $0xFFFF  }
0xb5: {  	s12 =	sshrl.u32 s18, $0x3;
	s2 =	sor.u32 $0x1C05, s2;
	s13 =	rddreg [dreg:$0x3]  }
0xb6: {  	[hbm:s13], [sflag:s2] =	dma.local [spmem:s12], $0x500  }
0xb7: {  	_ =	swait.ge [sflag:s28], $0x500  }
0xb8: {  	[sflag:s28] =	ssyncset.done $0x0  }
0xb9: {  	s15 =	sshrl.u32 s19, $0x3;
	s16 =	rddreg [dreg:$0x4];
	[sflag:s28] =	ssyncadd.s32 $0xFFFFFB00  }
0xba: {  	[hbm:s16], [sflag:s2] =	dma.local [spmem:s15], $0x500  }
0xbb: {  	_ =	swait.ge [sflag:s28], $0x500  }
0xbc: {  	[sflag:s28] =	ssyncset.done $0x0  }
0xbd: {  	s17 =	sshrl.u32 s20, $0x3;
	s29 =	rddreg [dreg:$0x5];
	[sflag:s28] =	ssyncadd.s32 $0xFFFFFB00  }
0xbe: {  	[hbm:s29], [sflag:s2] =	dma.local [spmem:s17], $0x500  }
0xbf: {  	_ =	swait.ge [sflag:s28], $0x500  }
0xc0: {  	[sflag:s28] =	ssyncset.done $0x0  }
0xc1: {  	s7 =	sshrl.u32 s21, $0x3;
	s8 =	rddreg [dreg:$0x6];
	[sflag:s28] =	ssyncadd.s32 $0xFFFFFB00  }
0xc2: {  	[hbm:s8], [sflag:s2] =	dma.local [spmem:s7], $0x500  }
0xc3: {  	_ =	swait.ge [sflag:s28], $0x500  }
0xc4: {  	[sflag:s28] =	ssyncset.done $0x0  }
0xc5: {  	s9 =	sshrl.u32 s22, $0x3;
	s10 =	rddreg [dreg:$0x7];
	[sflag:s28] =	ssyncadd.s32 $0xFFFFFB00  }
0xc6: {  	[hbm:s10], [sflag:s2] =	dma.local [spmem:s9], $0x500  }
0xc7: {  	_ =	swait.ge [sflag:s28], $0x500  }
0xc8: {  	[sflag:s28] =	ssyncset.done $0x0  }
0xc9: {  	s11 =	sshrl.u32 s23, $0x3;
	s12 =	rddreg [dreg:$0x8];
	[sflag:s28] =	ssyncadd.s32 $0xFFFFFB00  }
0xca: {  	[hbm:s12], [sflag:s2] =	dma.local [spmem:s11], $0x500  }
0xcb: {  	_ =	swait.ge [sflag:s28], $0x500  }
0xcc: {  	[sflag:s28] =	ssyncset.done $0x0  }
0xcd: {  	s13 =	sshrl.u32 s24, $0x3;
	s15 =	rddreg [dreg:$0x9];
	[sflag:s28] =	ssyncadd.s32 $0xFFFFFB00  }
0xce: {  	[hbm:s15], [sflag:s2] =	dma.local [spmem:s13], $0x500  }
0xcf: {  	_ =	swait.ge [sflag:s28], $0x500  }
0xd0: {  	[sflag:s28] =	ssyncset.done $0x0  }
0xd1: {  	s16 =	sshrl.u32 s25, $0x3;
	s17 =	rddreg [dreg:$0xa];
	[sflag:s28] =	ssyncadd.s32 $0xFFFFFB00  }
0xd2: {  	[hbm:s17], [sflag:s2] =	dma.local [spmem:s16], $0x500  }
0xd3: {  	_ =	swait.ge [sflag:s28], $0x500  }
0xd4: {  	s3 =	sadd.s32 $0x1, s3;
	s29 =	rddreg [dreg:$0xd]  }
0xd5: {  	p0 =	sne.s32 s3, s29  }
.Ltmp2:
0xd6: {  	_ = 	snop;
	(pc) =	sbr.rel @p0 .LBB2_1-.Ltmp2, $3  }
0xd7: {  	_ =	sdelay $0x1  }
0xd8: {  	[sflag:s28] =	ssyncset.done $0x0  }
0xd9: {  	[sflag:s28] =	ssyncadd.s32 $0xFFFFFB00  }
0xda: {  	_ =	sfence.sel $0x180000  }
0xdb: {  	[bflag:$0x0] =	sbarrier.arrive $0xFFFF  }
0xdc: {  	_ =	strace $0x9000004D  }
0xdd: {  	s0 =	stileid.u32;
	[bflag:$0x2] =	sbarrier.arrive $0xFFFF  }
0xde: {  	p0 =	sne.s32 s0, $0x0;
	s0 =	rddreg [dreg:$0x2]  }
0xdf: {  	s0 =	sadd.s32 @!p0 $0x100000, s0  }
0xe0: {  	[sflag:s0] =	ssyncadd.tile.s32 @!p0 $0x1;
	_ =	shalt  }
.Lfunc_end2:
_tile_overlayer_lowered:
.L_overlay_start_2:
0xe1: {  	(tag) =	ssettag $0x2  }
0xe2: {  	s0 =	rddreg [dreg:$0x0];
	s2 =	stileid.u32  }
0xe3: {  	s1 =	rddreg [dreg:$0x1];
	p0 =	sne.s32 s2, $0x0  }
0xe4: {  	s3 =	rddreg [dreg:$0x2];
	[bflag:$0x3] =	sbarrier.arrive $0xFFFF;
	s2 =	simm.s32 @!p0 $0x1C05  }
0xe5: {  	[timem:s3], [sflag:s2] =	dma.local @!p0 [hbm:s0], s1  }
0xe6: {  	s0 =	simm.s32 @!p0 $0x5  }
0xe7: {  	_ =	swait.ge @!p0 [sflag:s0], s1  }
0xe8: {  	s1 =	ssub.s32 @!p0 $0x0, s1;
	[sflag:s0] =	ssyncset.done @!p0 $0x0  }
0xe9: {  	[sflag:s0] =	ssyncadd.s32 @!p0 s1  }
0xea: {  	[bflag:$0x3] =	sbarrier.arrive $0xFFFF  }
0xeb: {  	_ =	shalt  }

// kernel: kernel.8.cloned.1.call-start
scs
__scs_entry_jumppad:
0x0: {  	(pc) =	sbr.rel $0x88, $3  }
0x1: {  	(tag) =	ssettag $0x0;
	lr =	simm.s32 $0x1  }
0x2: {  	[smem:$0x3F94] =	sst lr;
	_ =	strace $0xD0000000  }
0x3: {  	_ = 	snop  }
0x4: {  	_ = 	snop  }
0x5: {  	_ = 	snop  }
0x6: {  	_ = 	snop  }
0x7: {  	_ = 	snop  }
__scs_overlays_trampoline_lowered:
0x8: {  	[smem:$0x3FA3] =	sst s0  }
0x9: {  	[smem:$0x3FA4] =	sst s1  }
0xa: {  	[smem:$0x3FA5] =	sst s2  }
0xb: {  	[smem:$0x3FA6] =	sst s3  }
0xc: {  	[smem:$0x3FA7] =	sst s4  }
0xd: {  	[smem:$0x3FA8] =	sst s5  }
0xe: {  	[smem:$0x3FA9] =	sst s6  }
0xf: {  	[smem:$0x3FAA] =	sst s7  }
0x10: {  	[smem:$0x3FAB] =	sst s8  }
0x11: {  	[smem:$0x3FAC] =	sst s9;
	s0 =	simm.s32 @!p0 $0x0  }
0x12: {  	s1 =	sld [smem:$0x3F92];
	s0 =	simm.s32 @p0 $0x1  }
0x13: {  	[smem:$0x3FAD] =	sst s0;
	s0 =	simm.s32 @!p1 $0x0  }
0x14: {  	s2 =	sld [smem:$0x3F91];
	s0 =	simm.s32 @p1 $0x1  }
0x15: {  	[smem:$0x3FAE] =	sst s0;
	s0 =	simm.s32 @!p2 $0x0  }
0x16: {  	s3 =	sld [smem:$0x3FDB];
	s0 =	simm.s32 @p2 $0x1  }
0x17: {  	s4 =	simm.s32 $0x1BF5;
	[smem:$0x3FB0] =	sst s0  }
0x18: {  	s0 =	sld [smem:$0x3F93];
	_ =	swait.ge [sflag:s4], $0x0  }
0x19: {  	s7 =	sld [smem:$0x3F94]  }
0x1a: {  	s8 =	sadd.s32 $0xFFFFE003, lr  }
0x1b: {  	s9 =	sadd.s32 $0xFFFFFEF7, lr;
	s5 =	simm.s32 $0xFFFFFFFF;
	p2 =	slt.u32 s8, $0xFFFFF086  }
0x1c: {  	p1 =	slt.u32 s9, $0xF7A;
	s5 =	simm.s32 @!p2 $0x0  }
0x1d: {  	s5 =	simm.s32 @p1 $0x1;
	p0 =	seq.s32 s7, s2  }
0x1e: {  	s7 =	smul.u32 @!p0 $0xF7A, s2;
	p2 =	seq.s32 @!p0 s5, $0x0  }
0x1f: {  	s9 =	smul.u32 $0xF7A, s1;
	s8 =	simm.s32 @!p0 $0x1BF5;
	p2 =	por !p2, p0  }
0x20: {  	[sflag:s8] =	ssyncset.s32 @!p0 $0xFFFFF086;
	s6 =	sadd.s32 @!p0 s3, s7;
	s7 =	simm.s32 @!p0 $0x108  }
0x21: {  	s3 =	sadd.s32 s3, s9;
	s6 =	sadd.s32 @!p0 $0x88, s6;
	s7 =	simm.s32 @p2 $0x1082  }
0x22: {  	[simem:s7], [sflag:s8] =	dma.local @!p0 [hbm:s6], $0xF7A  }
0x23: {  	s9 =	sor.u32 $0xD0000000, s2;
	s6 =	simm.s32 $0x108;
	_ =	swait.ge @!p0 [sflag:s8], $0x0  }
0x24: {  	s3 =	sadd.s32 $0x88, s3;
	s6 =	simm.s32 @!p1 $0x1082;
	[sflag:s4] =	ssyncset.s32 $0xFFFFF086  }
0x25: {  	[simem:s6], [sflag:s4] =	dma.local [hbm:s3], $0xF7A  }
0x26: {  	[smem:$0x3F94] =	sst s1;
	(tag) =	ssettag s2;
	_ =	strace s9  }
0x27: {  	s1 =	sld [smem:$0x3FA4]  }
0x28: {  	s2 =	sld [smem:$0x3FA5]  }
0x29: {  	s4 =	sld [smem:$0x3FA7]  }
0x2a: {  	p0 =	seq.s32 s5, $0x0;
	s5 =	sld [smem:$0x3FA8]  }
0x2b: {  	s6 =	sld [smem:$0x3FA9]  }
0x2c: {  	s7 =	sld [smem:$0x3FAA]  }
0x2d: {  	s3 =	simm.s32 $0x108;
	s8 =	sld [smem:$0x3FAB]  }
0x2e: {  	s3 =	simm.s32 @!p0 $0x1082;
	s9 =	sld [smem:$0x3FAC]  }
0x2f: {  	lr =	sadd.s32 s0, s3;
	s0 =	sld [smem:$0x3FA3]  }
0x30: {  	s3 =	sld [smem:$0x3FA6]  }
0x31: {  	[smem:$0x3FAF] =	sst s10  }
0x32: {  	s10 =	sld [smem:$0x3FAD];
	_ =	sdelay $0x3  }
0x33: {  	p0 =	seq.s32 s10, $0x1;
	s10 =	sld [smem:$0x3FAF];
	_ =	sdelay $0x3  }
0x34: {  	[smem:$0x3FAF] =	sst s10  }
0x35: {  	s10 =	sld [smem:$0x3FAE];
	_ =	sdelay $0x3  }
0x36: {  	p1 =	seq.s32 s10, $0x1;
	s10 =	sld [smem:$0x3FAF];
	_ =	sdelay $0x3  }
0x37: {  	[smem:$0x3FAF] =	sst s10  }
0x38: {  	s10 =	sld [smem:$0x3FB0]  }
0x39: {  	_ = 	snop;
	(pc) =	sbr.ind lr, $3  }
0x3a: {  	_ = 	snop  }
0x3b: {  	_ = 	snop  }
0x3c: {  	p2 =	seq.s32 s10, $0x1;
	s10 =	sld [smem:$0x3FAF]  }
0x3d: {  	_ =	shalt  }
0x3e: {  	_ =	shalt  }
0x3f: {  	_ =	shalt  }
0x40: {  	_ =	shalt  }
0x41: {  	_ =	shalt  }
0x42: {  	_ =	shalt  }
0x43: {  	_ =	shalt  }
0x44: {  	_ =	shalt  }
0x45: {  	_ =	shalt  }
0x46: {  	_ =	shalt  }
0x47: {  	_ =	shalt  }
0x48: {  	_ =	shalt  }
0x49: {  	_ =	shalt  }
0x4a: {  	_ =	shalt  }
0x4b: {  	_ =	shalt  }
0x4c: {  	_ =	shalt  }
0x4d: {  	_ =	shalt  }
0x4e: {  	_ =	shalt  }
0x4f: {  	_ =	shalt  }
0x50: {  	_ =	shalt  }
0x51: {  	_ =	shalt  }
0x52: {  	_ =	shalt  }
0x53: {  	_ =	shalt  }
0x54: {  	_ =	shalt  }
0x55: {  	_ =	shalt  }
0x56: {  	_ =	shalt  }
0x57: {  	_ =	shalt  }
0x58: {  	_ =	shalt  }
0x59: {  	_ =	shalt  }
0x5a: {  	_ =	shalt  }
0x5b: {  	_ =	shalt  }
0x5c: {  	_ =	shalt  }
0x5d: {  	_ =	shalt  }
0x5e: {  	_ =	shalt  }
0x5f: {  	_ =	shalt  }
0x60: {  	_ =	shalt  }
0x61: {  	_ =	shalt  }
0x62: {  	_ =	shalt  }
0x63: {  	_ =	shalt  }
0x64: {  	_ =	shalt  }
0x65: {  	_ =	shalt  }
0x66: {  	_ =	shalt  }
0x67: {  	_ =	shalt  }
0x68: {  	_ =	shalt  }
0x69: {  	_ =	shalt  }
0x6a: {  	_ =	shalt  }
0x6b: {  	_ =	shalt  }
0x6c: {  	_ =	shalt  }
0x6d: {  	_ =	shalt  }
0x6e: {  	_ =	shalt  }
0x6f: {  	_ =	shalt  }
0x70: {  	_ =	shalt  }
0x71: {  	_ =	shalt  }
0x72: {  	_ =	shalt  }
0x73: {  	_ =	shalt  }
0x74: {  	_ =	shalt  }
0x75: {  	_ =	shalt  }
0x76: {  	_ =	shalt  }
0x77: {  	_ =	shalt  }
0x78: {  	_ =	shalt  }
0x79: {  	_ =	shalt  }
0x7a: {  	_ =	shalt  }
0x7b: {  	_ =	shalt  }
0x7c: {  	_ =	shalt  }
0x7d: {  	_ =	shalt  }
0x7e: {  	_ =	shalt  }
0x7f: {  	_ =	shalt  }
0x80: {  	_ =	shalt  }
0x81: {  	_ =	shalt  }
0x82: {  	_ =	shalt  }
0x83: {  	_ =	shalt  }
0x84: {  	_ =	shalt  }
0x85: {  	_ =	shalt  }
0x86: {  	_ =	shalt  }
0x87: {  	_ =	shalt  }
.Lfunc_end0:
.L_simem_size_0:
called_computation_lowered:
.L_overlay_start_0:
0x88: {  	s2 =	sld [smem:$0x3FD9]  }
0x89: {  	s3 =	sld [smem:$0x3FFE];
	_ =	sdelay $0x1  }
0x8a: {  	s1 =	srdreg.scid  }
0x8b: {  	s0 =	sand.u32 $0x1, s1  }
0x8c: {  	s14 =	sshll.u32 s0, $0xA;
	s2 =	sadd.s32 s3, s2  }
0x8d: {  	s2 =	sadd.s32 s2, s14  }
0x8e: {  	[smem:$0x3FBB] =	sst s2  }
0x8f: {  	_ = 	snop  }
0x90: {  	s2 =	sld [smem:$0x3FD0];
	_ =	sdelay $0x2  }
0x91: {  	s15 =	simm.s32 $0xA;
	s4 =	simm.s32 $0x10  }
0x92: {  	[smem:s4], [sflag:s15] =	dma.local [hbm:s2], $0x1  }
0x93: {  	_ =	swait.eq [sflag:s15], $0x1  }
0x94: {  	[sflag:s15] =	ssyncset.done $0x0  }
0x95: {  	[sflag:s15] =	ssyncadd.s32 $0xFFFFFFFF  }
0x96: {  	s16 =	sld [smem:$0x10];
	(tm) =	ssettm $0x1  }
0x97: {  	s17 =	sld [smem:$0x3FFB];
	_ =	sdelay $0x3  }
0x98: {  	_ =	strace s17  }
0x99: {  	s3 =	sld [smem:$0x3FFC];
	_ =	sdelay $0x3  }
0x9a: {  	_ =	strace s3  }
0x9b: {  	s3 =	sld [smem:$0x3FFD];
	_ =	sdelay $0x3  }
0x9c: {  	_ =	strace s3  }
0x9d: {  	_ =	strace $0x8FFFFFFF  }
0x9e: {  	s18 =	sld [smem:$0x3FDB];
	_ =	sdelay $0x1  }
0x9f: {  	s19 =	simm.s32 $_scs_section_size  }
0xa0: {  	s5 =	simm.s32 $_size__tile_overlayer_lowered;
	s6 =	simm.s32 $_tile_overlayer_lowered  }
0xa1: {  	s22 =	simm.s32 $0x1BFF;
	s21 =	sshll.u32 s6, $0x1;
	s3 =	sadd.s32 s19, s18  }
0xa2: {  	s7 =	simm.s32 $0x0;
	s20 =	sshll.u32 s5, $0x1;
	s5 =	sadd.s32 s21, s3  }
0xa3: {  	[timem:s7], [sflag:s22] =	dma.local [hbm:s5], s20  }
0xa4: {  	_ =	swait.ge [sflag:s22], s20  }
0xa5: {  	s4 =	ssub.s32 $0x0, s20;
	[sflag:s22] =	ssyncset.done $0x0  }
0xa6: {  	[sflag:s22] =	ssyncadd.s32 s4;
	_ =	sdelay $0x1  }
0xa7: {  	s23 =	simm.s32 $0x1B8B  }
0xa8: {  	_ =	swait.ge [sflag:s23], $0x1  }
0xa9: {  	[sflag:s23] =	ssyncset.done $0x0  }
0xaa: {  	s25 =	simm.s32 $0x1B8E;
	s24 =	sld [smem:$0x3FFE];
	[sflag:s23] =	ssyncadd.s32 $0xFFFFFFFF  }
0xab: {  	s26 =	simm.s32 $execute0_lowered;
	[smem:$0x3FD2] =	sst s25  }
0xac: {  	s5 =	sshll.u32 s26, $0x1;
	_ =	strace $0x80000046;
	[dreg:$0x1] =	wrdreg $0xFFFFFFFF  }
0xad: {  	s28 =	simm.s32 $_size_execute0_lowered;
	s3 =	sadd.s32 s3, s5;
	[dreg:$0x0] =	wrdreg $0x0  }
0xae: {  	s5 =	sshll.u32 s28, $0x1;
	[dreg:$0x2] =	wrdreg s3  }
0xaf: {  	[dreg:$0x3] =	wrdreg s5  }
0xb0: {  	[dreg:$0x4] =	wrdreg $0xC0  }
0xb1: {  	_ =	task [dreg:s7], $0x5FFFF  }
0xb2: {  	[dreg:$0x1] =	wrdreg $0xFFFFFFFF  }
0xb3: {  	[dreg:$0x0] =	wrdreg $0x60  }
0xb4: {  	[dreg:$0x2] =	wrdreg s16  }
0xb5: {  	[dreg:$0x3] =	wrdreg s24  }
0xb6: {  	[dreg:$0x4] =	wrdreg $0x43000  }
0xb7: {  	[dreg:$0x5] =	wrdreg $0x9  }
0xb8: {  	_ =	task.clear_ibuf [dreg:s7], $0x6FFFF;
	_ =	strace $0x90000046  }
0xb9: {  	s29 =	simm.s32 $0x9;
	_ =	strace $0x80000048  }
0xba: {  	_ =	swait.ge [sflag:s29], $0x1  }
0xbb: {  	[sflag:s29] =	ssyncadd.s32 $0xFFFFFFFF  }
0xbc: {  	_ =	strace $0x90000048  }
0xbd: {  	_ =	sfence  }
0xbe: {  	s30 =	sld [smem:$0x0];
	_ =	sdelay $0x2  }
0xbf: {  	s31 =	sshll.u32 s1, $0xD;
	s1 =	sshrl.u32 s1, $0x2  }
0xc0: {  	s3 =	sand.u32 $0x4000, s31;
	s1 =	sadd.s32 s1, s30  }
0xc1: {  	s0 =	sor.u32 s3, s0;
	s1 =	sshll.u32 s1, $0x11  }
0xc2: {  	s0 =	sor.u32 s1, s0  }
0xc3: {  	s0 =	sadd.s32 $0x8F2B, s0  }
0xc4: {  	[sflag:s0] =	ssyncadd.remote.s32 $0x1  }
0xc5: {  	_ =	sfence.sel $0xFFFF  }
0xc6: {  	[dreg:$0x0] =	wrdreg $0xFFFFFFFF;
	(pc) =	sbr.abs _section_cstart, $3  }
0xc7: {  	[dreg:$0x1] =	wrdreg $0xFFFFFFFF  }
0xc8: {  	_ =	task.clear_ibuf [dreg:s7], $0x2FFFF;
	_ =	strace $0x9FFFFFFF  }
0xc9: {  	(tm) =	ssettm $0x7FFFFFFF  }
tec
execute0_lowered:
.L_overlay_start_1:
0x0: {  	(tag) =	ssettag $0x1  }
0x1: {  	s4 =	rddreg [dreg:$0x0]  }
0x2: {  	s5 =	rddreg [dreg:$0x1]  }
0x3: {  	s2 =	rddreg [dreg:$0x2]  }
0x4: {  	s0 =	rddreg [dreg:$0x3]  }
0x5: {  	s6 =	srdreg.scid;
	s1 =	stileid.u32;
	s3 =	simm.s32 $0x0  }
0x6: {  	s11 =	simm.s32 $0x4000;
	s12 =	simm.s32 $0x80;
	s13 =	simm.s32 $0x100  }
0x7: {  	s14 =	simm.s32 $0x0;
	s6 =	sand.u32 $0x1, s6;
	s7 =	smul.u32 $0x500, s1  }
0x8: {  	[smem:$0x7FF] =	sst s3;
	s9 =	smul.u32 $0xA00, s1;
	s10 =	sshll.u32 s1, $0xB  }
0x9: {  	s8 =	sshll.u32 s6, $0x7;
	_ =	strace $0x80000047;
	s30 =	ssub.s32 $0x2, s6  }
0xa: {  	s6 =	sshll.u32 s6, $0xF;
	s10 =	sadd.s32 s4, s10;
	s7 =	sor.u32 s8, s7  }
0xb: {  	s31 =	sshrl.u32 s30, $0x1;
	s9 =	sshrl.u32 s9, $0x2;
	s7 =	sshrl.u32 s7, $0x3  }
0xc: {  	s8 =	ssub.s32 s30, s31;
	s4 =	sadd.s32 s9, s2;
	s9 =	simm.s32 $0x1  }
0xd: {  	s7 =	sadd.s32 s7, s5;
	s5 =	sadd.s32 s6, s10;
	s10 =	simm.s32 $0x50  }
0xe: {  	v0 =	vimm.f32 $1.000000000e+00;
	v1 =	vimm.f32 $0.0e+00;
	s6 =	sadd.s32 $0x3A00, s7;
	s7 =	smax.u32 s8, $0x1;
	s8 =	simm.s32 $0x4080  }
.LBB2_1:
0xf: {  	[tilespmem:$0x4000] =	vst v0  }
0x10: {  	[tilespmem:$0x4010] =	vst v0  }
0x11: {  	[tilespmem:$0x4020] =	vst v0  }
0x12: {  	[tilespmem:$0x4030] =	vst v0  }
0x13: {  	[tilespmem:$0x4040] =	vst v0  }
0x14: {  	[tilespmem:$0x4080] =	vst v1  }
0x15: {  	[tilespmem:$0x4090] =	vst v1  }
0x16: {  	[tilespmem:$0x40A0] =	vst v1  }
0x17: {  	[tilespmem:$0x40B0] =	vst v1  }
0x18: {  	[tilespmem:$0x40C0] =	vst v1  }
0x19: {  	[tilespmem:$0x40D0] =	vst v1  }
0x1a: {  	[tilespmem:$0x40E0] =	vst v1  }
0x1b: {  	[tilespmem:$0x40F0] =	vst v1  }
0x1c: {  	[tilespmem:$0x4100] =	vst v1  }
0x1d: {  	[tilespmem:$0x4110] =	vst v1  }
0x1e: {  	[tilespmem:$0x4120] =	vst v1  }
0x1f: {  	[tilespmem:$0x4130] =	vst v1  }
0x20: {  	[tilespmem:$0x4140] =	vst v1  }
0x21: {  	[tilespmem:$0x4150] =	vst v1  }
0x22: {  	[tilespmem:$0x4160] =	vst v1  }
0x23: {  	[tilespmem:$0x4170] =	vst v1  }
0x24: {  	[tilespmem:$0x4180] =	vst v1  }
0x25: {  	[tilespmem:$0x4190] =	vst v1  }
0x26: {  	[tilespmem:$0x41A0] =	vst v1  }
0x27: {  	[tilespmem:$0x41B0] =	vst v1  }
0x28: {  	[tilespmem:$0x41C0] =	vst v1  }
0x29: {  	[tilespmem:$0x41D0] =	vst v1  }
0x2a: {  	[tilespmem:$0x41E0] =	vst v1  }
0x2b: {  	[tilespmem:$0x41F0] =	vst v1  }
0x2c: {  	[tilespmem:$0x4200] =	vst v1  }
0x2d: {  	[tilespmem:$0x4210] =	vst v1  }
0x2e: {  	[tilespmem:$0x4220] =	vst v1  }
0x2f: {  	[tilespmem:$0x4230] =	vst v1  }
0x30: {  	[tilespmem:$0x4240] =	vst v1  }
0x31: {  	[tilespmem:$0x4250] =	vst v1  }
0x32: {  	[tilespmem:$0x4260] =	vst v1  }
0x33: {  	[tilespmem:$0x4270] =	vst v1  }
0x34: {  	[tilespmem:$0x4280] =	vst v1  }
0x35: {  	[tilespmem:$0x4290] =	vst v1  }
0x36: {  	[tilespmem:$0x42A0] =	vst v1  }
0x37: {  	[tilespmem:$0x42B0] =	vst v1  }
0x38: {  	[tilespmem:$0x42C0] =	vst v1  }
0x39: {  	[tilespmem:$0x42D0] =	vst v1  }
0x3a: {  	[tilespmem:$0x42E0] =	vst v1  }
0x3b: {  	[tilespmem:$0x42F0] =	vst v1  }
0x3c: {  	[spmem:s4] =	stream.linear.scatter [tilespmem:s8], [sflag:$0x1], $0x280, $0x38;
	[tilespmem:$0x4580] =	vst v63  }
0x3d: {  	_ =	swait.ge [sflag:s9], $0x280  }
0x3e: {  	[sflag:s9] =	ssyncset.done $0x0  }
0x3f: {  	[sflag:s9] =	ssyncadd.s32 $0xFFFFFD80  }
0x40: {  	[bflag:$0x0] =	sbarrier.arrive $0xFFFF  }
0x41: {  	[tilespmem:s3], [sflag:$0x1] =	stream.linear.gather [hbm4b:s5+s3], $0x3E80, $0x38;
	[tilespmem:$0x4580] =	vst v63  }
0x42: {  	_ =	swait.ge [sflag:s9], $0x3E80  }
0x43: {  	[sflag:s9] =	ssyncset.done $0x0  }
0x44: {  	s15 =	simm.s32 $0x0;
	[sflag:s9] =	ssyncadd.s32 $0xFFFFC180  }
0x45: {  	[spmem:s2] =	stream.indirect.scatter.add.f32 [tilespmem:s11], [sflag:$0x1], $0x1, s15, s10, $0xb8;
	[tilespmem:$0x4580] =	vst v63  }
0x46: {  	_ =	swait.ge [sflag:s9], $0x50  }
0x47: {  	s15 =	simm.s32 $0x200;
	[sflag:s9] =	ssyncset.done $0x0  }
.LBB2_2:
0x48: {  	s16 =	sshra.s32 s15, $0x2;
	[sflag:s9] =	ssyncadd.s32 $0xFFFFFFB0;
	p0 =	sne.s32 s15, $0xF800  }
0x49: {  	[spmem:s2] =	stream.indirect.scatter.add.f32 [tilespmem:s11], [sflag:$0x1], $0x1, s16, s10, $0xb8;
	[tilespmem:$0x4580] =	vst v63  }
.Ltmp0:
0x4a: {  	_ = 	snop;
	(pc) =	sbr.rel @p0 .LBB2_2-.Ltmp0, $4  }
0x4b: {  	_ = 	snop  }
0x4c: {  	s15 =	sadd.s32 $0x200, s15  }
0x4d: {  	_ =	swait.ge [sflag:s9], $0x50  }
0x4e: {  	[sflag:s9] =	ssyncset.done $0x0  }
0x4f: {  	[sflag:s9] =	ssyncadd.s32 $0xFFFFFFB0  }
0x50: {  	[bflag:$0x0] =	sbarrier.arrive $0xFFFF  }
0x51: {  	[tilespmem:s8], [sflag:$0x1] =	stream.linear.gather [spmem:s4], $0x280, $0x38;
	[tilespmem:$0x4580] =	vst v63  }
0x52: {  	s14 =	sadd.s32 $0x1, s14;
	_ =	swait.ge [sflag:s9], $0x280  }
0x53: {  	p0 =	sne.s32 s14, s7;
	[sflag:s9] =	ssyncset.done $0x0  }
.Ltmp1:
0x54: {  	[sflag:s9] =	ssyncadd.s32 $0xFFFFFD80;
	(pc) =	sbr.rel @p0 .LBB2_1-.Ltmp1, $4  }
0x55: {  	[hbm4b:s6+s12] =	stream.strided.scatter [tilespmem:s8], [sflag:$0x1], $0x280, s13, s12, $0x38;
	[tilespmem:$0x4580] =	vst v63  }
0x56: {  	_ =	swait.ge [sflag:s9], $0x280  }
0x57: {  	[sflag:s9] =	ssyncset.done $0x0  }
0x58: {  	[sflag:s9] =	ssyncadd.s32 $0xFFFFFD80  }
0x59: {  	_ =	sfence.sel $0x180000  }
0x5a: {  	[bflag:$0x0] =	sbarrier.arrive $0xFFFF  }
0x5b: {  	p0 =	sne.s32 s1, $0x0;
	_ =	strace $0x90000047  }
0x5c: {  	s0 =	sadd.s32 @!p0 $0x100000, s0;
	[bflag:$0x2] =	sbarrier.arrive $0xFFFF  }
0x5d: {  	[sflag:s0] =	ssyncadd.tile.s32 @!p0 $0x1;
	_ =	shalt  }
.Lfunc_end2:
_tile_overlayer_lowered:
.L_overlay_start_2:
0x5e: {  	(tag) =	ssettag $0x2  }
0x5f: {  	s0 =	rddreg [dreg:$0x0];
	s2 =	stileid.u32  }
0x60: {  	s1 =	rddreg [dreg:$0x1];
	p0 =	sne.s32 s2, $0x0  }
0x61: {  	s3 =	rddreg [dreg:$0x2];
	[bflag:$0x3] =	sbarrier.arrive $0xFFFF;
	s2 =	simm.s32 @!p0 $0x1C01  }
0x62: {  	[timem:s3], [sflag:s2] =	dma.local @!p0 [hbm:s0], s1  }
0x63: {  	s0 =	simm.s32 @!p0 $0x1  }
0x64: {  	_ =	swait.ge @!p0 [sflag:s0], s1  }
0x65: {  	s1 =	ssub.s32 @!p0 $0x0, s1;
	[sflag:s0] =	ssyncset.done @!p0 $0x0  }
0x66: {  	[sflag:s0] =	ssyncadd.s32 @!p0 s1  }
0x67: {  	[bflag:$0x3] =	sbarrier.arrive $0xFFFF  }
0x68: {  	_ =	shalt  }

</sc_bundles>
